<compile_context>
chip_gen: v7x
topology: tpu7x:2x2x1
jax: 0.10.2.dev20260603
libtpu: 0.0.44.dev20260713+nightly
codegen_flags: <defaults>
</compile_context>

<pallas_src>
import functools

import jax
import jax.numpy as jnp
from jax import lax
from jax.experimental import pallas as pl
from jax.experimental.pallas import tpu as pltpu
from jax.experimental.pallas import tpu_sc as plsc

TOPK = 8
NE = 64
D = 2048
NT = 16384

NC = 2
NS = 16
L = 16
NW = NC * NS
TPW = NT // NW
NG = TPW // L

BT = 512

_NEG = -1e30

_BATCHER8 = ((0, 1), (2, 3), (4, 5), (6, 7),
             (0, 2), (1, 3), (4, 6), (5, 7),
             (1, 2), (5, 6),
             (0, 4), (1, 5), (2, 6), (3, 7),
             (2, 4), (3, 5),
             (1, 2), (3, 4), (5, 6))
_BITONIC8 = ((0, 4), (1, 5), (2, 6), (3, 7),
             (0, 2), (1, 3), (4, 6), (5, 7),
             (0, 1), (2, 3), (4, 5), (6, 7))


def _mm_body(x_ref, w_ref, out_ref, inv_ref):
    lt = lax.dot_general(
        w_ref[...], x_ref[...], (((1,), (1,)), ((), ())),
        preferred_element_type=jnp.float32)
    out_ref[...] = lt
    inv_ref[...] = 1.0 / jnp.sum(jnp.exp(lt), axis=0, keepdims=True)


def _logits_t(x, w_g):
    return pl.pallas_call(
        _mm_body,
        grid=(NT // BT,),
        in_specs=[
            pl.BlockSpec((BT, D), lambda i: (i, 0)),
            pl.BlockSpec((NE, D), lambda i: (0, 0)),
        ],
        out_specs=[
            pl.BlockSpec((NE, BT), lambda i: (0, i)),
            pl.BlockSpec((1, BT), lambda i: (0, i)),
        ],
        out_shape=[
            jax.ShapeDtypeStruct((NE, NT), jnp.float32),
            jax.ShapeDtypeStruct((1, NT), jnp.float32),
        ],
    )(x, w_g)


def _cmpx(v, i, a, b):
    gt = v[b] > v[a]
    va = jnp.maximum(v[a], v[b])
    vb = jnp.minimum(v[a], v[b])
    ia = jnp.where(gt, i[b], i[a])
    ib = jnp.where(gt, i[a], i[b])
    v[a], v[b], i[a], i[b] = va, vb, ia, ib


_MESH = plsc.VectorSubcoreMesh(core_axis_name="c", subcore_axis_name="s")


@functools.partial(
    pl.kernel,
    mesh=_MESH,
    out_type=(
        jax.ShapeDtypeStruct((TOPK, NT), jnp.float32),
        jax.ShapeDtypeStruct((TOPK, NT), jnp.int32),
    ),
    scratch_types=[
        pltpu.VMEM((NE, TPW), jnp.float32),
        pltpu.VMEM((1, TPW), jnp.float32),
        pltpu.VMEM((TOPK, TPW), jnp.float32),
        pltpu.VMEM((TOPK, TPW), jnp.int32),
    ],
)
def _sc_topk(lt_hbm, inv_hbm, vals_hbm, idx_hbm, lbuf, invbuf, vbuf, ibuf):
    wid = lax.axis_index("s") * NC + lax.axis_index("c")
    base = wid * TPW
    pltpu.sync_copy(lt_hbm.at[:, pl.ds(base, TPW)], lbuf)
    pltpu.sync_copy(inv_hbm.at[:, pl.ds(base, TPW)], invbuf)

    def group(g, carry):
        tok0 = pl.multiple_of(g * L, L)
        sl = pl.ds(tok0, L)
        vals = [jnp.full((L,), _NEG, jnp.float32) for _ in range(TOPK)]
        idxs = [jnp.zeros((L,), jnp.int32) for _ in range(TOPK)]
        for b0 in range(0, NE, 8):
            bv = [lbuf[b0 + j, sl] for j in range(8)]
            bi = [jnp.full((L,), b0 + j, jnp.int32) for j in range(8)]
            for a, b in _BATCHER8:
                _cmpx(bv, bi, a, b)
            cv, ci = [], []
            for j in range(TOPK):
                gt = bv[7 - j] > vals[j]
                cv.append(jnp.where(gt, bv[7 - j], vals[j]))
                ci.append(jnp.where(gt, bi[7 - j], idxs[j]))
            for a, b in _BITONIC8:
                _cmpx(cv, ci, a, b)
            vals, idxs = cv, ci
        inv = invbuf[0, sl]
        for j in range(TOPK):
            vbuf[j, sl] = jnp.exp(vals[j]) * inv
            ibuf[j, sl] = idxs[j]
        return carry

    lax.fori_loop(0, NG, group, 0)
    pltpu.sync_copy(vbuf, vals_hbm.at[:, pl.ds(base, TPW)])
    pltpu.sync_copy(ibuf, idx_hbm.at[:, pl.ds(base, TPW)])


def kernel(x, W_g):
    lt, inv = _logits_t(x, W_g)
    vals_t, idx_t = _sc_topk(lt, inv)
    return vals_t.T, idx_t.T

# --- scband reference (transcript-rebuilt; emitter-appended) ---
"""Pipeline reference for scband-mo-egate-22436909154531 (READ-ONLY COPY).

The authoritative reference and input builder live on the scoring server;
editing this copy changes nothing except your own understanding.
"""

import jax, jax.numpy as jnp
import numpy as np

TOP_K = 8
NUM_EXPERTS = 64
D_HIDDEN = 2048
N_TOKENS = 16384

def setup_inputs(seed: int = 0) -> dict:
    key = jax.random.key(seed)
    k_x, k_w = jax.random.split(key)
    x = jax.random.normal(k_x, (N_TOKENS, D_HIDDEN), dtype=jnp.float32)
    # nn.Linear(d_hidden, num_experts, bias=False): weight shape [num_experts, d_hidden]
    bound = 1.0 / np.sqrt(D_HIDDEN)
    W_g = jax.random.uniform(k_w, (NUM_EXPERTS, D_HIDDEN), dtype=jnp.float32, minval=-bound, maxval=bound)
    return {"x": x, "W_g": W_g}

def reference(x, W_g):
    # logits = self.W_g(x)  -> x @ W_g.T
    logits = jnp.dot(x, W_g.T)
    # scores = logits.softmax(dim=-1)
    scores = jax.nn.softmax(logits, axis=-1)
    # torch.topk(scores, k=top_k, dim=-1, sorted=False) -> (values, indices)
    values, indices = jax.lax.top_k(scores, TOP_K)
    return values, indices

if __name__ == "__main__":
    import jax
    _d = setup_inputs()
    print(jax.jit(kernel)(*tuple(_d.values())))

</pallas_src>

<mosaic_0001>
#map = affine_map<(d0, d1) -> (0, 0)>
module attributes {stable_mosaic.version = 14 : i64} {
  func.func @_sc_topk(%arg0: i32, %arg1: i32, %arg2: memref<64x16384xf32, #tpu.memory_space<hbm>>, %arg3: memref<1x16384xf32, #tpu.memory_space<hbm>>, %arg4: memref<8x16384xf32, #tpu.memory_space<hbm>>, %arg5: memref<8x16384xi32, #tpu.memory_space<hbm>>, %arg6: memref<64x512xf32, #tpu.memory_space<vmem>>, %arg7: memref<1x512xf32, #tpu.memory_space<vmem>>, %arg8: memref<8x512xf32, #tpu.memory_space<vmem>>, %arg9: memref<8x512xi32, #tpu.memory_space<vmem>>) attributes {dimension_semantics = [#tpu.dimension_semantics<core_parallel>, #tpu.dimension_semantics<subcore_parallel>], iteration_bounds = array<i64: 2, 16>, scalar_prefetch = 0 : i64, scratch_operands = 4 : i64, tpu.core_type = #tpu.core_type<sc_vector_subcore>, window_params = [{transform_indices = #map}, {transform_indices = #map}, {transform_indices = #map}, {transform_indices = #map}]} {
    %mul3A = arith.constant 2 : i32
    %mul3A_0 = arith.muli %arg1, %mul3A : i32
    %add3A = arith.addi %mul3A_0, %arg0 : i32
    %mul3A_1 = arith.constant 512 : i32
    %mul3A_2 = arith.muli %add3A, %mul3A_1 : i32
    "tpu.region"() ({
      %run_scoped3A = tpu.sem_alloc : memref<!tpu.dma_semaphore, #tpu.memory_space<semaphore_mem>>
      %dma_start3A = arith.constant 0 : i32
      %dma_start3A_8 = tpu.memref_slice %arg2[%dma_start3A, %mul3A_2] : memref<64x16384xf32, #tpu.memory_space<hbm>> -> memref<64x512xf32, #tpu.memory_space<hbm>>
      %dma_start3A_9 = arith.constant 0 : i32
      %dma_start3A_10 = tpu.memref_slice %arg2[%dma_start3A_9, %mul3A_2] : memref<64x16384xf32, #tpu.memory_space<hbm>> -> memref<64x512xf32, #tpu.memory_space<hbm>>
      tpu.enqueue_dma source(%dma_start3A_10 : memref<64x512xf32, #tpu.memory_space<hbm>>) target(%arg6 : memref<64x512xf32, #tpu.memory_space<vmem>>) target_semaphore(%run_scoped3A : memref<!tpu.dma_semaphore, #tpu.memory_space<semaphore_mem>>)
      %dma_wait3A = arith.constant 0 : i32
      %dma_wait3A_11 = tpu.memref_slice %arg2[%dma_wait3A, %mul3A_2] : memref<64x16384xf32, #tpu.memory_space<hbm>> -> memref<64x512xf32, #tpu.memory_space<hbm>>
      %dma_wait3A_12 = arith.constant 0 : i32
      %dma_wait3A_13 = tpu.memref_slice %arg2[%dma_wait3A_12, %mul3A_2] : memref<64x16384xf32, #tpu.memory_space<hbm>> -> memref<64x512xf32, #tpu.memory_space<hbm>>
      tpu.wait_dma2 semaphore(%run_scoped3A : memref<!tpu.dma_semaphore, #tpu.memory_space<semaphore_mem>>) src(%dma_wait3A_13 : memref<64x512xf32, #tpu.memory_space<hbm>>) dst(%arg6 : memref<64x512xf32, #tpu.memory_space<vmem>>)
      tpu.yield
    }) : () -> ()
    "tpu.region"() ({
      %run_scoped3A = tpu.sem_alloc : memref<!tpu.dma_semaphore, #tpu.memory_space<semaphore_mem>>
      %dma_start3A = arith.constant 0 : i32
      %dma_start3A_8 = tpu.memref_slice %arg3[%dma_start3A, %mul3A_2] : memref<1x16384xf32, #tpu.memory_space<hbm>> -> memref<1x512xf32, #tpu.memory_space<hbm>>
      %dma_start3A_9 = arith.constant 0 : i32
      %dma_start3A_10 = tpu.memref_slice %arg3[%dma_start3A_9, %mul3A_2] : memref<1x16384xf32, #tpu.memory_space<hbm>> -> memref<1x512xf32, #tpu.memory_space<hbm>>
      tpu.enqueue_dma source(%dma_start3A_10 : memref<1x512xf32, #tpu.memory_space<hbm>>) target(%arg7 : memref<1x512xf32, #tpu.memory_space<vmem>>) target_semaphore(%run_scoped3A : memref<!tpu.dma_semaphore, #tpu.memory_space<semaphore_mem>>)
      %dma_wait3A = arith.constant 0 : i32
      %dma_wait3A_11 = tpu.memref_slice %arg3[%dma_wait3A, %mul3A_2] : memref<1x16384xf32, #tpu.memory_space<hbm>> -> memref<1x512xf32, #tpu.memory_space<hbm>>
      %dma_wait3A_12 = arith.constant 0 : i32
      %dma_wait3A_13 = tpu.memref_slice %arg3[%dma_wait3A_12, %mul3A_2] : memref<1x16384xf32, #tpu.memory_space<hbm>> -> memref<1x512xf32, #tpu.memory_space<hbm>>
      tpu.wait_dma2 semaphore(%run_scoped3A : memref<!tpu.dma_semaphore, #tpu.memory_space<semaphore_mem>>) src(%dma_wait3A_13 : memref<1x512xf32, #tpu.memory_space<hbm>>) dst(%arg7 : memref<1x512xf32, #tpu.memory_space<vmem>>)
      tpu.yield
    }) : () -> ()
    %scan3A = arith.constant 0 : i32
    %scan3A_3 = arith.constant 0 : i32
    %scan3A_4 = arith.constant 32 : i32
    %scan3A_5 = arith.addi %scan3A_3, %scan3A_4 : i32
    %scan3A_6 = arith.constant 1 : i32
    scf.for %scan3A_8 = %scan3A_3 to %scan3A_5 step %scan3A_6  : i32 {
      %mul3A_9 = arith.constant 16 : i32
      %mul3A_10 = arith.muli %scan3A_8, %mul3A_9 : i32
      %multiple_of3A = tpu.assume_multiple %mul3A_10, 16 : i32
      %broadcast_in_dim3A = arith.constant -1.000000e+30 : f32
      %broadcast_in_dim3A_11 = vector.broadcast %broadcast_in_dim3A : f32 to vector<16xf32>
      %broadcast_in_dim3A_12 = arith.constant -1.000000e+30 : f32
      %broadcast_in_dim3A_13 = vector.broadcast %broadcast_in_dim3A_12 : f32 to vector<16xf32>
      %broadcast_in_dim3A_14 = arith.constant -1.000000e+30 : f32
      %broadcast_in_dim3A_15 = vector.broadcast %broadcast_in_dim3A_14 : f32 to vector<16xf32>
      %broadcast_in_dim3A_16 = arith.constant -1.000000e+30 : f32
      %broadcast_in_dim3A_17 = vector.broadcast %broadcast_in_dim3A_16 : f32 to vector<16xf32>
      %broadcast_in_dim3A_18 = arith.constant -1.000000e+30 : f32
      %broadcast_in_dim3A_19 = vector.broadcast %broadcast_in_dim3A_18 : f32 to vector<16xf32>
      %broadcast_in_dim3A_20 = arith.constant -1.000000e+30 : f32
      %broadcast_in_dim3A_21 = vector.broadcast %broadcast_in_dim3A_20 : f32 to vector<16xf32>
      %broadcast_in_dim3A_22 = arith.constant -1.000000e+30 : f32
      %broadcast_in_dim3A_23 = vector.broadcast %broadcast_in_dim3A_22 : f32 to vector<16xf32>
      %broadcast_in_dim3A_24 = arith.constant -1.000000e+30 : f32
      %broadcast_in_dim3A_25 = vector.broadcast %broadcast_in_dim3A_24 : f32 to vector<16xf32>
      %broadcast_in_dim3A_26 = arith.constant 0 : i32
      %broadcast_in_dim3A_27 = vector.broadcast %broadcast_in_dim3A_26 : i32 to vector<16xi32>
      %broadcast_in_dim3A_28 = arith.constant 0 : i32
      %broadcast_in_dim3A_29 = vector.broadcast %broadcast_in_dim3A_28 : i32 to vector<16xi32>
      %broadcast_in_dim3A_30 = arith.constant 0 : i32
      %broadcast_in_dim3A_31 = vector.broadcast %broadcast_in_dim3A_30 : i32 to vector<16xi32>
      %broadcast_in_dim3A_32 = arith.constant 0 : i32
      %broadcast_in_dim3A_33 = vector.broadcast %broadcast_in_dim3A_32 : i32 to vector<16xi32>
      %broadcast_in_dim3A_34 = arith.constant 0 : i32
      %broadcast_in_dim3A_35 = vector.broadcast %broadcast_in_dim3A_34 : i32 to vector<16xi32>
      %broadcast_in_dim3A_36 = arith.constant 0 : i32
      %broadcast_in_dim3A_37 = vector.broadcast %broadcast_in_dim3A_36 : i32 to vector<16xi32>
      %broadcast_in_dim3A_38 = arith.constant 0 : i32
      %broadcast_in_dim3A_39 = vector.broadcast %broadcast_in_dim3A_38 : i32 to vector<16xi32>
      %broadcast_in_dim3A_40 = arith.constant 0 : i32
      %broadcast_in_dim3A_41 = vector.broadcast %broadcast_in_dim3A_40 : i32 to vector<16xi32>
      %get3A = arith.constant 0 : i32
      %get3A_42 = arith.index_cast %get3A : i32 to index
      %get3A_43 = arith.index_cast %multiple_of3A : i32 to index
      %get3A_44 = tpu.vector_load %arg6[%get3A_42, %get3A_43] {strides = array<i32>} : memref<64x512xf32, #tpu.memory_space<vmem>>, vector<1x16xf32>,
      %get3A_45 = vector.shape_cast %get3A_44 : vector<1x16xf32> to vector<16xf32>
      %get3A_46 = arith.constant 1 : i32
      %get3A_47 = arith.index_cast %get3A_46 : i32 to index
      %get3A_48 = arith.index_cast %multiple_of3A : i32 to index
      %get3A_49 = tpu.vector_load %arg6[%get3A_47, %get3A_48] {strides = array<i32>} : memref<64x512xf32, #tpu.memory_space<vmem>>, vector<1x16xf32>,
      %get3A_50 = vector.shape_cast %get3A_49 : vector<1x16xf32> to vector<16xf32>
      %get3A_51 = arith.constant 2 : i32
      %get3A_52 = arith.index_cast %get3A_51 : i32 to index
      %get3A_53 = arith.index_cast %multiple_of3A : i32 to index
      %get3A_54 = tpu.vector_load %arg6[%get3A_52, %get3A_53] {strides = array<i32>} : memref<64x512xf32, #tpu.memory_space<vmem>>, vector<1x16xf32>,
      %get3A_55 = vector.shape_cast %get3A_54 : vector<1x16xf32> to vector<16xf32>
      %get3A_56 = arith.constant 3 : i32
      %get3A_57 = arith.index_cast %get3A_56 : i32 to index
      %get3A_58 = arith.index_cast %multiple_of3A : i32 to index
      %get3A_59 = tpu.vector_load %arg6[%get3A_57, %get3A_58] {strides = array<i32>} : memref<64x512xf32, #tpu.memory_space<vmem>>, vector<1x16xf32>,
      %get3A_60 = vector.shape_cast %get3A_59 : vector<1x16xf32> to vector<16xf32>
      %get3A_61 = arith.constant 4 : i32
      %get3A_62 = arith.index_cast %get3A_61 : i32 to index
      %get3A_63 = arith.index_cast %multiple_of3A : i32 to index
      %get3A_64 = tpu.vector_load %arg6[%get3A_62, %get3A_63] {strides = array<i32>} : memref<64x512xf32, #tpu.memory_space<vmem>>, vector<1x16xf32>,
      %get3A_65 = vector.shape_cast %get3A_64 : vector<1x16xf32> to vector<16xf32>
      %get3A_66 = arith.constant 5 : i32
      %get3A_67 = arith.index_cast %get3A_66 : i32 to index
      %get3A_68 = arith.index_cast %multiple_of3A : i32 to index
      %get3A_69 = tpu.vector_load %arg6[%get3A_67, %get3A_68] {strides = array<i32>} : memref<64x512xf32, #tpu.memory_space<vmem>>, vector<1x16xf32>,
      %get3A_70 = vector.shape_cast %get3A_69 : vector<1x16xf32> to vector<16xf32>
      %get3A_71 = arith.constant 6 : i32
      %get3A_72 = arith.index_cast %get3A_71 : i32 to index
      %get3A_73 = arith.index_cast %multiple_of3A : i32 to index
      %get3A_74 = tpu.vector_load %arg6[%get3A_72, %get3A_73] {strides = array<i32>} : memref<64x512xf32, #tpu.memory_space<vmem>>, vector<1x16xf32>,
      %get3A_75 = vector.shape_cast %get3A_74 : vector<1x16xf32> to vector<16xf32>
      %get3A_76 = arith.constant 7 : i32
      %get3A_77 = arith.index_cast %get3A_76 : i32 to index
      %get3A_78 = arith.index_cast %multiple_of3A : i32 to index
      %get3A_79 = tpu.vector_load %arg6[%get3A_77, %get3A_78] {strides = array<i32>} : memref<64x512xf32, #tpu.memory_space<vmem>>, vector<1x16xf32>,
      %get3A_80 = vector.shape_cast %get3A_79 : vector<1x16xf32> to vector<16xf32>
      %broadcast_in_dim3A_81 = arith.constant 0 : i32
      %broadcast_in_dim3A_82 = vector.broadcast %broadcast_in_dim3A_81 : i32 to vector<16xi32>
      %broadcast_in_dim3A_83 = arith.constant 1 : i32
      %broadcast_in_dim3A_84 = vector.broadcast %broadcast_in_dim3A_83 : i32 to vector<16xi32>
      %broadcast_in_dim3A_85 = arith.constant 2 : i32
      %broadcast_in_dim3A_86 = vector.broadcast %broadcast_in_dim3A_85 : i32 to vector<16xi32>
      %broadcast_in_dim3A_87 = arith.constant 3 : i32
      %broadcast_in_dim3A_88 = vector.broadcast %broadcast_in_dim3A_87 : i32 to vector<16xi32>
      %broadcast_in_dim3A_89 = arith.constant 4 : i32
      %broadcast_in_dim3A_90 = vector.broadcast %broadcast_in_dim3A_89 : i32 to vector<16xi32>
      %broadcast_in_dim3A_91 = arith.constant 5 : i32
      %broadcast_in_dim3A_92 = vector.broadcast %broadcast_in_dim3A_91 : i32 to vector<16xi32>
      %broadcast_in_dim3A_93 = arith.constant 6 : i32
      %broadcast_in_dim3A_94 = vector.broadcast %broadcast_in_dim3A_93 : i32 to vector<16xi32>
      %broadcast_in_dim3A_95 = arith.constant 7 : i32
      %broadcast_in_dim3A_96 = vector.broadcast %broadcast_in_dim3A_95 : i32 to vector<16xi32>
      %gt3A = arith.cmpf ogt, %get3A_50, %get3A_45 : vector<16xf32>
      %max3A = arith.maximumf %get3A_45, %get3A_50 : vector<16xf32>
      %min3A = arith.minimumf %get3A_45, %get3A_50 : vector<16xf32>
      %select_n3A = arith.select %gt3A, %broadcast_in_dim3A_84, %broadcast_in_dim3A_82 : vector<16xi1>, vector<16xi32>
      %select_n3A_97 = arith.select %gt3A, %broadcast_in_dim3A_82, %broadcast_in_dim3A_84 : vector<16xi1>, vector<16xi32>
      %gt3A_98 = arith.cmpf ogt, %get3A_60, %get3A_55 : vector<16xf32>
      %max3A_99 = arith.maximumf %get3A_55, %get3A_60 : vector<16xf32>
      %min3A_100 = arith.minimumf %get3A_55, %get3A_60 : vector<16xf32>
      %select_n3A_101 = arith.select %gt3A_98, %broadcast_in_dim3A_88, %broadcast_in_dim3A_86 : vector<16xi1>, vector<16xi32>
      %select_n3A_102 = arith.select %gt3A_98, %broadcast_in_dim3A_86, %broadcast_in_dim3A_88 : vector<16xi1>, vector<16xi32>
      %gt3A_103 = arith.cmpf ogt, %get3A_70, %get3A_65 : vector<16xf32>
      %max3A_104 = arith.maximumf %get3A_65, %get3A_70 : vector<16xf32>
      %min3A_105 = arith.minimumf %get3A_65, %get3A_70 : vector<16xf32>
      %select_n3A_106 = arith.select %gt3A_103, %broadcast_in_dim3A_92, %broadcast_in_dim3A_90 : vector<16xi1>, vector<16xi32>
      %select_n3A_107 = arith.select %gt3A_103, %broadcast_in_dim3A_90, %broadcast_in_dim3A_92 : vector<16xi1>, vector<16xi32>
      %gt3A_108 = arith.cmpf ogt, %get3A_80, %get3A_75 : vector<16xf32>
      %max3A_109 = arith.maximumf %get3A_75, %get3A_80 : vector<16xf32>
      %min3A_110 = arith.minimumf %get3A_75, %get3A_80 : vector<16xf32>
      %select_n3A_111 = arith.select %gt3A_108, %broadcast_in_dim3A_96, %broadcast_in_dim3A_94 : vector<16xi1>, vector<16xi32>
      %select_n3A_112 = arith.select %gt3A_108, %broadcast_in_dim3A_94, %broadcast_in_dim3A_96 : vector<16xi1>, vector<16xi32>
      %gt3A_113 = arith.cmpf ogt, %max3A_99, %max3A : vector<16xf32>
      %max3A_114 = arith.maximumf %max3A, %max3A_99 : vector<16xf32>
      %min3A_115 = arith.minimumf %max3A, %max3A_99 : vector<16xf32>
      %select_n3A_116 = arith.select %gt3A_113, %select_n3A_101, %select_n3A : vector<16xi1>, vector<16xi32>
      %select_n3A_117 = arith.select %gt3A_113, %select_n3A, %select_n3A_101 : vector<16xi1>, vector<16xi32>
      %gt3A_118 = arith.cmpf ogt, %min3A_100, %min3A : vector<16xf32>
      %max3A_119 = arith.maximumf %min3A, %min3A_100 : vector<16xf32>
      %min3A_120 = arith.minimumf %min3A, %min3A_100 : vector<16xf32>
      %select_n3A_121 = arith.select %gt3A_118, %select_n3A_102, %select_n3A_97 : vector<16xi1>, vector<16xi32>
      %select_n3A_122 = arith.select %gt3A_118, %select_n3A_97, %select_n3A_102 : vector<16xi1>, vector<16xi32>
      %gt3A_123 = arith.cmpf ogt, %max3A_109, %max3A_104 : vector<16xf32>
      %max3A_124 = arith.maximumf %max3A_104, %max3A_109 : vector<16xf32>
      %min3A_125 = arith.minimumf %max3A_104, %max3A_109 : vector<16xf32>
      %select_n3A_126 = arith.select %gt3A_123, %select_n3A_111, %select_n3A_106 : vector<16xi1>, vector<16xi32>
      %select_n3A_127 = arith.select %gt3A_123, %select_n3A_106, %select_n3A_111 : vector<16xi1>, vector<16xi32>
      %gt3A_128 = arith.cmpf ogt, %min3A_110, %min3A_105 : vector<16xf32>
      %max3A_129 = arith.maximumf %min3A_105, %min3A_110 : vector<16xf32>
      %min3A_130 = arith.minimumf %min3A_105, %min3A_110 : vector<16xf32>
      %select_n3A_131 = arith.select %gt3A_128, %select_n3A_112, %select_n3A_107 : vector<16xi1>, vector<16xi32>
      %select_n3A_132 = arith.select %gt3A_128, %select_n3A_107, %select_n3A_112 : vector<16xi1>, vector<16xi32>
      %gt3A_133 = arith.cmpf ogt, %min3A_115, %max3A_119 : vector<16xf32>
      %max3A_134 = arith.maximumf %max3A_119, %min3A_115 : vector<16xf32>
      %min3A_135 = arith.minimumf %max3A_119, %min3A_115 : vector<16xf32>
      %select_n3A_136 = arith.select %gt3A_133, %select_n3A_117, %select_n3A_121 : vector<16xi1>, vector<16xi32>
      %select_n3A_137 = arith.select %gt3A_133, %select_n3A_121, %select_n3A_117 : vector<16xi1>, vector<16xi32>
      %gt3A_138 = arith.cmpf ogt, %min3A_125, %max3A_129 : vector<16xf32>
      %max3A_139 = arith.maximumf %max3A_129, %min3A_125 : vector<16xf32>
      %min3A_140 = arith.minimumf %max3A_129, %min3A_125 : vector<16xf32>
      %select_n3A_141 = arith.select %gt3A_138, %select_n3A_127, %select_n3A_131 : vector<16xi1>, vector<16xi32>
      %select_n3A_142 = arith.select %gt3A_138, %select_n3A_131, %select_n3A_127 : vector<16xi1>, vector<16xi32>
      %gt3A_143 = arith.cmpf ogt, %max3A_124, %max3A_114 : vector<16xf32>
      %max3A_144 = arith.maximumf %max3A_114, %max3A_124 : vector<16xf32>
      %min3A_145 = arith.minimumf %max3A_114, %max3A_124 : vector<16xf32>
      %select_n3A_146 = arith.select %gt3A_143, %select_n3A_126, %select_n3A_116 : vector<16xi1>, vector<16xi32>
      %select_n3A_147 = arith.select %gt3A_143, %select_n3A_116, %select_n3A_126 : vector<16xi1>, vector<16xi32>
      %gt3A_148 = arith.cmpf ogt, %max3A_139, %max3A_134 : vector<16xf32>
      %max3A_149 = arith.maximumf %max3A_134, %max3A_139 : vector<16xf32>
      %min3A_150 = arith.minimumf %max3A_134, %max3A_139 : vector<16xf32>
      %select_n3A_151 = arith.select %gt3A_148, %select_n3A_141, %select_n3A_136 : vector<16xi1>, vector<16xi32>
      %select_n3A_152 = arith.select %gt3A_148, %select_n3A_136, %select_n3A_141 : vector<16xi1>, vector<16xi32>
      %gt3A_153 = arith.cmpf ogt, %min3A_140, %min3A_135 : vector<16xf32>
      %max3A_154 = arith.maximumf %min3A_135, %min3A_140 : vector<16xf32>
      %min3A_155 = arith.minimumf %min3A_135, %min3A_140 : vector<16xf32>
      %select_n3A_156 = arith.select %gt3A_153, %select_n3A_142, %select_n3A_137 : vector<16xi1>, vector<16xi32>
      %select_n3A_157 = arith.select %gt3A_153, %select_n3A_137, %select_n3A_142 : vector<16xi1>, vector<16xi32>
      %gt3A_158 = arith.cmpf ogt, %min3A_130, %min3A_120 : vector<16xf32>
      %max3A_159 = arith.maximumf %min3A_120, %min3A_130 : vector<16xf32>
      %min3A_160 = arith.minimumf %min3A_120, %min3A_130 : vector<16xf32>
      %select_n3A_161 = arith.select %gt3A_158, %select_n3A_132, %select_n3A_122 : vector<16xi1>, vector<16xi32>
      %select_n3A_162 = arith.select %gt3A_158, %select_n3A_122, %select_n3A_132 : vector<16xi1>, vector<16xi32>
      %gt3A_163 = arith.cmpf ogt, %min3A_145, %max3A_154 : vector<16xf32>
      %max3A_164 = arith.maximumf %max3A_154, %min3A_145 : vector<16xf32>
      %min3A_165 = arith.minimumf %max3A_154, %min3A_145 : vector<16xf32>
      %select_n3A_166 = arith.select %gt3A_163, %select_n3A_147, %select_n3A_156 : vector<16xi1>, vector<16xi32>
      %select_n3A_167 = arith.select %gt3A_163, %select_n3A_156, %select_n3A_147 : vector<16xi1>, vector<16xi32>
      %gt3A_168 = arith.cmpf ogt, %min3A_150, %max3A_159 : vector<16xf32>
      %max3A_169 = arith.maximumf %max3A_159, %min3A_150 : vector<16xf32>
      %min3A_170 = arith.minimumf %max3A_159, %min3A_150 : vector<16xf32>
      %select_n3A_171 = arith.select %gt3A_168, %select_n3A_152, %select_n3A_161 : vector<16xi1>, vector<16xi32>
      %select_n3A_172 = arith.select %gt3A_168, %select_n3A_161, %select_n3A_152 : vector<16xi1>, vector<16xi32>
      %gt3A_173 = arith.cmpf ogt, %max3A_164, %max3A_149 : vector<16xf32>
      %max3A_174 = arith.maximumf %max3A_149, %max3A_164 : vector<16xf32>
      %min3A_175 = arith.minimumf %max3A_149, %max3A_164 : vector<16xf32>
      %select_n3A_176 = arith.select %gt3A_173, %select_n3A_166, %select_n3A_151 : vector<16xi1>, vector<16xi32>
      %select_n3A_177 = arith.select %gt3A_173, %select_n3A_151, %select_n3A_166 : vector<16xi1>, vector<16xi32>
      %gt3A_178 = arith.cmpf ogt, %min3A_165, %max3A_169 : vector<16xf32>
      %max3A_179 = arith.maximumf %max3A_169, %min3A_165 : vector<16xf32>
      %min3A_180 = arith.minimumf %max3A_169, %min3A_165 : vector<16xf32>
      %select_n3A_181 = arith.select %gt3A_178, %select_n3A_167, %select_n3A_171 : vector<16xi1>, vector<16xi32>
      %select_n3A_182 = arith.select %gt3A_178, %select_n3A_171, %select_n3A_167 : vector<16xi1>, vector<16xi32>
      %gt3A_183 = arith.cmpf ogt, %min3A_155, %min3A_170 : vector<16xf32>
      %max3A_184 = arith.maximumf %min3A_170, %min3A_155 : vector<16xf32>
      %min3A_185 = arith.minimumf %min3A_170, %min3A_155 : vector<16xf32>
      %select_n3A_186 = arith.select %gt3A_183, %select_n3A_157, %select_n3A_172 : vector<16xi1>, vector<16xi32>
      %select_n3A_187 = arith.select %gt3A_183, %select_n3A_172, %select_n3A_157 : vector<16xi1>, vector<16xi32>
      %gt3A_188 = arith.cmpf ogt, %min3A_160, %broadcast_in_dim3A_11 : vector<16xf32>
      %select_n3A_189 = arith.select %gt3A_188, %min3A_160, %broadcast_in_dim3A_11 : vector<16xi1>, vector<16xf32>
      %select_n3A_190 = arith.select %gt3A_188, %select_n3A_162, %broadcast_in_dim3A_27 : vector<16xi1>, vector<16xi32>
      %gt3A_191 = arith.cmpf ogt, %min3A_185, %broadcast_in_dim3A_13 : vector<16xf32>
      %select_n3A_192 = arith.select %gt3A_191, %min3A_185, %broadcast_in_dim3A_13 : vector<16xi1>, vector<16xf32>
      %select_n3A_193 = arith.select %gt3A_191, %select_n3A_187, %broadcast_in_dim3A_29 : vector<16xi1>, vector<16xi32>
      %gt3A_194 = arith.cmpf ogt, %max3A_184, %broadcast_in_dim3A_15 : vector<16xf32>
      %select_n3A_195 = arith.select %gt3A_194, %max3A_184, %broadcast_in_dim3A_15 : vector<16xi1>, vector<16xf32>
      %select_n3A_196 = arith.select %gt3A_194, %select_n3A_186, %broadcast_in_dim3A_31 : vector<16xi1>, vector<16xi32>
      %gt3A_197 = arith.cmpf ogt, %min3A_180, %broadcast_in_dim3A_17 : vector<16xf32>
      %select_n3A_198 = arith.select %gt3A_197, %min3A_180, %broadcast_in_dim3A_17 : vector<16xi1>, vector<16xf32>
      %select_n3A_199 = arith.select %gt3A_197, %select_n3A_182, %broadcast_in_dim3A_33 : vector<16xi1>, vector<16xi32>
      %gt3A_200 = arith.cmpf ogt, %max3A_179, %broadcast_in_dim3A_19 : vector<16xf32>
      %select_n3A_201 = arith.select %gt3A_200, %max3A_179, %broadcast_in_dim3A_19 : vector<16xi1>, vector<16xf32>
      %select_n3A_202 = arith.select %gt3A_200, %select_n3A_181, %broadcast_in_dim3A_35 : vector<16xi1>, vector<16xi32>
      %gt3A_203 = arith.cmpf ogt, %min3A_175, %broadcast_in_dim3A_21 : vector<16xf32>
      %select_n3A_204 = arith.select %gt3A_203, %min3A_175, %broadcast_in_dim3A_21 : vector<16xi1>, vector<16xf32>
      %select_n3A_205 = arith.select %gt3A_203, %select_n3A_177, %broadcast_in_dim3A_37 : vector<16xi1>, vector<16xi32>
      %gt3A_206 = arith.cmpf ogt, %max3A_174, %broadcast_in_dim3A_23 : vector<16xf32>
      %select_n3A_207 = arith.select %gt3A_206, %max3A_174, %broadcast_in_dim3A_23 : vector<16xi1>, vector<16xf32>
      %select_n3A_208 = arith.select %gt3A_206, %select_n3A_176, %broadcast_in_dim3A_39 : vector<16xi1>, vector<16xi32>
      %gt3A_209 = arith.cmpf ogt, %max3A_144, %broadcast_in_dim3A_25 : vector<16xf32>
      %select_n3A_210 = arith.select %gt3A_209, %max3A_144, %broadcast_in_dim3A_25 : vector<16xi1>, vector<16xf32>
      %select_n3A_211 = arith.select %gt3A_209, %select_n3A_146, %broadcast_in_dim3A_41 : vector<16xi1>, vector<16xi32>
      %gt3A_212 = arith.cmpf ogt, %select_n3A_201, %select_n3A_189 : vector<16xf32>
      %max3A_213 = arith.maximumf %select_n3A_189, %select_n3A_201 : vector<16xf32>
      %min3A_214 = arith.minimumf %select_n3A_189, %select_n3A_201 : vector<16xf32>
      %select_n3A_215 = arith.select %gt3A_212, %select_n3A_202, %select_n3A_190 : vector<16xi1>, vector<16xi32>
      %select_n3A_216 = arith.select %gt3A_212, %select_n3A_190, %select_n3A_202 : vector<16xi1>, vector<16xi32>
      %gt3A_217 = arith.cmpf ogt, %select_n3A_204, %select_n3A_192 : vector<16xf32>
      %max3A_218 = arith.maximumf %select_n3A_192, %select_n3A_204 : vector<16xf32>
      %min3A_219 = arith.minimumf %select_n3A_192, %select_n3A_204 : vector<16xf32>
      %select_n3A_220 = arith.select %gt3A_217, %select_n3A_205, %select_n3A_193 : vector<16xi1>, vector<16xi32>
      %select_n3A_221 = arith.select %gt3A_217, %select_n3A_193, %select_n3A_205 : vector<16xi1>, vector<16xi32>
      %gt3A_222 = arith.cmpf ogt, %select_n3A_207, %select_n3A_195 : vector<16xf32>
      %max3A_223 = arith.maximumf %select_n3A_195, %select_n3A_207 : vector<16xf32>
      %min3A_224 = arith.minimumf %select_n3A_195, %select_n3A_207 : vector<16xf32>
      %select_n3A_225 = arith.select %gt3A_222, %select_n3A_208, %select_n3A_196 : vector<16xi1>, vector<16xi32>
      %select_n3A_226 = arith.select %gt3A_222, %select_n3A_196, %select_n3A_208 : vector<16xi1>, vector<16xi32>
      %gt3A_227 = arith.cmpf ogt, %select_n3A_210, %select_n3A_198 : vector<16xf32>
      %max3A_228 = arith.maximumf %select_n3A_198, %select_n3A_210 : vector<16xf32>
      %min3A_229 = arith.minimumf %select_n3A_198, %select_n3A_210 : vector<16xf32>
      %select_n3A_230 = arith.select %gt3A_227, %select_n3A_211, %select_n3A_199 : vector<16xi1>, vector<16xi32>
      %select_n3A_231 = arith.select %gt3A_227, %select_n3A_199, %select_n3A_211 : vector<16xi1>, vector<16xi32>
      %gt3A_232 = arith.cmpf ogt, %max3A_223, %max3A_213 : vector<16xf32>
      %max3A_233 = arith.maximumf %max3A_213, %max3A_223 : vector<16xf32>
      %min3A_234 = arith.minimumf %max3A_213, %max3A_223 : vector<16xf32>
      %select_n3A_235 = arith.select %gt3A_232, %select_n3A_225, %select_n3A_215 : vector<16xi1>, vector<16xi32>
      %select_n3A_236 = arith.select %gt3A_232, %select_n3A_215, %select_n3A_225 : vector<16xi1>, vector<16xi32>
      %gt3A_237 = arith.cmpf ogt, %max3A_228, %max3A_218 : vector<16xf32>
      %max3A_238 = arith.maximumf %max3A_218, %max3A_228 : vector<16xf32>
      %min3A_239 = arith.minimumf %max3A_218, %max3A_228 : vector<16xf32>
      %select_n3A_240 = arith.select %gt3A_237, %select_n3A_230, %select_n3A_220 : vector<16xi1>, vector<16xi32>
      %select_n3A_241 = arith.select %gt3A_237, %select_n3A_220, %select_n3A_230 : vector<16xi1>, vector<16xi32>
      %gt3A_242 = arith.cmpf ogt, %min3A_224, %min3A_214 : vector<16xf32>
      %max3A_243 = arith.maximumf %min3A_214, %min3A_224 : vector<16xf32>
      %min3A_244 = arith.minimumf %min3A_214, %min3A_224 : vector<16xf32>
      %select_n3A_245 = arith.select %gt3A_242, %select_n3A_226, %select_n3A_216 : vector<16xi1>, vector<16xi32>
      %select_n3A_246 = arith.select %gt3A_242, %select_n3A_216, %select_n3A_226 : vector<16xi1>, vector<16xi32>
      %gt3A_247 = arith.cmpf ogt, %min3A_229, %min3A_219 : vector<16xf32>
      %max3A_248 = arith.maximumf %min3A_219, %min3A_229 : vector<16xf32>
      %min3A_249 = arith.minimumf %min3A_219, %min3A_229 : vector<16xf32>
      %select_n3A_250 = arith.select %gt3A_247, %select_n3A_231, %select_n3A_221 : vector<16xi1>, vector<16xi32>
      %select_n3A_251 = arith.select %gt3A_247, %select_n3A_221, %select_n3A_231 : vector<16xi1>, vector<16xi32>
      %gt3A_252 = arith.cmpf ogt, %max3A_238, %max3A_233 : vector<16xf32>
      %max3A_253 = arith.maximumf %max3A_233, %max3A_238 : vector<16xf32>
      %min3A_254 = arith.minimumf %max3A_233, %max3A_238 : vector<16xf32>
      %select_n3A_255 = arith.select %gt3A_252, %select_n3A_240, %select_n3A_235 : vector<16xi1>, vector<16xi32>
      %select_n3A_256 = arith.select %gt3A_252, %select_n3A_235, %select_n3A_240 : vector<16xi1>, vector<16xi32>
      %gt3A_257 = arith.cmpf ogt, %min3A_239, %min3A_234 : vector<16xf32>
      %max3A_258 = arith.maximumf %min3A_234, %min3A_239 : vector<16xf32>
      %min3A_259 = arith.minimumf %min3A_234, %min3A_239 : vector<16xf32>
      %select_n3A_260 = arith.select %gt3A_257, %select_n3A_241, %select_n3A_236 : vector<16xi1>, vector<16xi32>
      %select_n3A_261 = arith.select %gt3A_257, %select_n3A_236, %select_n3A_241 : vector<16xi1>, vector<16xi32>
      %gt3A_262 = arith.cmpf ogt, %max3A_248, %max3A_243 : vector<16xf32>
      %max3A_263 = arith.maximumf %max3A_243, %max3A_248 : vector<16xf32>
      %min3A_264 = arith.minimumf %max3A_243, %max3A_248 : vector<16xf32>
      %select_n3A_265 = arith.select %gt3A_262, %select_n3A_250, %select_n3A_245 : vector<16xi1>, vector<16xi32>
      %select_n3A_266 = arith.select %gt3A_262, %select_n3A_245, %select_n3A_250 : vector<16xi1>, vector<16xi32>
      %gt3A_267 = arith.cmpf ogt, %min3A_249, %min3A_244 : vector<16xf32>
      %max3A_268 = arith.maximumf %min3A_244, %min3A_249 : vector<16xf32>
      %min3A_269 = arith.minimumf %min3A_244, %min3A_249 : vector<16xf32>
      %select_n3A_270 = arith.select %gt3A_267, %select_n3A_251, %select_n3A_246 : vector<16xi1>, vector<16xi32>
      %select_n3A_271 = arith.select %gt3A_267, %select_n3A_246, %select_n3A_251 : vector<16xi1>, vector<16xi32>
      %get3A_272 = arith.constant 8 : i32
      %get3A_273 = arith.index_cast %get3A_272 : i32 to index
      %get3A_274 = arith.index_cast %multiple_of3A : i32 to index
      %get3A_275 = tpu.vector_load %arg6[%get3A_273, %get3A_274] {strides = array<i32>} : memref<64x512xf32, #tpu.memory_space<vmem>>, vector<1x16xf32>,
      %get3A_276 = vector.shape_cast %get3A_275 : vector<1x16xf32> to vector<16xf32>
      %get3A_277 = arith.constant 9 : i32
      %get3A_278 = arith.index_cast %get3A_277 : i32 to index
      %get3A_279 = arith.index_cast %multiple_of3A : i32 to index
      %get3A_280 = tpu.vector_load %arg6[%get3A_278, %get3A_279] {strides = array<i32>} : memref<64x512xf32, #tpu.memory_space<vmem>>, vector<1x16xf32>,
      %get3A_281 = vector.shape_cast %get3A_280 : vector<1x16xf32> to vector<16xf32>
      %get3A_282 = arith.constant 10 : i32
      %get3A_283 = arith.index_cast %get3A_282 : i32 to index
      %get3A_284 = arith.index_cast %multiple_of3A : i32 to index
      %get3A_285 = tpu.vector_load %arg6[%get3A_283, %get3A_284] {strides = array<i32>} : memref<64x512xf32, #tpu.memory_space<vmem>>, vector<1x16xf32>,
      %get3A_286 = vector.shape_cast %get3A_285 : vector<1x16xf32> to vector<16xf32>
      %get3A_287 = arith.constant 11 : i32
      %get3A_288 = arith.index_cast %get3A_287 : i32 to index
      %get3A_289 = arith.index_cast %multiple_of3A : i32 to index
      %get3A_290 = tpu.vector_load %arg6[%get3A_288, %get3A_289] {strides = array<i32>} : memref<64x512xf32, #tpu.memory_space<vmem>>, vector<1x16xf32>,
      %get3A_291 = vector.shape_cast %get3A_290 : vector<1x16xf32> to vector<16xf32>
      %get3A_292 = arith.constant 12 : i32
      %get3A_293 = arith.index_cast %get3A_292 : i32 to index
      %get3A_294 = arith.index_cast %multiple_of3A : i32 to index
      %get3A_295 = tpu.vector_load %arg6[%get3A_293, %get3A_294] {strides = array<i32>} : memref<64x512xf32, #tpu.memory_space<vmem>>, vector<1x16xf32>,
      %get3A_296 = vector.shape_cast %get3A_295 : vector<1x16xf32> to vector<16xf32>
      %get3A_297 = arith.constant 13 : i32
      %get3A_298 = arith.index_cast %get3A_297 : i32 to index
      %get3A_299 = arith.index_cast %multiple_of3A : i32 to index
      %get3A_300 = tpu.vector_load %arg6[%get3A_298, %get3A_299] {strides = array<i32>} : memref<64x512xf32, #tpu.memory_space<vmem>>, vector<1x16xf32>,
      %get3A_301 = vector.shape_cast %get3A_300 : vector<1x16xf32> to vector<16xf32>
      %get3A_302 = arith.constant 14 : i32
      %get3A_303 = arith.index_cast %get3A_302 : i32 to index
      %get3A_304 = arith.index_cast %multiple_of3A : i32 to index
      %get3A_305 = tpu.vector_load %arg6[%get3A_303, %get3A_304] {strides = array<i32>} : memref<64x512xf32, #tpu.memory_space<vmem>>, vector<1x16xf32>,
      %get3A_306 = vector.shape_cast %get3A_305 : vector<1x16xf32> to vector<16xf32>
      %get3A_307 = arith.constant 15 : i32
      %get3A_308 = arith.index_cast %get3A_307 : i32 to index
      %get3A_309 = arith.index_cast %multiple_of3A : i32 to index
      %get3A_310 = tpu.vector_load %arg6[%get3A_308, %get3A_309] {strides = array<i32>} : memref<64x512xf32, #tpu.memory_space<vmem>>, vector<1x16xf32>,
      %get3A_311 = vector.shape_cast %get3A_310 : vector<1x16xf32> to vector<16xf32>
      %broadcast_in_dim3A_312 = arith.constant 8 : i32
      %broadcast_in_dim3A_313 = vector.broadcast %broadcast_in_dim3A_312 : i32 to vector<16xi32>
      %broadcast_in_dim3A_314 = arith.constant 9 : i32
      %broadcast_in_dim3A_315 = vector.broadcast %broadcast_in_dim3A_314 : i32 to vector<16xi32>
      %broadcast_in_dim3A_316 = arith.constant 10 : i32
      %broadcast_in_dim3A_317 = vector.broadcast %broadcast_in_dim3A_316 : i32 to vector<16xi32>
      %broadcast_in_dim3A_318 = arith.constant 11 : i32
      %broadcast_in_dim3A_319 = vector.broadcast %broadcast_in_dim3A_318 : i32 to vector<16xi32>
      %broadcast_in_dim3A_320 = arith.constant 12 : i32
      %broadcast_in_dim3A_321 = vector.broadcast %broadcast_in_dim3A_320 : i32 to vector<16xi32>
      %broadcast_in_dim3A_322 = arith.constant 13 : i32
      %broadcast_in_dim3A_323 = vector.broadcast %broadcast_in_dim3A_322 : i32 to vector<16xi32>
      %broadcast_in_dim3A_324 = arith.constant 14 : i32
      %broadcast_in_dim3A_325 = vector.broadcast %broadcast_in_dim3A_324 : i32 to vector<16xi32>
      %broadcast_in_dim3A_326 = arith.constant 15 : i32
      %broadcast_in_dim3A_327 = vector.broadcast %broadcast_in_dim3A_326 : i32 to vector<16xi32>
      %gt3A_328 = arith.cmpf ogt, %get3A_281, %get3A_276 : vector<16xf32>
      %max3A_329 = arith.maximumf %get3A_276, %get3A_281 : vector<16xf32>
      %min3A_330 = arith.minimumf %get3A_276, %get3A_281 : vector<16xf32>
      %select_n3A_331 = arith.select %gt3A_328, %broadcast_in_dim3A_315, %broadcast_in_dim3A_313 : vector<16xi1>, vector<16xi32>
      %select_n3A_332 = arith.select %gt3A_328, %broadcast_in_dim3A_313, %broadcast_in_dim3A_315 : vector<16xi1>, vector<16xi32>
      %gt3A_333 = arith.cmpf ogt, %get3A_291, %get3A_286 : vector<16xf32>
      %max3A_334 = arith.maximumf %get3A_286, %get3A_291 : vector<16xf32>
      %min3A_335 = arith.minimumf %get3A_286, %get3A_291 : vector<16xf32>
      %select_n3A_336 = arith.select %gt3A_333, %broadcast_in_dim3A_319, %broadcast_in_dim3A_317 : vector<16xi1>, vector<16xi32>
      %select_n3A_337 = arith.select %gt3A_333, %broadcast_in_dim3A_317, %broadcast_in_dim3A_319 : vector<16xi1>, vector<16xi32>
      %gt3A_338 = arith.cmpf ogt, %get3A_301, %get3A_296 : vector<16xf32>
      %max3A_339 = arith.maximumf %get3A_296, %get3A_301 : vector<16xf32>
      %min3A_340 = arith.minimumf %get3A_296, %get3A_301 : vector<16xf32>
      %select_n3A_341 = arith.select %gt3A_338, %broadcast_in_dim3A_323, %broadcast_in_dim3A_321 : vector<16xi1>, vector<16xi32>
      %select_n3A_342 = arith.select %gt3A_338, %broadcast_in_dim3A_321, %broadcast_in_dim3A_323 : vector<16xi1>, vector<16xi32>
      %gt3A_343 = arith.cmpf ogt, %get3A_311, %get3A_306 : vector<16xf32>
      %max3A_344 = arith.maximumf %get3A_306, %get3A_311 : vector<16xf32>
      %min3A_345 = arith.minimumf %get3A_306, %get3A_311 : vector<16xf32>
      %select_n3A_346 = arith.select %gt3A_343, %broadcast_in_dim3A_327, %broadcast_in_dim3A_325 : vector<16xi1>, vector<16xi32>
      %select_n3A_347 = arith.select %gt3A_343, %broadcast_in_dim3A_325, %broadcast_in_dim3A_327 : vector<16xi1>, vector<16xi32>
      %gt3A_348 = arith.cmpf ogt, %max3A_334, %max3A_329 : vector<16xf32>
      %max3A_349 = arith.maximumf %max3A_329, %max3A_334 : vector<16xf32>
      %min3A_350 = arith.minimumf %max3A_329, %max3A_334 : vector<16xf32>
      %select_n3A_351 = arith.select %gt3A_348, %select_n3A_336, %select_n3A_331 : vector<16xi1>, vector<16xi32>
      %select_n3A_352 = arith.select %gt3A_348, %select_n3A_331, %select_n3A_336 : vector<16xi1>, vector<16xi32>
      %gt3A_353 = arith.cmpf ogt, %min3A_335, %min3A_330 : vector<16xf32>
      %max3A_354 = arith.maximumf %min3A_330, %min3A_335 : vector<16xf32>
      %min3A_355 = arith.minimumf %min3A_330, %min3A_335 : vector<16xf32>
      %select_n3A_356 = arith.select %gt3A_353, %select_n3A_337, %select_n3A_332 : vector<16xi1>, vector<16xi32>
      %select_n3A_357 = arith.select %gt3A_353, %select_n3A_332, %select_n3A_337 : vector<16xi1>, vector<16xi32>
      %gt3A_358 = arith.cmpf ogt, %max3A_344, %max3A_339 : vector<16xf32>
      %max3A_359 = arith.maximumf %max3A_339, %max3A_344 : vector<16xf32>
      %min3A_360 = arith.minimumf %max3A_339, %max3A_344 : vector<16xf32>
      %select_n3A_361 = arith.select %gt3A_358, %select_n3A_346, %select_n3A_341 : vector<16xi1>, vector<16xi32>
      %select_n3A_362 = arith.select %gt3A_358, %select_n3A_341, %select_n3A_346 : vector<16xi1>, vector<16xi32>
      %gt3A_363 = arith.cmpf ogt, %min3A_345, %min3A_340 : vector<16xf32>
      %max3A_364 = arith.maximumf %min3A_340, %min3A_345 : vector<16xf32>
      %min3A_365 = arith.minimumf %min3A_340, %min3A_345 : vector<16xf32>
      %select_n3A_366 = arith.select %gt3A_363, %select_n3A_347, %select_n3A_342 : vector<16xi1>, vector<16xi32>
      %select_n3A_367 = arith.select %gt3A_363, %select_n3A_342, %select_n3A_347 : vector<16xi1>, vector<16xi32>
      %gt3A_368 = arith.cmpf ogt, %min3A_350, %max3A_354 : vector<16xf32>
      %max3A_369 = arith.maximumf %max3A_354, %min3A_350 : vector<16xf32>
      %min3A_370 = arith.minimumf %max3A_354, %min3A_350 : vector<16xf32>
      %select_n3A_371 = arith.select %gt3A_368, %select_n3A_352, %select_n3A_356 : vector<16xi1>, vector<16xi32>
      %select_n3A_372 = arith.select %gt3A_368, %select_n3A_356, %select_n3A_352 : vector<16xi1>, vector<16xi32>
      %gt3A_373 = arith.cmpf ogt, %min3A_360, %max3A_364 : vector<16xf32>
      %max3A_374 = arith.maximumf %max3A_364, %min3A_360 : vector<16xf32>
      %min3A_375 = arith.minimumf %max3A_364, %min3A_360 : vector<16xf32>
      %select_n3A_376 = arith.select %gt3A_373, %select_n3A_362, %select_n3A_366 : vector<16xi1>, vector<16xi32>
      %select_n3A_377 = arith.select %gt3A_373, %select_n3A_366, %select_n3A_362 : vector<16xi1>, vector<16xi32>
      %gt3A_378 = arith.cmpf ogt, %max3A_359, %max3A_349 : vector<16xf32>
      %max3A_379 = arith.maximumf %max3A_349, %max3A_359 : vector<16xf32>
      %min3A_380 = arith.minimumf %max3A_349, %max3A_359 : vector<16xf32>
      %select_n3A_381 = arith.select %gt3A_378, %select_n3A_361, %select_n3A_351 : vector<16xi1>, vector<16xi32>
      %select_n3A_382 = arith.select %gt3A_378, %select_n3A_351, %select_n3A_361 : vector<16xi1>, vector<16xi32>
      %gt3A_383 = arith.cmpf ogt, %max3A_374, %max3A_369 : vector<16xf32>
      %max3A_384 = arith.maximumf %max3A_369, %max3A_374 : vector<16xf32>
      %min3A_385 = arith.minimumf %max3A_369, %max3A_374 : vector<16xf32>
      %select_n3A_386 = arith.select %gt3A_383, %select_n3A_376, %select_n3A_371 : vector<16xi1>, vector<16xi32>
      %select_n3A_387 = arith.select %gt3A_383, %select_n3A_371, %select_n3A_376 : vector<16xi1>, vector<16xi32>
      %gt3A_388 = arith.cmpf ogt, %min3A_375, %min3A_370 : vector<16xf32>
      %max3A_389 = arith.maximumf %min3A_370, %min3A_375 : vector<16xf32>
      %min3A_390 = arith.minimumf %min3A_370, %min3A_375 : vector<16xf32>
      %select_n3A_391 = arith.select %gt3A_388, %select_n3A_377, %select_n3A_372 : vector<16xi1>, vector<16xi32>
      %select_n3A_392 = arith.select %gt3A_388, %select_n3A_372, %select_n3A_377 : vector<16xi1>, vector<16xi32>
      %gt3A_393 = arith.cmpf ogt, %min3A_365, %min3A_355 : vector<16xf32>
      %max3A_394 = arith.maximumf %min3A_355, %min3A_365 : vector<16xf32>
      %min3A_395 = arith.minimumf %min3A_355, %min3A_365 : vector<16xf32>
      %select_n3A_396 = arith.select %gt3A_393, %select_n3A_367, %select_n3A_357 : vector<16xi1>, vector<16xi32>
      %select_n3A_397 = arith.select %gt3A_393, %select_n3A_357, %select_n3A_367 : vector<16xi1>, vector<16xi32>
      %gt3A_398 = arith.cmpf ogt, %min3A_380, %max3A_389 : vector<16xf32>
      %max3A_399 = arith.maximumf %max3A_389, %min3A_380 : vector<16xf32>
      %min3A_400 = arith.minimumf %max3A_389, %min3A_380 : vector<16xf32>
      %select_n3A_401 = arith.select %gt3A_398, %select_n3A_382, %select_n3A_391 : vector<16xi1>, vector<16xi32>
      %select_n3A_402 = arith.select %gt3A_398, %select_n3A_391, %select_n3A_382 : vector<16xi1>, vector<16xi32>
      %gt3A_403 = arith.cmpf ogt, %min3A_385, %max3A_394 : vector<16xf32>
      %max3A_404 = arith.maximumf %max3A_394, %min3A_385 : vector<16xf32>
      %min3A_405 = arith.minimumf %max3A_394, %min3A_385 : vector<16xf32>
      %select_n3A_406 = arith.select %gt3A_403, %select_n3A_387, %select_n3A_396 : vector<16xi1>, vector<16xi32>
      %select_n3A_407 = arith.select %gt3A_403, %select_n3A_396, %select_n3A_387 : vector<16xi1>, vector<16xi32>
      %gt3A_408 = arith.cmpf ogt, %max3A_399, %max3A_384 : vector<16xf32>
      %max3A_409 = arith.maximumf %max3A_384, %max3A_399 : vector<16xf32>
      %min3A_410 = arith.minimumf %max3A_384, %max3A_399 : vector<16xf32>
      %select_n3A_411 = arith.select %gt3A_408, %select_n3A_401, %select_n3A_386 : vector<16xi1>, vector<16xi32>
      %select_n3A_412 = arith.select %gt3A_408, %select_n3A_386, %select_n3A_401 : vector<16xi1>, vector<16xi32>
      %gt3A_413 = arith.cmpf ogt, %min3A_400, %max3A_404 : vector<16xf32>
      %max3A_414 = arith.maximumf %max3A_404, %min3A_400 : vector<16xf32>
      %min3A_415 = arith.minimumf %max3A_404, %min3A_400 : vector<16xf32>
      %select_n3A_416 = arith.select %gt3A_413, %select_n3A_402, %select_n3A_406 : vector<16xi1>, vector<16xi32>
      %select_n3A_417 = arith.select %gt3A_413, %select_n3A_406, %select_n3A_402 : vector<16xi1>, vector<16xi32>
      %gt3A_418 = arith.cmpf ogt, %min3A_390, %min3A_405 : vector<16xf32>
      %max3A_419 = arith.maximumf %min3A_405, %min3A_390 : vector<16xf32>
      %min3A_420 = arith.minimumf %min3A_405, %min3A_390 : vector<16xf32>
      %select_n3A_421 = arith.select %gt3A_418, %select_n3A_392, %select_n3A_407 : vector<16xi1>, vector<16xi32>
      %select_n3A_422 = arith.select %gt3A_418, %select_n3A_407, %select_n3A_392 : vector<16xi1>, vector<16xi32>
      %gt3A_423 = arith.cmpf ogt, %min3A_395, %max3A_253 : vector<16xf32>
      %select_n3A_424 = arith.select %gt3A_423, %min3A_395, %max3A_253 : vector<16xi1>, vector<16xf32>
      %select_n3A_425 = arith.select %gt3A_423, %select_n3A_397, %select_n3A_255 : vector<16xi1>, vector<16xi32>
      %gt3A_426 = arith.cmpf ogt, %min3A_420, %min3A_254 : vector<16xf32>
      %select_n3A_427 = arith.select %gt3A_426, %min3A_420, %min3A_254 : vector<16xi1>, vector<16xf32>
      %select_n3A_428 = arith.select %gt3A_426, %select_n3A_422, %select_n3A_256 : vector<16xi1>, vector<16xi32>
      %gt3A_429 = arith.cmpf ogt, %max3A_419, %max3A_258 : vector<16xf32>
      %select_n3A_430 = arith.select %gt3A_429, %max3A_419, %max3A_258 : vector<16xi1>, vector<16xf32>
      %select_n3A_431 = arith.select %gt3A_429, %select_n3A_421, %select_n3A_260 : vector<16xi1>, vector<16xi32>
      %gt3A_432 = arith.cmpf ogt, %min3A_415, %min3A_259 : vector<16xf32>
      %select_n3A_433 = arith.select %gt3A_432, %min3A_415, %min3A_259 : vector<16xi1>, vector<16xf32>
      %select_n3A_434 = arith.select %gt3A_432, %select_n3A_417, %select_n3A_261 : vector<16xi1>, vector<16xi32>
      %gt3A_435 = arith.cmpf ogt, %max3A_414, %max3A_263 : vector<16xf32>
      %select_n3A_436 = arith.select %gt3A_435, %max3A_414, %max3A_263 : vector<16xi1>, vector<16xf32>
      %select_n3A_437 = arith.select %gt3A_435, %select_n3A_416, %select_n3A_265 : vector<16xi1>, vector<16xi32>
      %gt3A_438 = arith.cmpf ogt, %min3A_410, %min3A_264 : vector<16xf32>
      %select_n3A_439 = arith.select %gt3A_438, %min3A_410, %min3A_264 : vector<16xi1>, vector<16xf32>
      %select_n3A_440 = arith.select %gt3A_438, %select_n3A_412, %select_n3A_266 : vector<16xi1>, vector<16xi32>
      %gt3A_441 = arith.cmpf ogt, %max3A_409, %max3A_268 : vector<16xf32>
      %select_n3A_442 = arith.select %gt3A_441, %max3A_409, %max3A_268 : vector<16xi1>, vector<16xf32>
      %select_n3A_443 = arith.select %gt3A_441, %select_n3A_411, %select_n3A_270 : vector<16xi1>, vector<16xi32>
      %gt3A_444 = arith.cmpf ogt, %max3A_379, %min3A_269 : vector<16xf32>
      %select_n3A_445 = arith.select %gt3A_444, %max3A_379, %min3A_269 : vector<16xi1>, vector<16xf32>
      %select_n3A_446 = arith.select %gt3A_444, %select_n3A_381, %select_n3A_271 : vector<16xi1>, vector<16xi32>
      %gt3A_447 = arith.cmpf ogt, %select_n3A_436, %select_n3A_424 : vector<16xf32>
      %max3A_448 = arith.maximumf %select_n3A_424, %select_n3A_436 : vector<16xf32>
      %min3A_449 = arith.minimumf %select_n3A_424, %select_n3A_436 : vector<16xf32>
      %select_n3A_450 = arith.select %gt3A_447, %select_n3A_437, %select_n3A_425 : vector<16xi1>, vector<16xi32>
      %select_n3A_451 = arith.select %gt3A_447, %select_n3A_425, %select_n3A_437 : vector<16xi1>, vector<16xi32>
      %gt3A_452 = arith.cmpf ogt, %select_n3A_439, %select_n3A_427 : vector<16xf32>
      %max3A_453 = arith.maximumf %select_n3A_427, %select_n3A_439 : vector<16xf32>
      %min3A_454 = arith.minimumf %select_n3A_427, %select_n3A_439 : vector<16xf32>
      %select_n3A_455 = arith.select %gt3A_452, %select_n3A_440, %select_n3A_428 : vector<16xi1>, vector<16xi32>
      %select_n3A_456 = arith.select %gt3A_452, %select_n3A_428, %select_n3A_440 : vector<16xi1>, vector<16xi32>
      %gt3A_457 = arith.cmpf ogt, %select_n3A_442, %select_n3A_430 : vector<16xf32>
      %max3A_458 = arith.maximumf %select_n3A_430, %select_n3A_442 : vector<16xf32>
      %min3A_459 = arith.minimumf %select_n3A_430, %select_n3A_442 : vector<16xf32>
      %select_n3A_460 = arith.select %gt3A_457, %select_n3A_443, %select_n3A_431 : vector<16xi1>, vector<16xi32>
      %select_n3A_461 = arith.select %gt3A_457, %select_n3A_431, %select_n3A_443 : vector<16xi1>, vector<16xi32>
      %gt3A_462 = arith.cmpf ogt, %select_n3A_445, %select_n3A_433 : vector<16xf32>
      %max3A_463 = arith.maximumf %select_n3A_433, %select_n3A_445 : vector<16xf32>
      %min3A_464 = arith.minimumf %select_n3A_433, %select_n3A_445 : vector<16xf32>
      %select_n3A_465 = arith.select %gt3A_462, %select_n3A_446, %select_n3A_434 : vector<16xi1>, vector<16xi32>
      %select_n3A_466 = arith.select %gt3A_462, %select_n3A_434, %select_n3A_446 : vector<16xi1>, vector<16xi32>
      %gt3A_467 = arith.cmpf ogt, %max3A_458, %max3A_448 : vector<16xf32>
      %max3A_468 = arith.maximumf %max3A_448, %max3A_458 : vector<16xf32>
      %min3A_469 = arith.minimumf %max3A_448, %max3A_458 : vector<16xf32>
      %select_n3A_470 = arith.select %gt3A_467, %select_n3A_460, %select_n3A_450 : vector<16xi1>, vector<16xi32>
      %select_n3A_471 = arith.select %gt3A_467, %select_n3A_450, %select_n3A_460 : vector<16xi1>, vector<16xi32>
      %gt3A_472 = arith.cmpf ogt, %max3A_463, %max3A_453 : vector<16xf32>
      %max3A_473 = arith.maximumf %max3A_453, %max3A_463 : vector<16xf32>
      %min3A_474 = arith.minimumf %max3A_453, %max3A_463 : vector<16xf32>
      %select_n3A_475 = arith.select %gt3A_472, %select_n3A_465, %select_n3A_455 : vector<16xi1>, vector<16xi32>
      %select_n3A_476 = arith.select %gt3A_472, %select_n3A_455, %select_n3A_465 : vector<16xi1>, vector<16xi32>
      %gt3A_477 = arith.cmpf ogt, %min3A_459, %min3A_449 : vector<16xf32>
      %max3A_478 = arith.maximumf %min3A_449, %min3A_459 : vector<16xf32>
      %min3A_479 = arith.minimumf %min3A_449, %min3A_459 : vector<16xf32>
      %select_n3A_480 = arith.select %gt3A_477, %select_n3A_461, %select_n3A_451 : vector<16xi1>, vector<16xi32>
      %select_n3A_481 = arith.select %gt3A_477, %select_n3A_451, %select_n3A_461 : vector<16xi1>, vector<16xi32>
      %gt3A_482 = arith.cmpf ogt, %min3A_464, %min3A_454 : vector<16xf32>
      %max3A_483 = arith.maximumf %min3A_454, %min3A_464 : vector<16xf32>
      %min3A_484 = arith.minimumf %min3A_454, %min3A_464 : vector<16xf32>
      %select_n3A_485 = arith.select %gt3A_482, %select_n3A_466, %select_n3A_456 : vector<16xi1>, vector<16xi32>
      %select_n3A_486 = arith.select %gt3A_482, %select_n3A_456, %select_n3A_466 : vector<16xi1>, vector<16xi32>
      %gt3A_487 = arith.cmpf ogt, %max3A_473, %max3A_468 : vector<16xf32>
      %max3A_488 = arith.maximumf %max3A_468, %max3A_473 : vector<16xf32>
      %min3A_489 = arith.minimumf %max3A_468, %max3A_473 : vector<16xf32>
      %select_n3A_490 = arith.select %gt3A_487, %select_n3A_475, %select_n3A_470 : vector<16xi1>, vector<16xi32>
      %select_n3A_491 = arith.select %gt3A_487, %select_n3A_470, %select_n3A_475 : vector<16xi1>, vector<16xi32>
      %gt3A_492 = arith.cmpf ogt, %min3A_474, %min3A_469 : vector<16xf32>
      %max3A_493 = arith.maximumf %min3A_469, %min3A_474 : vector<16xf32>
      %min3A_494 = arith.minimumf %min3A_469, %min3A_474 : vector<16xf32>
      %select_n3A_495 = arith.select %gt3A_492, %select_n3A_476, %select_n3A_471 : vector<16xi1>, vector<16xi32>
      %select_n3A_496 = arith.select %gt3A_492, %select_n3A_471, %select_n3A_476 : vector<16xi1>, vector<16xi32>
      %gt3A_497 = arith.cmpf ogt, %max3A_483, %max3A_478 : vector<16xf32>
      %max3A_498 = arith.maximumf %max3A_478, %max3A_483 : vector<16xf32>
      %min3A_499 = arith.minimumf %max3A_478, %max3A_483 : vector<16xf32>
      %select_n3A_500 = arith.select %gt3A_497, %select_n3A_485, %select_n3A_480 : vector<16xi1>, vector<16xi32>
      %select_n3A_501 = arith.select %gt3A_497, %select_n3A_480, %select_n3A_485 : vector<16xi1>, vector<16xi32>
      %gt3A_502 = arith.cmpf ogt, %min3A_484, %min3A_479 : vector<16xf32>
      %max3A_503 = arith.maximumf %min3A_479, %min3A_484 : vector<16xf32>
      %min3A_504 = arith.minimumf %min3A_479, %min3A_484 : vector<16xf32>
      %select_n3A_505 = arith.select %gt3A_502, %select_n3A_486, %select_n3A_481 : vector<16xi1>, vector<16xi32>
      %select_n3A_506 = arith.select %gt3A_502, %select_n3A_481, %select_n3A_486 : vector<16xi1>, vector<16xi32>
      %get3A_507 = arith.constant 16 : i32
      %get3A_508 = arith.index_cast %get3A_507 : i32 to index
      %get3A_509 = arith.index_cast %multiple_of3A : i32 to index
      %get3A_510 = tpu.vector_load %arg6[%get3A_508, %get3A_509] {strides = array<i32>} : memref<64x512xf32, #tpu.memory_space<vmem>>, vector<1x16xf32>,
      %get3A_511 = vector.shape_cast %get3A_510 : vector<1x16xf32> to vector<16xf32>
      %get3A_512 = arith.constant 17 : i32
      %get3A_513 = arith.index_cast %get3A_512 : i32 to index
      %get3A_514 = arith.index_cast %multiple_of3A : i32 to index
      %get3A_515 = tpu.vector_load %arg6[%get3A_513, %get3A_514] {strides = array<i32>} : memref<64x512xf32, #tpu.memory_space<vmem>>, vector<1x16xf32>,
      %get3A_516 = vector.shape_cast %get3A_515 : vector<1x16xf32> to vector<16xf32>
      %get3A_517 = arith.constant 18 : i32
      %get3A_518 = arith.index_cast %get3A_517 : i32 to index
      %get3A_519 = arith.index_cast %multiple_of3A : i32 to index
      %get3A_520 = tpu.vector_load %arg6[%get3A_518, %get3A_519] {strides = array<i32>} : memref<64x512xf32, #tpu.memory_space<vmem>>, vector<1x16xf32>,
      %get3A_521 = vector.shape_cast %get3A_520 : vector<1x16xf32> to vector<16xf32>
      %get3A_522 = arith.constant 19 : i32
      %get3A_523 = arith.index_cast %get3A_522 : i32 to index
      %get3A_524 = arith.index_cast %multiple_of3A : i32 to index
      %get3A_525 = tpu.vector_load %arg6[%get3A_523, %get3A_524] {strides = array<i32>} : memref<64x512xf32, #tpu.memory_space<vmem>>, vector<1x16xf32>,
      %get3A_526 = vector.shape_cast %get3A_525 : vector<1x16xf32> to vector<16xf32>
      %get3A_527 = arith.constant 20 : i32
      %get3A_528 = arith.index_cast %get3A_527 : i32 to index
      %get3A_529 = arith.index_cast %multiple_of3A : i32 to index
      %get3A_530 = tpu.vector_load %arg6[%get3A_528, %get3A_529] {strides = array<i32>} : memref<64x512xf32, #tpu.memory_space<vmem>>, vector<1x16xf32>,
      %get3A_531 = vector.shape_cast %get3A_530 : vector<1x16xf32> to vector<16xf32>
      %get3A_532 = arith.constant 21 : i32
      %get3A_533 = arith.index_cast %get3A_532 : i32 to index
      %get3A_534 = arith.index_cast %multiple_of3A : i32 to index
      %get3A_535 = tpu.vector_load %arg6[%get3A_533, %get3A_534] {strides = array<i32>} : memref<64x512xf32, #tpu.memory_space<vmem>>, vector<1x16xf32>,
      %get3A_536 = vector.shape_cast %get3A_535 : vector<1x16xf32> to vector<16xf32>
      %get3A_537 = arith.constant 22 : i32
      %get3A_538 = arith.index_cast %get3A_537 : i32 to index
      %get3A_539 = arith.index_cast %multiple_of3A : i32 to index
      %get3A_540 = tpu.vector_load %arg6[%get3A_538, %get3A_539] {strides = array<i32>} : memref<64x512xf32, #tpu.memory_space<vmem>>, vector<1x16xf32>,
      %get3A_541 = vector.shape_cast %get3A_540 : vector<1x16xf32> to vector<16xf32>
      %get3A_542 = arith.constant 23 : i32
      %get3A_543 = arith.index_cast %get3A_542 : i32 to index
      %get3A_544 = arith.index_cast %multiple_of3A : i32 to index
      %get3A_545 = tpu.vector_load %arg6[%get3A_543, %get3A_544] {strides = array<i32>} : memref<64x512xf32, #tpu.memory_space<vmem>>, vector<1x16xf32>,
      %get3A_546 = vector.shape_cast %get3A_545 : vector<1x16xf32> to vector<16xf32>
      %broadcast_in_dim3A_547 = arith.constant 16 : i32
      %broadcast_in_dim3A_548 = vector.broadcast %broadcast_in_dim3A_547 : i32 to vector<16xi32>
      %broadcast_in_dim3A_549 = arith.constant 17 : i32
      %broadcast_in_dim3A_550 = vector.broadcast %broadcast_in_dim3A_549 : i32 to vector<16xi32>
      %broadcast_in_dim3A_551 = arith.constant 18 : i32
      %broadcast_in_dim3A_552 = vector.broadcast %broadcast_in_dim3A_551 : i32 to vector<16xi32>
      %broadcast_in_dim3A_553 = arith.constant 19 : i32
      %broadcast_in_dim3A_554 = vector.broadcast %broadcast_in_dim3A_553 : i32 to vector<16xi32>
      %broadcast_in_dim3A_555 = arith.constant 20 : i32
      %broadcast_in_dim3A_556 = vector.broadcast %broadcast_in_dim3A_555 : i32 to vector<16xi32>
      %broadcast_in_dim3A_557 = arith.constant 21 : i32
      %broadcast_in_dim3A_558 = vector.broadcast %broadcast_in_dim3A_557 : i32 to vector<16xi32>
      %broadcast_in_dim3A_559 = arith.constant 22 : i32
      %broadcast_in_dim3A_560 = vector.broadcast %broadcast_in_dim3A_559 : i32 to vector<16xi32>
      %broadcast_in_dim3A_561 = arith.constant 23 : i32
      %broadcast_in_dim3A_562 = vector.broadcast %broadcast_in_dim3A_561 : i32 to vector<16xi32>
      %gt3A_563 = arith.cmpf ogt, %get3A_516, %get3A_511 : vector<16xf32>
      %max3A_564 = arith.maximumf %get3A_511, %get3A_516 : vector<16xf32>
      %min3A_565 = arith.minimumf %get3A_511, %get3A_516 : vector<16xf32>
      %select_n3A_566 = arith.select %gt3A_563, %broadcast_in_dim3A_550, %broadcast_in_dim3A_548 : vector<16xi1>, vector<16xi32>
      %select_n3A_567 = arith.select %gt3A_563, %broadcast_in_dim3A_548, %broadcast_in_dim3A_550 : vector<16xi1>, vector<16xi32>
      %gt3A_568 = arith.cmpf ogt, %get3A_526, %get3A_521 : vector<16xf32>
      %max3A_569 = arith.maximumf %get3A_521, %get3A_526 : vector<16xf32>
      %min3A_570 = arith.minimumf %get3A_521, %get3A_526 : vector<16xf32>
      %select_n3A_571 = arith.select %gt3A_568, %broadcast_in_dim3A_554, %broadcast_in_dim3A_552 : vector<16xi1>, vector<16xi32>
      %select_n3A_572 = arith.select %gt3A_568, %broadcast_in_dim3A_552, %broadcast_in_dim3A_554 : vector<16xi1>, vector<16xi32>
      %gt3A_573 = arith.cmpf ogt, %get3A_536, %get3A_531 : vector<16xf32>
      %max3A_574 = arith.maximumf %get3A_531, %get3A_536 : vector<16xf32>
      %min3A_575 = arith.minimumf %get3A_531, %get3A_536 : vector<16xf32>
      %select_n3A_576 = arith.select %gt3A_573, %broadcast_in_dim3A_558, %broadcast_in_dim3A_556 : vector<16xi1>, vector<16xi32>
      %select_n3A_577 = arith.select %gt3A_573, %broadcast_in_dim3A_556, %broadcast_in_dim3A_558 : vector<16xi1>, vector<16xi32>
      %gt3A_578 = arith.cmpf ogt, %get3A_546, %get3A_541 : vector<16xf32>
      %max3A_579 = arith.maximumf %get3A_541, %get3A_546 : vector<16xf32>
      %min3A_580 = arith.minimumf %get3A_541, %get3A_546 : vector<16xf32>
      %select_n3A_581 = arith.select %gt3A_578, %broadcast_in_dim3A_562, %broadcast_in_dim3A_560 : vector<16xi1>, vector<16xi32>
      %select_n3A_582 = arith.select %gt3A_578, %broadcast_in_dim3A_560, %broadcast_in_dim3A_562 : vector<16xi1>, vector<16xi32>
      %gt3A_583 = arith.cmpf ogt, %max3A_569, %max3A_564 : vector<16xf32>
      %max3A_584 = arith.maximumf %max3A_564, %max3A_569 : vector<16xf32>
      %min3A_585 = arith.minimumf %max3A_564, %max3A_569 : vector<16xf32>
      %select_n3A_586 = arith.select %gt3A_583, %select_n3A_571, %select_n3A_566 : vector<16xi1>, vector<16xi32>
      %select_n3A_587 = arith.select %gt3A_583, %select_n3A_566, %select_n3A_571 : vector<16xi1>, vector<16xi32>
      %gt3A_588 = arith.cmpf ogt, %min3A_570, %min3A_565 : vector<16xf32>
      %max3A_589 = arith.maximumf %min3A_565, %min3A_570 : vector<16xf32>
      %min3A_590 = arith.minimumf %min3A_565, %min3A_570 : vector<16xf32>
      %select_n3A_591 = arith.select %gt3A_588, %select_n3A_572, %select_n3A_567 : vector<16xi1>, vector<16xi32>
      %select_n3A_592 = arith.select %gt3A_588, %select_n3A_567, %select_n3A_572 : vector<16xi1>, vector<16xi32>
      %gt3A_593 = arith.cmpf ogt, %max3A_579, %max3A_574 : vector<16xf32>
      %max3A_594 = arith.maximumf %max3A_574, %max3A_579 : vector<16xf32>
      %min3A_595 = arith.minimumf %max3A_574, %max3A_579 : vector<16xf32>
      %select_n3A_596 = arith.select %gt3A_593, %select_n3A_581, %select_n3A_576 : vector<16xi1>, vector<16xi32>
      %select_n3A_597 = arith.select %gt3A_593, %select_n3A_576, %select_n3A_581 : vector<16xi1>, vector<16xi32>
      %gt3A_598 = arith.cmpf ogt, %min3A_580, %min3A_575 : vector<16xf32>
      %max3A_599 = arith.maximumf %min3A_575, %min3A_580 : vector<16xf32>
      %min3A_600 = arith.minimumf %min3A_575, %min3A_580 : vector<16xf32>
      %select_n3A_601 = arith.select %gt3A_598, %select_n3A_582, %select_n3A_577 : vector<16xi1>, vector<16xi32>
      %select_n3A_602 = arith.select %gt3A_598, %select_n3A_577, %select_n3A_582 : vector<16xi1>, vector<16xi32>
      %gt3A_603 = arith.cmpf ogt, %min3A_585, %max3A_589 : vector<16xf32>
      %max3A_604 = arith.maximumf %max3A_589, %min3A_585 : vector<16xf32>
      %min3A_605 = arith.minimumf %max3A_589, %min3A_585 : vector<16xf32>
      %select_n3A_606 = arith.select %gt3A_603, %select_n3A_587, %select_n3A_591 : vector<16xi1>, vector<16xi32>
      %select_n3A_607 = arith.select %gt3A_603, %select_n3A_591, %select_n3A_587 : vector<16xi1>, vector<16xi32>
      %gt3A_608 = arith.cmpf ogt, %min3A_595, %max3A_599 : vector<16xf32>
      %max3A_609 = arith.maximumf %max3A_599, %min3A_595 : vector<16xf32>
      %min3A_610 = arith.minimumf %max3A_599, %min3A_595 : vector<16xf32>
      %select_n3A_611 = arith.select %gt3A_608, %select_n3A_597, %select_n3A_601 : vector<16xi1>, vector<16xi32>
      %select_n3A_612 = arith.select %gt3A_608, %select_n3A_601, %select_n3A_597 : vector<16xi1>, vector<16xi32>
      %gt3A_613 = arith.cmpf ogt, %max3A_594, %max3A_584 : vector<16xf32>
      %max3A_614 = arith.maximumf %max3A_584, %max3A_594 : vector<16xf32>
      %min3A_615 = arith.minimumf %max3A_584, %max3A_594 : vector<16xf32>
      %select_n3A_616 = arith.select %gt3A_613, %select_n3A_596, %select_n3A_586 : vector<16xi1>, vector<16xi32>
      %select_n3A_617 = arith.select %gt3A_613, %select_n3A_586, %select_n3A_596 : vector<16xi1>, vector<16xi32>
      %gt3A_618 = arith.cmpf ogt, %max3A_609, %max3A_604 : vector<16xf32>
      %max3A_619 = arith.maximumf %max3A_604, %max3A_609 : vector<16xf32>
      %min3A_620 = arith.minimumf %max3A_604, %max3A_609 : vector<16xf32>
      %select_n3A_621 = arith.select %gt3A_618, %select_n3A_611, %select_n3A_606 : vector<16xi1>, vector<16xi32>
      %select_n3A_622 = arith.select %gt3A_618, %select_n3A_606, %select_n3A_611 : vector<16xi1>, vector<16xi32>
      %gt3A_623 = arith.cmpf ogt, %min3A_610, %min3A_605 : vector<16xf32>
      %max3A_624 = arith.maximumf %min3A_605, %min3A_610 : vector<16xf32>
      %min3A_625 = arith.minimumf %min3A_605, %min3A_610 : vector<16xf32>
      %select_n3A_626 = arith.select %gt3A_623, %select_n3A_612, %select_n3A_607 : vector<16xi1>, vector<16xi32>
      %select_n3A_627 = arith.select %gt3A_623, %select_n3A_607, %select_n3A_612 : vector<16xi1>, vector<16xi32>
      %gt3A_628 = arith.cmpf ogt, %min3A_600, %min3A_590 : vector<16xf32>
      %max3A_629 = arith.maximumf %min3A_590, %min3A_600 : vector<16xf32>
      %min3A_630 = arith.minimumf %min3A_590, %min3A_600 : vector<16xf32>
      %select_n3A_631 = arith.select %gt3A_628, %select_n3A_602, %select_n3A_592 : vector<16xi1>, vector<16xi32>
      %select_n3A_632 = arith.select %gt3A_628, %select_n3A_592, %select_n3A_602 : vector<16xi1>, vector<16xi32>
      %gt3A_633 = arith.cmpf ogt, %min3A_615, %max3A_624 : vector<16xf32>
      %max3A_634 = arith.maximumf %max3A_624, %min3A_615 : vector<16xf32>
      %min3A_635 = arith.minimumf %max3A_624, %min3A_615 : vector<16xf32>
      %select_n3A_636 = arith.select %gt3A_633, %select_n3A_617, %select_n3A_626 : vector<16xi1>, vector<16xi32>
      %select_n3A_637 = arith.select %gt3A_633, %select_n3A_626, %select_n3A_617 : vector<16xi1>, vector<16xi32>
      %gt3A_638 = arith.cmpf ogt, %min3A_620, %max3A_629 : vector<16xf32>
      %max3A_639 = arith.maximumf %max3A_629, %min3A_620 : vector<16xf32>
      %min3A_640 = arith.minimumf %max3A_629, %min3A_620 : vector<16xf32>
      %select_n3A_641 = arith.select %gt3A_638, %select_n3A_622, %select_n3A_631 : vector<16xi1>, vector<16xi32>
      %select_n3A_642 = arith.select %gt3A_638, %select_n3A_631, %select_n3A_622 : vector<16xi1>, vector<16xi32>
      %gt3A_643 = arith.cmpf ogt, %max3A_634, %max3A_619 : vector<16xf32>
      %max3A_644 = arith.maximumf %max3A_619, %max3A_634 : vector<16xf32>
      %min3A_645 = arith.minimumf %max3A_619, %max3A_634 : vector<16xf32>
      %select_n3A_646 = arith.select %gt3A_643, %select_n3A_636, %select_n3A_621 : vector<16xi1>, vector<16xi32>
      %select_n3A_647 = arith.select %gt3A_643, %select_n3A_621, %select_n3A_636 : vector<16xi1>, vector<16xi32>
      %gt3A_648 = arith.cmpf ogt, %min3A_635, %max3A_639 : vector<16xf32>
      %max3A_649 = arith.maximumf %max3A_639, %min3A_635 : vector<16xf32>
      %min3A_650 = arith.minimumf %max3A_639, %min3A_635 : vector<16xf32>
      %select_n3A_651 = arith.select %gt3A_648, %select_n3A_637, %select_n3A_641 : vector<16xi1>, vector<16xi32>
      %select_n3A_652 = arith.select %gt3A_648, %select_n3A_641, %select_n3A_637 : vector<16xi1>, vector<16xi32>
      %gt3A_653 = arith.cmpf ogt, %min3A_625, %min3A_640 : vector<16xf32>
      %max3A_654 = arith.maximumf %min3A_640, %min3A_625 : vector<16xf32>
      %min3A_655 = arith.minimumf %min3A_640, %min3A_625 : vector<16xf32>
      %select_n3A_656 = arith.select %gt3A_653, %select_n3A_627, %select_n3A_642 : vector<16xi1>, vector<16xi32>
      %select_n3A_657 = arith.select %gt3A_653, %select_n3A_642, %select_n3A_627 : vector<16xi1>, vector<16xi32>
      %gt3A_658 = arith.cmpf ogt, %min3A_630, %max3A_488 : vector<16xf32>
      %select_n3A_659 = arith.select %gt3A_658, %min3A_630, %max3A_488 : vector<16xi1>, vector<16xf32>
      %select_n3A_660 = arith.select %gt3A_658, %select_n3A_632, %select_n3A_490 : vector<16xi1>, vector<16xi32>
      %gt3A_661 = arith.cmpf ogt, %min3A_655, %min3A_489 : vector<16xf32>
      %select_n3A_662 = arith.select %gt3A_661, %min3A_655, %min3A_489 : vector<16xi1>, vector<16xf32>
      %select_n3A_663 = arith.select %gt3A_661, %select_n3A_657, %select_n3A_491 : vector<16xi1>, vector<16xi32>
      %gt3A_664 = arith.cmpf ogt, %max3A_654, %max3A_493 : vector<16xf32>
      %select_n3A_665 = arith.select %gt3A_664, %max3A_654, %max3A_493 : vector<16xi1>, vector<16xf32>
      %select_n3A_666 = arith.select %gt3A_664, %select_n3A_656, %select_n3A_495 : vector<16xi1>, vector<16xi32>
      %gt3A_667 = arith.cmpf ogt, %min3A_650, %min3A_494 : vector<16xf32>
      %select_n3A_668 = arith.select %gt3A_667, %min3A_650, %min3A_494 : vector<16xi1>, vector<16xf32>
      %select_n3A_669 = arith.select %gt3A_667, %select_n3A_652, %select_n3A_496 : vector<16xi1>, vector<16xi32>
      %gt3A_670 = arith.cmpf ogt, %max3A_649, %max3A_498 : vector<16xf32>
      %select_n3A_671 = arith.select %gt3A_670, %max3A_649, %max3A_498 : vector<16xi1>, vector<16xf32>
      %select_n3A_672 = arith.select %gt3A_670, %select_n3A_651, %select_n3A_500 : vector<16xi1>, vector<16xi32>
      %gt3A_673 = arith.cmpf ogt, %min3A_645, %min3A_499 : vector<16xf32>
      %select_n3A_674 = arith.select %gt3A_673, %min3A_645, %min3A_499 : vector<16xi1>, vector<16xf32>
      %select_n3A_675 = arith.select %gt3A_673, %select_n3A_647, %select_n3A_501 : vector<16xi1>, vector<16xi32>
      %gt3A_676 = arith.cmpf ogt, %max3A_644, %max3A_503 : vector<16xf32>
      %select_n3A_677 = arith.select %gt3A_676, %max3A_644, %max3A_503 : vector<16xi1>, vector<16xf32>
      %select_n3A_678 = arith.select %gt3A_676, %select_n3A_646, %select_n3A_505 : vector<16xi1>, vector<16xi32>
      %gt3A_679 = arith.cmpf ogt, %max3A_614, %min3A_504 : vector<16xf32>
      %select_n3A_680 = arith.select %gt3A_679, %max3A_614, %min3A_504 : vector<16xi1>, vector<16xf32>
      %select_n3A_681 = arith.select %gt3A_679, %select_n3A_616, %select_n3A_506 : vector<16xi1>, vector<16xi32>
      %gt3A_682 = arith.cmpf ogt, %select_n3A_671, %select_n3A_659 : vector<16xf32>
      %max3A_683 = arith.maximumf %select_n3A_659, %select_n3A_671 : vector<16xf32>
      %min3A_684 = arith.minimumf %select_n3A_659, %select_n3A_671 : vector<16xf32>
      %select_n3A_685 = arith.select %gt3A_682, %select_n3A_672, %select_n3A_660 : vector<16xi1>, vector<16xi32>
      %select_n3A_686 = arith.select %gt3A_682, %select_n3A_660, %select_n3A_672 : vector<16xi1>, vector<16xi32>
      %gt3A_687 = arith.cmpf ogt, %select_n3A_674, %select_n3A_662 : vector<16xf32>
      %max3A_688 = arith.maximumf %select_n3A_662, %select_n3A_674 : vector<16xf32>
      %min3A_689 = arith.minimumf %select_n3A_662, %select_n3A_674 : vector<16xf32>
      %select_n3A_690 = arith.select %gt3A_687, %select_n3A_675, %select_n3A_663 : vector<16xi1>, vector<16xi32>
      %select_n3A_691 = arith.select %gt3A_687, %select_n3A_663, %select_n3A_675 : vector<16xi1>, vector<16xi32>
      %gt3A_692 = arith.cmpf ogt, %select_n3A_677, %select_n3A_665 : vector<16xf32>
      %max3A_693 = arith.maximumf %select_n3A_665, %select_n3A_677 : vector<16xf32>
      %min3A_694 = arith.minimumf %select_n3A_665, %select_n3A_677 : vector<16xf32>
      %select_n3A_695 = arith.select %gt3A_692, %select_n3A_678, %select_n3A_666 : vector<16xi1>, vector<16xi32>
      %select_n3A_696 = arith.select %gt3A_692, %select_n3A_666, %select_n3A_678 : vector<16xi1>, vector<16xi32>
      %gt3A_697 = arith.cmpf ogt, %select_n3A_680, %select_n3A_668 : vector<16xf32>
      %max3A_698 = arith.maximumf %select_n3A_668, %select_n3A_680 : vector<16xf32>
      %min3A_699 = arith.minimumf %select_n3A_668, %select_n3A_680 : vector<16xf32>
      %select_n3A_700 = arith.select %gt3A_697, %select_n3A_681, %select_n3A_669 : vector<16xi1>, vector<16xi32>
      %select_n3A_701 = arith.select %gt3A_697, %select_n3A_669, %select_n3A_681 : vector<16xi1>, vector<16xi32>
      %gt3A_702 = arith.cmpf ogt, %max3A_693, %max3A_683 : vector<16xf32>
      %max3A_703 = arith.maximumf %max3A_683, %max3A_693 : vector<16xf32>
      %min3A_704 = arith.minimumf %max3A_683, %max3A_693 : vector<16xf32>
      %select_n3A_705 = arith.select %gt3A_702, %select_n3A_695, %select_n3A_685 : vector<16xi1>, vector<16xi32>
      %select_n3A_706 = arith.select %gt3A_702, %select_n3A_685, %select_n3A_695 : vector<16xi1>, vector<16xi32>
      %gt3A_707 = arith.cmpf ogt, %max3A_698, %max3A_688 : vector<16xf32>
      %max3A_708 = arith.maximumf %max3A_688, %max3A_698 : vector<16xf32>
      %min3A_709 = arith.minimumf %max3A_688, %max3A_698 : vector<16xf32>
      %select_n3A_710 = arith.select %gt3A_707, %select_n3A_700, %select_n3A_690 : vector<16xi1>, vector<16xi32>
      %select_n3A_711 = arith.select %gt3A_707, %select_n3A_690, %select_n3A_700 : vector<16xi1>, vector<16xi32>
      %gt3A_712 = arith.cmpf ogt, %min3A_694, %min3A_684 : vector<16xf32>
      %max3A_713 = arith.maximumf %min3A_684, %min3A_694 : vector<16xf32>
      %min3A_714 = arith.minimumf %min3A_684, %min3A_694 : vector<16xf32>
      %select_n3A_715 = arith.select %gt3A_712, %select_n3A_696, %select_n3A_686 : vector<16xi1>, vector<16xi32>
      %select_n3A_716 = arith.select %gt3A_712, %select_n3A_686, %select_n3A_696 : vector<16xi1>, vector<16xi32>
      %gt3A_717 = arith.cmpf ogt, %min3A_699, %min3A_689 : vector<16xf32>
      %max3A_718 = arith.maximumf %min3A_689, %min3A_699 : vector<16xf32>
      %min3A_719 = arith.minimumf %min3A_689, %min3A_699 : vector<16xf32>
      %select_n3A_720 = arith.select %gt3A_717, %select_n3A_701, %select_n3A_691 : vector<16xi1>, vector<16xi32>
      %select_n3A_721 = arith.select %gt3A_717, %select_n3A_691, %select_n3A_701 : vector<16xi1>, vector<16xi32>
      %gt3A_722 = arith.cmpf ogt, %max3A_708, %max3A_703 : vector<16xf32>
      %max3A_723 = arith.maximumf %max3A_703, %max3A_708 : vector<16xf32>
      %min3A_724 = arith.minimumf %max3A_703, %max3A_708 : vector<16xf32>
      %select_n3A_725 = arith.select %gt3A_722, %select_n3A_710, %select_n3A_705 : vector<16xi1>, vector<16xi32>
      %select_n3A_726 = arith.select %gt3A_722, %select_n3A_705, %select_n3A_710 : vector<16xi1>, vector<16xi32>
      %gt3A_727 = arith.cmpf ogt, %min3A_709, %min3A_704 : vector<16xf32>
      %max3A_728 = arith.maximumf %min3A_704, %min3A_709 : vector<16xf32>
      %min3A_729 = arith.minimumf %min3A_704, %min3A_709 : vector<16xf32>
      %select_n3A_730 = arith.select %gt3A_727, %select_n3A_711, %select_n3A_706 : vector<16xi1>, vector<16xi32>
      %select_n3A_731 = arith.select %gt3A_727, %select_n3A_706, %select_n3A_711 : vector<16xi1>, vector<16xi32>
      %gt3A_732 = arith.cmpf ogt, %max3A_718, %max3A_713 : vector<16xf32>
      %max3A_733 = arith.maximumf %max3A_713, %max3A_718 : vector<16xf32>
      %min3A_734 = arith.minimumf %max3A_713, %max3A_718 : vector<16xf32>
      %select_n3A_735 = arith.select %gt3A_732, %select_n3A_720, %select_n3A_715 : vector<16xi1>, vector<16xi32>
      %select_n3A_736 = arith.select %gt3A_732, %select_n3A_715, %select_n3A_720 : vector<16xi1>, vector<16xi32>
      %gt3A_737 = arith.cmpf ogt, %min3A_719, %min3A_714 : vector<16xf32>
      %max3A_738 = arith.maximumf %min3A_714, %min3A_719 : vector<16xf32>
      %min3A_739 = arith.minimumf %min3A_714, %min3A_719 : vector<16xf32>
      %select_n3A_740 = arith.select %gt3A_737, %select_n3A_721, %select_n3A_716 : vector<16xi1>, vector<16xi32>
      %select_n3A_741 = arith.select %gt3A_737, %select_n3A_716, %select_n3A_721 : vector<16xi1>, vector<16xi32>
      %get3A_742 = arith.constant 24 : i32
      %get3A_743 = arith.index_cast %get3A_742 : i32 to index
      %get3A_744 = arith.index_cast %multiple_of3A : i32 to index
      %get3A_745 = tpu.vector_load %arg6[%get3A_743, %get3A_744] {strides = array<i32>} : memref<64x512xf32, #tpu.memory_space<vmem>>, vector<1x16xf32>,
      %get3A_746 = vector.shape_cast %get3A_745 : vector<1x16xf32> to vector<16xf32>
      %get3A_747 = arith.constant 25 : i32
      %get3A_748 = arith.index_cast %get3A_747 : i32 to index
      %get3A_749 = arith.index_cast %multiple_of3A : i32 to index
      %get3A_750 = tpu.vector_load %arg6[%get3A_748, %get3A_749] {strides = array<i32>} : memref<64x512xf32, #tpu.memory_space<vmem>>, vector<1x16xf32>,
      %get3A_751 = vector.shape_cast %get3A_750 : vector<1x16xf32> to vector<16xf32>
      %get3A_752 = arith.constant 26 : i32
      %get3A_753 = arith.index_cast %get3A_752 : i32 to index
      %get3A_754 = arith.index_cast %multiple_of3A : i32 to index
      %get3A_755 = tpu.vector_load %arg6[%get3A_753, %get3A_754] {strides = array<i32>} : memref<64x512xf32, #tpu.memory_space<vmem>>, vector<1x16xf32>,
      %get3A_756 = vector.shape_cast %get3A_755 : vector<1x16xf32> to vector<16xf32>
      %get3A_757 = arith.constant 27 : i32
      %get3A_758 = arith.index_cast %get3A_757 : i32 to index
      %get3A_759 = arith.index_cast %multiple_of3A : i32 to index
      %get3A_760 = tpu.vector_load %arg6[%get3A_758, %get3A_759] {strides = array<i32>} : memref<64x512xf32, #tpu.memory_space<vmem>>, vector<1x16xf32>,
      %get3A_761 = vector.shape_cast %get3A_760 : vector<1x16xf32> to vector<16xf32>
      %get3A_762 = arith.constant 28 : i32
      %get3A_763 = arith.index_cast %get3A_762 : i32 to index
      %get3A_764 = arith.index_cast %multiple_of3A : i32 to index
      %get3A_765 = tpu.vector_load %arg6[%get3A_763, %get3A_764] {strides = array<i32>} : memref<64x512xf32, #tpu.memory_space<vmem>>, vector<1x16xf32>,
      %get3A_766 = vector.shape_cast %get3A_765 : vector<1x16xf32> to vector<16xf32>
      %get3A_767 = arith.constant 29 : i32
      %get3A_768 = arith.index_cast %get3A_767 : i32 to index
      %get3A_769 = arith.index_cast %multiple_of3A : i32 to index
      %get3A_770 = tpu.vector_load %arg6[%get3A_768, %get3A_769] {strides = array<i32>} : memref<64x512xf32, #tpu.memory_space<vmem>>, vector<1x16xf32>,
      %get3A_771 = vector.shape_cast %get3A_770 : vector<1x16xf32> to vector<16xf32>
      %get3A_772 = arith.constant 30 : i32
      %get3A_773 = arith.index_cast %get3A_772 : i32 to index
      %get3A_774 = arith.index_cast %multiple_of3A : i32 to index
      %get3A_775 = tpu.vector_load %arg6[%get3A_773, %get3A_774] {strides = array<i32>} : memref<64x512xf32, #tpu.memory_space<vmem>>, vector<1x16xf32>,
      %get3A_776 = vector.shape_cast %get3A_775 : vector<1x16xf32> to vector<16xf32>
      %get3A_777 = arith.constant 31 : i32
      %get3A_778 = arith.index_cast %get3A_777 : i32 to index
      %get3A_779 = arith.index_cast %multiple_of3A : i32 to index
      %get3A_780 = tpu.vector_load %arg6[%get3A_778, %get3A_779] {strides = array<i32>} : memref<64x512xf32, #tpu.memory_space<vmem>>, vector<1x16xf32>,
      %get3A_781 = vector.shape_cast %get3A_780 : vector<1x16xf32> to vector<16xf32>
      %broadcast_in_dim3A_782 = arith.constant 24 : i32
      %broadcast_in_dim3A_783 = vector.broadcast %broadcast_in_dim3A_782 : i32 to vector<16xi32>
      %broadcast_in_dim3A_784 = arith.constant 25 : i32
      %broadcast_in_dim3A_785 = vector.broadcast %broadcast_in_dim3A_784 : i32 to vector<16xi32>
      %broadcast_in_dim3A_786 = arith.constant 26 : i32
      %broadcast_in_dim3A_787 = vector.broadcast %broadcast_in_dim3A_786 : i32 to vector<16xi32>
      %broadcast_in_dim3A_788 = arith.constant 27 : i32
      %broadcast_in_dim3A_789 = vector.broadcast %broadcast_in_dim3A_788 : i32 to vector<16xi32>
      %broadcast_in_dim3A_790 = arith.constant 28 : i32
      %broadcast_in_dim3A_791 = vector.broadcast %broadcast_in_dim3A_790 : i32 to vector<16xi32>
      %broadcast_in_dim3A_792 = arith.constant 29 : i32
      %broadcast_in_dim3A_793 = vector.broadcast %broadcast_in_dim3A_792 : i32 to vector<16xi32>
      %broadcast_in_dim3A_794 = arith.constant 30 : i32
      %broadcast_in_dim3A_795 = vector.broadcast %broadcast_in_dim3A_794 : i32 to vector<16xi32>
      %broadcast_in_dim3A_796 = arith.constant 31 : i32
      %broadcast_in_dim3A_797 = vector.broadcast %broadcast_in_dim3A_796 : i32 to vector<16xi32>
      %gt3A_798 = arith.cmpf ogt, %get3A_751, %get3A_746 : vector<16xf32>
      %max3A_799 = arith.maximumf %get3A_746, %get3A_751 : vector<16xf32>
      %min3A_800 = arith.minimumf %get3A_746, %get3A_751 : vector<16xf32>
      %select_n3A_801 = arith.select %gt3A_798, %broadcast_in_dim3A_785, %broadcast_in_dim3A_783 : vector<16xi1>, vector<16xi32>
      %select_n3A_802 = arith.select %gt3A_798, %broadcast_in_dim3A_783, %broadcast_in_dim3A_785 : vector<16xi1>, vector<16xi32>
      %gt3A_803 = arith.cmpf ogt, %get3A_761, %get3A_756 : vector<16xf32>
      %max3A_804 = arith.maximumf %get3A_756, %get3A_761 : vector<16xf32>
      %min3A_805 = arith.minimumf %get3A_756, %get3A_761 : vector<16xf32>
      %select_n3A_806 = arith.select %gt3A_803, %broadcast_in_dim3A_789, %broadcast_in_dim3A_787 : vector<16xi1>, vector<16xi32>
      %select_n3A_807 = arith.select %gt3A_803, %broadcast_in_dim3A_787, %broadcast_in_dim3A_789 : vector<16xi1>, vector<16xi32>
      %gt3A_808 = arith.cmpf ogt, %get3A_771, %get3A_766 : vector<16xf32>
      %max3A_809 = arith.maximumf %get3A_766, %get3A_771 : vector<16xf32>
      %min3A_810 = arith.minimumf %get3A_766, %get3A_771 : vector<16xf32>
      %select_n3A_811 = arith.select %gt3A_808, %broadcast_in_dim3A_793, %broadcast_in_dim3A_791 : vector<16xi1>, vector<16xi32>
      %select_n3A_812 = arith.select %gt3A_808, %broadcast_in_dim3A_791, %broadcast_in_dim3A_793 : vector<16xi1>, vector<16xi32>
      %gt3A_813 = arith.cmpf ogt, %get3A_781, %get3A_776 : vector<16xf32>
      %max3A_814 = arith.maximumf %get3A_776, %get3A_781 : vector<16xf32>
      %min3A_815 = arith.minimumf %get3A_776, %get3A_781 : vector<16xf32>
      %select_n3A_816 = arith.select %gt3A_813, %broadcast_in_dim3A_797, %broadcast_in_dim3A_795 : vector<16xi1>, vector<16xi32>
      %select_n3A_817 = arith.select %gt3A_813, %broadcast_in_dim3A_795, %broadcast_in_dim3A_797 : vector<16xi1>, vector<16xi32>
      %gt3A_818 = arith.cmpf ogt, %max3A_804, %max3A_799 : vector<16xf32>
      %max3A_819 = arith.maximumf %max3A_799, %max3A_804 : vector<16xf32>
      %min3A_820 = arith.minimumf %max3A_799, %max3A_804 : vector<16xf32>
      %select_n3A_821 = arith.select %gt3A_818, %select_n3A_806, %select_n3A_801 : vector<16xi1>, vector<16xi32>
      %select_n3A_822 = arith.select %gt3A_818, %select_n3A_801, %select_n3A_806 : vector<16xi1>, vector<16xi32>
      %gt3A_823 = arith.cmpf ogt, %min3A_805, %min3A_800 : vector<16xf32>
      %max3A_824 = arith.maximumf %min3A_800, %min3A_805 : vector<16xf32>
      %min3A_825 = arith.minimumf %min3A_800, %min3A_805 : vector<16xf32>
      %select_n3A_826 = arith.select %gt3A_823, %select_n3A_807, %select_n3A_802 : vector<16xi1>, vector<16xi32>
      %select_n3A_827 = arith.select %gt3A_823, %select_n3A_802, %select_n3A_807 : vector<16xi1>, vector<16xi32>
      %gt3A_828 = arith.cmpf ogt, %max3A_814, %max3A_809 : vector<16xf32>
      %max3A_829 = arith.maximumf %max3A_809, %max3A_814 : vector<16xf32>
      %min3A_830 = arith.minimumf %max3A_809, %max3A_814 : vector<16xf32>
      %select_n3A_831 = arith.select %gt3A_828, %select_n3A_816, %select_n3A_811 : vector<16xi1>, vector<16xi32>
      %select_n3A_832 = arith.select %gt3A_828, %select_n3A_811, %select_n3A_816 : vector<16xi1>, vector<16xi32>
      %gt3A_833 = arith.cmpf ogt, %min3A_815, %min3A_810 : vector<16xf32>
      %max3A_834 = arith.maximumf %min3A_810, %min3A_815 : vector<16xf32>
      %min3A_835 = arith.minimumf %min3A_810, %min3A_815 : vector<16xf32>
      %select_n3A_836 = arith.select %gt3A_833, %select_n3A_817, %select_n3A_812 : vector<16xi1>, vector<16xi32>
      %select_n3A_837 = arith.select %gt3A_833, %select_n3A_812, %select_n3A_817 : vector<16xi1>, vector<16xi32>
      %gt3A_838 = arith.cmpf ogt, %min3A_820, %max3A_824 : vector<16xf32>
      %max3A_839 = arith.maximumf %max3A_824, %min3A_820 : vector<16xf32>
      %min3A_840 = arith.minimumf %max3A_824, %min3A_820 : vector<16xf32>
      %select_n3A_841 = arith.select %gt3A_838, %select_n3A_822, %select_n3A_826 : vector<16xi1>, vector<16xi32>
      %select_n3A_842 = arith.select %gt3A_838, %select_n3A_826, %select_n3A_822 : vector<16xi1>, vector<16xi32>
      %gt3A_843 = arith.cmpf ogt, %min3A_830, %max3A_834 : vector<16xf32>
      %max3A_844 = arith.maximumf %max3A_834, %min3A_830 : vector<16xf32>
      %min3A_845 = arith.minimumf %max3A_834, %min3A_830 : vector<16xf32>
      %select_n3A_846 = arith.select %gt3A_843, %select_n3A_832, %select_n3A_836 : vector<16xi1>, vector<16xi32>
      %select_n3A_847 = arith.select %gt3A_843, %select_n3A_836, %select_n3A_832 : vector<16xi1>, vector<16xi32>
      %gt3A_848 = arith.cmpf ogt, %max3A_829, %max3A_819 : vector<16xf32>
      %max3A_849 = arith.maximumf %max3A_819, %max3A_829 : vector<16xf32>
      %min3A_850 = arith.minimumf %max3A_819, %max3A_829 : vector<16xf32>
      %select_n3A_851 = arith.select %gt3A_848, %select_n3A_831, %select_n3A_821 : vector<16xi1>, vector<16xi32>
      %select_n3A_852 = arith.select %gt3A_848, %select_n3A_821, %select_n3A_831 : vector<16xi1>, vector<16xi32>
      %gt3A_853 = arith.cmpf ogt, %max3A_844, %max3A_839 : vector<16xf32>
      %max3A_854 = arith.maximumf %max3A_839, %max3A_844 : vector<16xf32>
      %min3A_855 = arith.minimumf %max3A_839, %max3A_844 : vector<16xf32>
      %select_n3A_856 = arith.select %gt3A_853, %select_n3A_846, %select_n3A_841 : vector<16xi1>, vector<16xi32>
      %select_n3A_857 = arith.select %gt3A_853, %select_n3A_841, %select_n3A_846 : vector<16xi1>, vector<16xi32>
      %gt3A_858 = arith.cmpf ogt, %min3A_845, %min3A_840 : vector<16xf32>
      %max3A_859 = arith.maximumf %min3A_840, %min3A_845 : vector<16xf32>
      %min3A_860 = arith.minimumf %min3A_840, %min3A_845 : vector<16xf32>
      %select_n3A_861 = arith.select %gt3A_858, %select_n3A_847, %select_n3A_842 : vector<16xi1>, vector<16xi32>
      %select_n3A_862 = arith.select %gt3A_858, %select_n3A_842, %select_n3A_847 : vector<16xi1>, vector<16xi32>
      %gt3A_863 = arith.cmpf ogt, %min3A_835, %min3A_825 : vector<16xf32>
      %max3A_864 = arith.maximumf %min3A_825, %min3A_835 : vector<16xf32>
      %min3A_865 = arith.minimumf %min3A_825, %min3A_835 : vector<16xf32>
      %select_n3A_866 = arith.select %gt3A_863, %select_n3A_837, %select_n3A_827 : vector<16xi1>, vector<16xi32>
      %select_n3A_867 = arith.select %gt3A_863, %select_n3A_827, %select_n3A_837 : vector<16xi1>, vector<16xi32>
      %gt3A_868 = arith.cmpf ogt, %min3A_850, %max3A_859 : vector<16xf32>
      %max3A_869 = arith.maximumf %max3A_859, %min3A_850 : vector<16xf32>
      %min3A_870 = arith.minimumf %max3A_859, %min3A_850 : vector<16xf32>
      %select_n3A_871 = arith.select %gt3A_868, %select_n3A_852, %select_n3A_861 : vector<16xi1>, vector<16xi32>
      %select_n3A_872 = arith.select %gt3A_868, %select_n3A_861, %select_n3A_852 : vector<16xi1>, vector<16xi32>
      %gt3A_873 = arith.cmpf ogt, %min3A_855, %max3A_864 : vector<16xf32>
      %max3A_874 = arith.maximumf %max3A_864, %min3A_855 : vector<16xf32>
      %min3A_875 = arith.minimumf %max3A_864, %min3A_855 : vector<16xf32>
      %select_n3A_876 = arith.select %gt3A_873, %select_n3A_857, %select_n3A_866 : vector<16xi1>, vector<16xi32>
      %select_n3A_877 = arith.select %gt3A_873, %select_n3A_866, %select_n3A_857 : vector<16xi1>, vector<16xi32>
      %gt3A_878 = arith.cmpf ogt, %max3A_869, %max3A_854 : vector<16xf32>
      %max3A_879 = arith.maximumf %max3A_854, %max3A_869 : vector<16xf32>
      %min3A_880 = arith.minimumf %max3A_854, %max3A_869 : vector<16xf32>
      %select_n3A_881 = arith.select %gt3A_878, %select_n3A_871, %select_n3A_856 : vector<16xi1>, vector<16xi32>
      %select_n3A_882 = arith.select %gt3A_878, %select_n3A_856, %select_n3A_871 : vector<16xi1>, vector<16xi32>
      %gt3A_883 = arith.cmpf ogt, %min3A_870, %max3A_874 : vector<16xf32>
      %max3A_884 = arith.maximumf %max3A_874, %min3A_870 : vector<16xf32>
      %min3A_885 = arith.minimumf %max3A_874, %min3A_870 : vector<16xf32>
      %select_n3A_886 = arith.select %gt3A_883, %select_n3A_872, %select_n3A_876 : vector<16xi1>, vector<16xi32>
      %select_n3A_887 = arith.select %gt3A_883, %select_n3A_876, %select_n3A_872 : vector<16xi1>, vector<16xi32>
      %gt3A_888 = arith.cmpf ogt, %min3A_860, %min3A_875 : vector<16xf32>
      %max3A_889 = arith.maximumf %min3A_875, %min3A_860 : vector<16xf32>
      %min3A_890 = arith.minimumf %min3A_875, %min3A_860 : vector<16xf32>
      %select_n3A_891 = arith.select %gt3A_888, %select_n3A_862, %select_n3A_877 : vector<16xi1>, vector<16xi32>
      %select_n3A_892 = arith.select %gt3A_888, %select_n3A_877, %select_n3A_862 : vector<16xi1>, vector<16xi32>
      %gt3A_893 = arith.cmpf ogt, %min3A_865, %max3A_723 : vector<16xf32>
      %select_n3A_894 = arith.select %gt3A_893, %min3A_865, %max3A_723 : vector<16xi1>, vector<16xf32>
      %select_n3A_895 = arith.select %gt3A_893, %select_n3A_867, %select_n3A_725 : vector<16xi1>, vector<16xi32>
      %gt3A_896 = arith.cmpf ogt, %min3A_890, %min3A_724 : vector<16xf32>
      %select_n3A_897 = arith.select %gt3A_896, %min3A_890, %min3A_724 : vector<16xi1>, vector<16xf32>
      %select_n3A_898 = arith.select %gt3A_896, %select_n3A_892, %select_n3A_726 : vector<16xi1>, vector<16xi32>
      %gt3A_899 = arith.cmpf ogt, %max3A_889, %max3A_728 : vector<16xf32>
      %select_n3A_900 = arith.select %gt3A_899, %max3A_889, %max3A_728 : vector<16xi1>, vector<16xf32>
      %select_n3A_901 = arith.select %gt3A_899, %select_n3A_891, %select_n3A_730 : vector<16xi1>, vector<16xi32>
      %gt3A_902 = arith.cmpf ogt, %min3A_885, %min3A_729 : vector<16xf32>
      %select_n3A_903 = arith.select %gt3A_902, %min3A_885, %min3A_729 : vector<16xi1>, vector<16xf32>
      %select_n3A_904 = arith.select %gt3A_902, %select_n3A_887, %select_n3A_731 : vector<16xi1>, vector<16xi32>
      %gt3A_905 = arith.cmpf ogt, %max3A_884, %max3A_733 : vector<16xf32>
      %select_n3A_906 = arith.select %gt3A_905, %max3A_884, %max3A_733 : vector<16xi1>, vector<16xf32>
      %select_n3A_907 = arith.select %gt3A_905, %select_n3A_886, %select_n3A_735 : vector<16xi1>, vector<16xi32>
      %gt3A_908 = arith.cmpf ogt, %min3A_880, %min3A_734 : vector<16xf32>
      %select_n3A_909 = arith.select %gt3A_908, %min3A_880, %min3A_734 : vector<16xi1>, vector<16xf32>
      %select_n3A_910 = arith.select %gt3A_908, %select_n3A_882, %select_n3A_736 : vector<16xi1>, vector<16xi32>
      %gt3A_911 = arith.cmpf ogt, %max3A_879, %max3A_738 : vector<16xf32>
      %select_n3A_912 = arith.select %gt3A_911, %max3A_879, %max3A_738 : vector<16xi1>, vector<16xf32>
      %select_n3A_913 = arith.select %gt3A_911, %select_n3A_881, %select_n3A_740 : vector<16xi1>, vector<16xi32>
      %gt3A_914 = arith.cmpf ogt, %max3A_849, %min3A_739 : vector<16xf32>
      %select_n3A_915 = arith.select %gt3A_914, %max3A_849, %min3A_739 : vector<16xi1>, vector<16xf32>
      %select_n3A_916 = arith.select %gt3A_914, %select_n3A_851, %select_n3A_741 : vector<16xi1>, vector<16xi32>
      %gt3A_917 = arith.cmpf ogt, %select_n3A_906, %select_n3A_894 : vector<16xf32>
      %max3A_918 = arith.maximumf %select_n3A_894, %select_n3A_906 : vector<16xf32>
      %min3A_919 = arith.minimumf %select_n3A_894, %select_n3A_906 : vector<16xf32>
      %select_n3A_920 = arith.select %gt3A_917, %select_n3A_907, %select_n3A_895 : vector<16xi1>, vector<16xi32>
      %select_n3A_921 = arith.select %gt3A_917, %select_n3A_895, %select_n3A_907 : vector<16xi1>, vector<16xi32>
      %gt3A_922 = arith.cmpf ogt, %select_n3A_909, %select_n3A_897 : vector<16xf32>
      %max3A_923 = arith.maximumf %select_n3A_897, %select_n3A_909 : vector<16xf32>
      %min3A_924 = arith.minimumf %select_n3A_897, %select_n3A_909 : vector<16xf32>
      %select_n3A_925 = arith.select %gt3A_922, %select_n3A_910, %select_n3A_898 : vector<16xi1>, vector<16xi32>
      %select_n3A_926 = arith.select %gt3A_922, %select_n3A_898, %select_n3A_910 : vector<16xi1>, vector<16xi32>
      %gt3A_927 = arith.cmpf ogt, %select_n3A_912, %select_n3A_900 : vector<16xf32>
      %max3A_928 = arith.maximumf %select_n3A_900, %select_n3A_912 : vector<16xf32>
      %min3A_929 = arith.minimumf %select_n3A_900, %select_n3A_912 : vector<16xf32>
      %select_n3A_930 = arith.select %gt3A_927, %select_n3A_913, %select_n3A_901 : vector<16xi1>, vector<16xi32>
      %select_n3A_931 = arith.select %gt3A_927, %select_n3A_901, %select_n3A_913 : vector<16xi1>, vector<16xi32>
      %gt3A_932 = arith.cmpf ogt, %select_n3A_915, %select_n3A_903 : vector<16xf32>
      %max3A_933 = arith.maximumf %select_n3A_903, %select_n3A_915 : vector<16xf32>
      %min3A_934 = arith.minimumf %select_n3A_903, %select_n3A_915 : vector<16xf32>
      %select_n3A_935 = arith.select %gt3A_932, %select_n3A_916, %select_n3A_904 : vector<16xi1>, vector<16xi32>
      %select_n3A_936 = arith.select %gt3A_932, %select_n3A_904, %select_n3A_916 : vector<16xi1>, vector<16xi32>
      %gt3A_937 = arith.cmpf ogt, %max3A_928, %max3A_918 : vector<16xf32>
      %max3A_938 = arith.maximumf %max3A_918, %max3A_928 : vector<16xf32>
      %min3A_939 = arith.minimumf %max3A_918, %max3A_928 : vector<16xf32>
      %select_n3A_940 = arith.select %gt3A_937, %select_n3A_930, %select_n3A_920 : vector<16xi1>, vector<16xi32>
      %select_n3A_941 = arith.select %gt3A_937, %select_n3A_920, %select_n3A_930 : vector<16xi1>, vector<16xi32>
      %gt3A_942 = arith.cmpf ogt, %max3A_933, %max3A_923 : vector<16xf32>
      %max3A_943 = arith.maximumf %max3A_923, %max3A_933 : vector<16xf32>
      %min3A_944 = arith.minimumf %max3A_923, %max3A_933 : vector<16xf32>
      %select_n3A_945 = arith.select %gt3A_942, %select_n3A_935, %select_n3A_925 : vector<16xi1>, vector<16xi32>
      %select_n3A_946 = arith.select %gt3A_942, %select_n3A_925, %select_n3A_935 : vector<16xi1>, vector<16xi32>
      %gt3A_947 = arith.cmpf ogt, %min3A_929, %min3A_919 : vector<16xf32>
      %max3A_948 = arith.maximumf %min3A_919, %min3A_929 : vector<16xf32>
      %min3A_949 = arith.minimumf %min3A_919, %min3A_929 : vector<16xf32>
      %select_n3A_950 = arith.select %gt3A_947, %select_n3A_931, %select_n3A_921 : vector<16xi1>, vector<16xi32>
      %select_n3A_951 = arith.select %gt3A_947, %select_n3A_921, %select_n3A_931 : vector<16xi1>, vector<16xi32>
      %gt3A_952 = arith.cmpf ogt, %min3A_934, %min3A_924 : vector<16xf32>
      %max3A_953 = arith.maximumf %min3A_924, %min3A_934 : vector<16xf32>
      %min3A_954 = arith.minimumf %min3A_924, %min3A_934 : vector<16xf32>
      %select_n3A_955 = arith.select %gt3A_952, %select_n3A_936, %select_n3A_926 : vector<16xi1>, vector<16xi32>
      %select_n3A_956 = arith.select %gt3A_952, %select_n3A_926, %select_n3A_936 : vector<16xi1>, vector<16xi32>
      %gt3A_957 = arith.cmpf ogt, %max3A_943, %max3A_938 : vector<16xf32>
      %max3A_958 = arith.maximumf %max3A_938, %max3A_943 : vector<16xf32>
      %min3A_959 = arith.minimumf %max3A_938, %max3A_943 : vector<16xf32>
      %select_n3A_960 = arith.select %gt3A_957, %select_n3A_945, %select_n3A_940 : vector<16xi1>, vector<16xi32>
      %select_n3A_961 = arith.select %gt3A_957, %select_n3A_940, %select_n3A_945 : vector<16xi1>, vector<16xi32>
      %gt3A_962 = arith.cmpf ogt, %min3A_944, %min3A_939 : vector<16xf32>
      %max3A_963 = arith.maximumf %min3A_939, %min3A_944 : vector<16xf32>
      %min3A_964 = arith.minimumf %min3A_939, %min3A_944 : vector<16xf32>
      %select_n3A_965 = arith.select %gt3A_962, %select_n3A_946, %select_n3A_941 : vector<16xi1>, vector<16xi32>
      %select_n3A_966 = arith.select %gt3A_962, %select_n3A_941, %select_n3A_946 : vector<16xi1>, vector<16xi32>
      %gt3A_967 = arith.cmpf ogt, %max3A_953, %max3A_948 : vector<16xf32>
      %max3A_968 = arith.maximumf %max3A_948, %max3A_953 : vector<16xf32>
      %min3A_969 = arith.minimumf %max3A_948, %max3A_953 : vector<16xf32>
      %select_n3A_970 = arith.select %gt3A_967, %select_n3A_955, %select_n3A_950 : vector<16xi1>, vector<16xi32>
      %select_n3A_971 = arith.select %gt3A_967, %select_n3A_950, %select_n3A_955 : vector<16xi1>, vector<16xi32>
      %gt3A_972 = arith.cmpf ogt, %min3A_954, %min3A_949 : vector<16xf32>
      %max3A_973 = arith.maximumf %min3A_949, %min3A_954 : vector<16xf32>
      %min3A_974 = arith.minimumf %min3A_949, %min3A_954 : vector<16xf32>
      %select_n3A_975 = arith.select %gt3A_972, %select_n3A_956, %select_n3A_951 : vector<16xi1>, vector<16xi32>
      %select_n3A_976 = arith.select %gt3A_972, %select_n3A_951, %select_n3A_956 : vector<16xi1>, vector<16xi32>
      %get3A_977 = arith.constant 32 : i32
      %get3A_978 = arith.index_cast %get3A_977 : i32 to index
      %get3A_979 = arith.index_cast %multiple_of3A : i32 to index
      %get3A_980 = tpu.vector_load %arg6[%get3A_978, %get3A_979] {strides = array<i32>} : memref<64x512xf32, #tpu.memory_space<vmem>>, vector<1x16xf32>,
      %get3A_981 = vector.shape_cast %get3A_980 : vector<1x16xf32> to vector<16xf32>
      %get3A_982 = arith.constant 33 : i32
      %get3A_983 = arith.index_cast %get3A_982 : i32 to index
      %get3A_984 = arith.index_cast %multiple_of3A : i32 to index
      %get3A_985 = tpu.vector_load %arg6[%get3A_983, %get3A_984] {strides = array<i32>} : memref<64x512xf32, #tpu.memory_space<vmem>>, vector<1x16xf32>,
      %get3A_986 = vector.shape_cast %get3A_985 : vector<1x16xf32> to vector<16xf32>
      %get3A_987 = arith.constant 34 : i32
      %get3A_988 = arith.index_cast %get3A_987 : i32 to index
      %get3A_989 = arith.index_cast %multiple_of3A : i32 to index
      %get3A_990 = tpu.vector_load %arg6[%get3A_988, %get3A_989] {strides = array<i32>} : memref<64x512xf32, #tpu.memory_space<vmem>>, vector<1x16xf32>,
      %get3A_991 = vector.shape_cast %get3A_990 : vector<1x16xf32> to vector<16xf32>
      %get3A_992 = arith.constant 35 : i32
      %get3A_993 = arith.index_cast %get3A_992 : i32 to index
      %get3A_994 = arith.index_cast %multiple_of3A : i32 to index
      %get3A_995 = tpu.vector_load %arg6[%get3A_993, %get3A_994] {strides = array<i32>} : memref<64x512xf32, #tpu.memory_space<vmem>>, vector<1x16xf32>,
      %get3A_996 = vector.shape_cast %get3A_995 : vector<1x16xf32> to vector<16xf32>
      %get3A_997 = arith.constant 36 : i32
      %get3A_998 = arith.index_cast %get3A_997 : i32 to index
      %get3A_999 = arith.index_cast %multiple_of3A : i32 to index
      %get3A_1000 = tpu.vector_load %arg6[%get3A_998, %get3A_999] {strides = array<i32>} : memref<64x512xf32, #tpu.memory_space<vmem>>, vector<1x16xf32>,
      %get3A_1001 = vector.shape_cast %get3A_1000 : vector<1x16xf32> to vector<16xf32>
      %get3A_1002 = arith.constant 37 : i32
      %get3A_1003 = arith.index_cast %get3A_1002 : i32 to index
      %get3A_1004 = arith.index_cast %multiple_of3A : i32 to index
      %get3A_1005 = tpu.vector_load %arg6[%get3A_1003, %get3A_1004] {strides = array<i32>} : memref<64x512xf32, #tpu.memory_space<vmem>>, vector<1x16xf32>,
      %get3A_1006 = vector.shape_cast %get3A_1005 : vector<1x16xf32> to vector<16xf32>
      %get3A_1007 = arith.constant 38 : i32
      %get3A_1008 = arith.index_cast %get3A_1007 : i32 to index
      %get3A_1009 = arith.index_cast %multiple_of3A : i32 to index
      %get3A_1010 = tpu.vector_load %arg6[%get3A_1008, %get3A_1009] {strides = array<i32>} : memref<64x512xf32, #tpu.memory_space<vmem>>, vector<1x16xf32>,
      %get3A_1011 = vector.shape_cast %get3A_1010 : vector<1x16xf32> to vector<16xf32>
      %get3A_1012 = arith.constant 39 : i32
      %get3A_1013 = arith.index_cast %get3A_1012 : i32 to index
      %get3A_1014 = arith.index_cast %multiple_of3A : i32 to index
      %get3A_1015 = tpu.vector_load %arg6[%get3A_1013, %get3A_1014] {strides = array<i32>} : memref<64x512xf32, #tpu.memory_space<vmem>>, vector<1x16xf32>,
      %get3A_1016 = vector.shape_cast %get3A_1015 : vector<1x16xf32> to vector<16xf32>
      %broadcast_in_dim3A_1017 = arith.constant 32 : i32
      %broadcast_in_dim3A_1018 = vector.broadcast %broadcast_in_dim3A_1017 : i32 to vector<16xi32>
      %broadcast_in_dim3A_1019 = arith.constant 33 : i32
      %broadcast_in_dim3A_1020 = vector.broadcast %broadcast_in_dim3A_1019 : i32 to vector<16xi32>
      %broadcast_in_dim3A_1021 = arith.constant 34 : i32
      %broadcast_in_dim3A_1022 = vector.broadcast %broadcast_in_dim3A_1021 : i32 to vector<16xi32>
      %broadcast_in_dim3A_1023 = arith.constant 35 : i32
      %broadcast_in_dim3A_1024 = vector.broadcast %broadcast_in_dim3A_1023 : i32 to vector<16xi32>
      %broadcast_in_dim3A_1025 = arith.constant 36 : i32
      %broadcast_in_dim3A_1026 = vector.broadcast %broadcast_in_dim3A_1025 : i32 to vector<16xi32>
      %broadcast_in_dim3A_1027 = arith.constant 37 : i32
      %broadcast_in_dim3A_1028 = vector.broadcast %broadcast_in_dim3A_1027 : i32 to vector<16xi32>
      %broadcast_in_dim3A_1029 = arith.constant 38 : i32
      %broadcast_in_dim3A_1030 = vector.broadcast %broadcast_in_dim3A_1029 : i32 to vector<16xi32>
      %broadcast_in_dim3A_1031 = arith.constant 39 : i32
      %broadcast_in_dim3A_1032 = vector.broadcast %broadcast_in_dim3A_1031 : i32 to vector<16xi32>
      %gt3A_1033 = arith.cmpf ogt, %get3A_986, %get3A_981 : vector<16xf32>
      %max3A_1034 = arith.maximumf %get3A_981, %get3A_986 : vector<16xf32>
      %min3A_1035 = arith.minimumf %get3A_981, %get3A_986 : vector<16xf32>
      %select_n3A_1036 = arith.select %gt3A_1033, %broadcast_in_dim3A_1020, %broadcast_in_dim3A_1018 : vector<16xi1>, vector<16xi32>
      %select_n3A_1037 = arith.select %gt3A_1033, %broadcast_in_dim3A_1018, %broadcast_in_dim3A_1020 : vector<16xi1>, vector<16xi32>
      %gt3A_1038 = arith.cmpf ogt, %get3A_996, %get3A_991 : vector<16xf32>
      %max3A_1039 = arith.maximumf %get3A_991, %get3A_996 : vector<16xf32>
      %min3A_1040 = arith.minimumf %get3A_991, %get3A_996 : vector<16xf32>
      %select_n3A_1041 = arith.select %gt3A_1038, %broadcast_in_dim3A_1024, %broadcast_in_dim3A_1022 : vector<16xi1>, vector<16xi32>
      %select_n3A_1042 = arith.select %gt3A_1038, %broadcast_in_dim3A_1022, %broadcast_in_dim3A_1024 : vector<16xi1>, vector<16xi32>
      %gt3A_1043 = arith.cmpf ogt, %get3A_1006, %get3A_1001 : vector<16xf32>
      %max3A_1044 = arith.maximumf %get3A_1001, %get3A_1006 : vector<16xf32>
      %min3A_1045 = arith.minimumf %get3A_1001, %get3A_1006 : vector<16xf32>
      %select_n3A_1046 = arith.select %gt3A_1043, %broadcast_in_dim3A_1028, %broadcast_in_dim3A_1026 : vector<16xi1>, vector<16xi32>
      %select_n3A_1047 = arith.select %gt3A_1043, %broadcast_in_dim3A_1026, %broadcast_in_dim3A_1028 : vector<16xi1>, vector<16xi32>
      %gt3A_1048 = arith.cmpf ogt, %get3A_1016, %get3A_1011 : vector<16xf32>
      %max3A_1049 = arith.maximumf %get3A_1011, %get3A_1016 : vector<16xf32>
      %min3A_1050 = arith.minimumf %get3A_1011, %get3A_1016 : vector<16xf32>
      %select_n3A_1051 = arith.select %gt3A_1048, %broadcast_in_dim3A_1032, %broadcast_in_dim3A_1030 : vector<16xi1>, vector<16xi32>
      %select_n3A_1052 = arith.select %gt3A_1048, %broadcast_in_dim3A_1030, %broadcast_in_dim3A_1032 : vector<16xi1>, vector<16xi32>
      %gt3A_1053 = arith.cmpf ogt, %max3A_1039, %max3A_1034 : vector<16xf32>
      %max3A_1054 = arith.maximumf %max3A_1034, %max3A_1039 : vector<16xf32>
      %min3A_1055 = arith.minimumf %max3A_1034, %max3A_1039 : vector<16xf32>
      %select_n3A_1056 = arith.select %gt3A_1053, %select_n3A_1041, %select_n3A_1036 : vector<16xi1>, vector<16xi32>
      %select_n3A_1057 = arith.select %gt3A_1053, %select_n3A_1036, %select_n3A_1041 : vector<16xi1>, vector<16xi32>
      %gt3A_1058 = arith.cmpf ogt, %min3A_1040, %min3A_1035 : vector<16xf32>
      %max3A_1059 = arith.maximumf %min3A_1035, %min3A_1040 : vector<16xf32>
      %min3A_1060 = arith.minimumf %min3A_1035, %min3A_1040 : vector<16xf32>
      %select_n3A_1061 = arith.select %gt3A_1058, %select_n3A_1042, %select_n3A_1037 : vector<16xi1>, vector<16xi32>
      %select_n3A_1062 = arith.select %gt3A_1058, %select_n3A_1037, %select_n3A_1042 : vector<16xi1>, vector<16xi32>
      %gt3A_1063 = arith.cmpf ogt, %max3A_1049, %max3A_1044 : vector<16xf32>
      %max3A_1064 = arith.maximumf %max3A_1044, %max3A_1049 : vector<16xf32>
      %min3A_1065 = arith.minimumf %max3A_1044, %max3A_1049 : vector<16xf32>
      %select_n3A_1066 = arith.select %gt3A_1063, %select_n3A_1051, %select_n3A_1046 : vector<16xi1>, vector<16xi32>
      %select_n3A_1067 = arith.select %gt3A_1063, %select_n3A_1046, %select_n3A_1051 : vector<16xi1>, vector<16xi32>
      %gt3A_1068 = arith.cmpf ogt, %min3A_1050, %min3A_1045 : vector<16xf32>
      %max3A_1069 = arith.maximumf %min3A_1045, %min3A_1050 : vector<16xf32>
      %min3A_1070 = arith.minimumf %min3A_1045, %min3A_1050 : vector<16xf32>
      %select_n3A_1071 = arith.select %gt3A_1068, %select_n3A_1052, %select_n3A_1047 : vector<16xi1>, vector<16xi32>
      %select_n3A_1072 = arith.select %gt3A_1068, %select_n3A_1047, %select_n3A_1052 : vector<16xi1>, vector<16xi32>
      %gt3A_1073 = arith.cmpf ogt, %min3A_1055, %max3A_1059 : vector<16xf32>
      %max3A_1074 = arith.maximumf %max3A_1059, %min3A_1055 : vector<16xf32>
      %min3A_1075 = arith.minimumf %max3A_1059, %min3A_1055 : vector<16xf32>
      %select_n3A_1076 = arith.select %gt3A_1073, %select_n3A_1057, %select_n3A_1061 : vector<16xi1>, vector<16xi32>
      %select_n3A_1077 = arith.select %gt3A_1073, %select_n3A_1061, %select_n3A_1057 : vector<16xi1>, vector<16xi32>
      %gt3A_1078 = arith.cmpf ogt, %min3A_1065, %max3A_1069 : vector<16xf32>
      %max3A_1079 = arith.maximumf %max3A_1069, %min3A_1065 : vector<16xf32>
      %min3A_1080 = arith.minimumf %max3A_1069, %min3A_1065 : vector<16xf32>
      %select_n3A_1081 = arith.select %gt3A_1078, %select_n3A_1067, %select_n3A_1071 : vector<16xi1>, vector<16xi32>
      %select_n3A_1082 = arith.select %gt3A_1078, %select_n3A_1071, %select_n3A_1067 : vector<16xi1>, vector<16xi32>
      %gt3A_1083 = arith.cmpf ogt, %max3A_1064, %max3A_1054 : vector<16xf32>
      %max3A_1084 = arith.maximumf %max3A_1054, %max3A_1064 : vector<16xf32>
      %min3A_1085 = arith.minimumf %max3A_1054, %max3A_1064 : vector<16xf32>
      %select_n3A_1086 = arith.select %gt3A_1083, %select_n3A_1066, %select_n3A_1056 : vector<16xi1>, vector<16xi32>
      %select_n3A_1087 = arith.select %gt3A_1083, %select_n3A_1056, %select_n3A_1066 : vector<16xi1>, vector<16xi32>
      %gt3A_1088 = arith.cmpf ogt, %max3A_1079, %max3A_1074 : vector<16xf32>
      %max3A_1089 = arith.maximumf %max3A_1074, %max3A_1079 : vector<16xf32>
      %min3A_1090 = arith.minimumf %max3A_1074, %max3A_1079 : vector<16xf32>
      %select_n3A_1091 = arith.select %gt3A_1088, %select_n3A_1081, %select_n3A_1076 : vector<16xi1>, vector<16xi32>
      %select_n3A_1092 = arith.select %gt3A_1088, %select_n3A_1076, %select_n3A_1081 : vector<16xi1>, vector<16xi32>
      %gt3A_1093 = arith.cmpf ogt, %min3A_1080, %min3A_1075 : vector<16xf32>
      %max3A_1094 = arith.maximumf %min3A_1075, %min3A_1080 : vector<16xf32>
      %min3A_1095 = arith.minimumf %min3A_1075, %min3A_1080 : vector<16xf32>
      %select_n3A_1096 = arith.select %gt3A_1093, %select_n3A_1082, %select_n3A_1077 : vector<16xi1>, vector<16xi32>
      %select_n3A_1097 = arith.select %gt3A_1093, %select_n3A_1077, %select_n3A_1082 : vector<16xi1>, vector<16xi32>
      %gt3A_1098 = arith.cmpf ogt, %min3A_1070, %min3A_1060 : vector<16xf32>
      %max3A_1099 = arith.maximumf %min3A_1060, %min3A_1070 : vector<16xf32>
      %min3A_1100 = arith.minimumf %min3A_1060, %min3A_1070 : vector<16xf32>
      %select_n3A_1101 = arith.select %gt3A_1098, %select_n3A_1072, %select_n3A_1062 : vector<16xi1>, vector<16xi32>
      %select_n3A_1102 = arith.select %gt3A_1098, %select_n3A_1062, %select_n3A_1072 : vector<16xi1>, vector<16xi32>
      %gt3A_1103 = arith.cmpf ogt, %min3A_1085, %max3A_1094 : vector<16xf32>
      %max3A_1104 = arith.maximumf %max3A_1094, %min3A_1085 : vector<16xf32>
      %min3A_1105 = arith.minimumf %max3A_1094, %min3A_1085 : vector<16xf32>
      %select_n3A_1106 = arith.select %gt3A_1103, %select_n3A_1087, %select_n3A_1096 : vector<16xi1>, vector<16xi32>
      %select_n3A_1107 = arith.select %gt3A_1103, %select_n3A_1096, %select_n3A_1087 : vector<16xi1>, vector<16xi32>
      %gt3A_1108 = arith.cmpf ogt, %min3A_1090, %max3A_1099 : vector<16xf32>
      %max3A_1109 = arith.maximumf %max3A_1099, %min3A_1090 : vector<16xf32>
      %min3A_1110 = arith.minimumf %max3A_1099, %min3A_1090 : vector<16xf32>
      %select_n3A_1111 = arith.select %gt3A_1108, %select_n3A_1092, %select_n3A_1101 : vector<16xi1>, vector<16xi32>
      %select_n3A_1112 = arith.select %gt3A_1108, %select_n3A_1101, %select_n3A_1092 : vector<16xi1>, vector<16xi32>
      %gt3A_1113 = arith.cmpf ogt, %max3A_1104, %max3A_1089 : vector<16xf32>
      %max3A_1114 = arith.maximumf %max3A_1089, %max3A_1104 : vector<16xf32>
      %min3A_1115 = arith.minimumf %max3A_1089, %max3A_1104 : vector<16xf32>
      %select_n3A_1116 = arith.select %gt3A_1113, %select_n3A_1106, %select_n3A_1091 : vector<16xi1>, vector<16xi32>
      %select_n3A_1117 = arith.select %gt3A_1113, %select_n3A_1091, %select_n3A_1106 : vector<16xi1>, vector<16xi32>
      %gt3A_1118 = arith.cmpf ogt, %min3A_1105, %max3A_1109 : vector<16xf32>
      %max3A_1119 = arith.maximumf %max3A_1109, %min3A_1105 : vector<16xf32>
      %min3A_1120 = arith.minimumf %max3A_1109, %min3A_1105 : vector<16xf32>
      %select_n3A_1121 = arith.select %gt3A_1118, %select_n3A_1107, %select_n3A_1111 : vector<16xi1>, vector<16xi32>
      %select_n3A_1122 = arith.select %gt3A_1118, %select_n3A_1111, %select_n3A_1107 : vector<16xi1>, vector<16xi32>
      %gt3A_1123 = arith.cmpf ogt, %min3A_1095, %min3A_1110 : vector<16xf32>
      %max3A_1124 = arith.maximumf %min3A_1110, %min3A_1095 : vector<16xf32>
      %min3A_1125 = arith.minimumf %min3A_1110, %min3A_1095 : vector<16xf32>
      %select_n3A_1126 = arith.select %gt3A_1123, %select_n3A_1097, %select_n3A_1112 : vector<16xi1>, vector<16xi32>
      %select_n3A_1127 = arith.select %gt3A_1123, %select_n3A_1112, %select_n3A_1097 : vector<16xi1>, vector<16xi32>
      %gt3A_1128 = arith.cmpf ogt, %min3A_1100, %max3A_958 : vector<16xf32>
      %select_n3A_1129 = arith.select %gt3A_1128, %min3A_1100, %max3A_958 : vector<16xi1>, vector<16xf32>
      %select_n3A_1130 = arith.select %gt3A_1128, %select_n3A_1102, %select_n3A_960 : vector<16xi1>, vector<16xi32>
      %gt3A_1131 = arith.cmpf ogt, %min3A_1125, %min3A_959 : vector<16xf32>
      %select_n3A_1132 = arith.select %gt3A_1131, %min3A_1125, %min3A_959 : vector<16xi1>, vector<16xf32>
      %select_n3A_1133 = arith.select %gt3A_1131, %select_n3A_1127, %select_n3A_961 : vector<16xi1>, vector<16xi32>
      %gt3A_1134 = arith.cmpf ogt, %max3A_1124, %max3A_963 : vector<16xf32>
      %select_n3A_1135 = arith.select %gt3A_1134, %max3A_1124, %max3A_963 : vector<16xi1>, vector<16xf32>
      %select_n3A_1136 = arith.select %gt3A_1134, %select_n3A_1126, %select_n3A_965 : vector<16xi1>, vector<16xi32>
      %gt3A_1137 = arith.cmpf ogt, %min3A_1120, %min3A_964 : vector<16xf32>
      %select_n3A_1138 = arith.select %gt3A_1137, %min3A_1120, %min3A_964 : vector<16xi1>, vector<16xf32>
      %select_n3A_1139 = arith.select %gt3A_1137, %select_n3A_1122, %select_n3A_966 : vector<16xi1>, vector<16xi32>
      %gt3A_1140 = arith.cmpf ogt, %max3A_1119, %max3A_968 : vector<16xf32>
      %select_n3A_1141 = arith.select %gt3A_1140, %max3A_1119, %max3A_968 : vector<16xi1>, vector<16xf32>
      %select_n3A_1142 = arith.select %gt3A_1140, %select_n3A_1121, %select_n3A_970 : vector<16xi1>, vector<16xi32>
      %gt3A_1143 = arith.cmpf ogt, %min3A_1115, %min3A_969 : vector<16xf32>
      %select_n3A_1144 = arith.select %gt3A_1143, %min3A_1115, %min3A_969 : vector<16xi1>, vector<16xf32>
      %select_n3A_1145 = arith.select %gt3A_1143, %select_n3A_1117, %select_n3A_971 : vector<16xi1>, vector<16xi32>
      %gt3A_1146 = arith.cmpf ogt, %max3A_1114, %max3A_973 : vector<16xf32>
      %select_n3A_1147 = arith.select %gt3A_1146, %max3A_1114, %max3A_973 : vector<16xi1>, vector<16xf32>
      %select_n3A_1148 = arith.select %gt3A_1146, %select_n3A_1116, %select_n3A_975 : vector<16xi1>, vector<16xi32>
      %gt3A_1149 = arith.cmpf ogt, %max3A_1084, %min3A_974 : vector<16xf32>
      %select_n3A_1150 = arith.select %gt3A_1149, %max3A_1084, %min3A_974 : vector<16xi1>, vector<16xf32>
      %select_n3A_1151 = arith.select %gt3A_1149, %select_n3A_1086, %select_n3A_976 : vector<16xi1>, vector<16xi32>
      %gt3A_1152 = arith.cmpf ogt, %select_n3A_1141, %select_n3A_1129 : vector<16xf32>
      %max3A_1153 = arith.maximumf %select_n3A_1129, %select_n3A_1141 : vector<16xf32>
      %min3A_1154 = arith.minimumf %select_n3A_1129, %select_n3A_1141 : vector<16xf32>
      %select_n3A_1155 = arith.select %gt3A_1152, %select_n3A_1142, %select_n3A_1130 : vector<16xi1>, vector<16xi32>
      %select_n3A_1156 = arith.select %gt3A_1152, %select_n3A_1130, %select_n3A_1142 : vector<16xi1>, vector<16xi32>
      %gt3A_1157 = arith.cmpf ogt, %select_n3A_1144, %select_n3A_1132 : vector<16xf32>
      %max3A_1158 = arith.maximumf %select_n3A_1132, %select_n3A_1144 : vector<16xf32>
      %min3A_1159 = arith.minimumf %select_n3A_1132, %select_n3A_1144 : vector<16xf32>
      %select_n3A_1160 = arith.select %gt3A_1157, %select_n3A_1145, %select_n3A_1133 : vector<16xi1>, vector<16xi32>
      %select_n3A_1161 = arith.select %gt3A_1157, %select_n3A_1133, %select_n3A_1145 : vector<16xi1>, vector<16xi32>
      %gt3A_1162 = arith.cmpf ogt, %select_n3A_1147, %select_n3A_1135 : vector<16xf32>
      %max3A_1163 = arith.maximumf %select_n3A_1135, %select_n3A_1147 : vector<16xf32>
      %min3A_1164 = arith.minimumf %select_n3A_1135, %select_n3A_1147 : vector<16xf32>
      %select_n3A_1165 = arith.select %gt3A_1162, %select_n3A_1148, %select_n3A_1136 : vector<16xi1>, vector<16xi32>
      %select_n3A_1166 = arith.select %gt3A_1162, %select_n3A_1136, %select_n3A_1148 : vector<16xi1>, vector<16xi32>
      %gt3A_1167 = arith.cmpf ogt, %select_n3A_1150, %select_n3A_1138 : vector<16xf32>
      %max3A_1168 = arith.maximumf %select_n3A_1138, %select_n3A_1150 : vector<16xf32>
      %min3A_1169 = arith.minimumf %select_n3A_1138, %select_n3A_1150 : vector<16xf32>
      %select_n3A_1170 = arith.select %gt3A_1167, %select_n3A_1151, %select_n3A_1139 : vector<16xi1>, vector<16xi32>
      %select_n3A_1171 = arith.select %gt3A_1167, %select_n3A_1139, %select_n3A_1151 : vector<16xi1>, vector<16xi32>
      %gt3A_1172 = arith.cmpf ogt, %max3A_1163, %max3A_1153 : vector<16xf32>
      %max3A_1173 = arith.maximumf %max3A_1153, %max3A_1163 : vector<16xf32>
      %min3A_1174 = arith.minimumf %max3A_1153, %max3A_1163 : vector<16xf32>
      %select_n3A_1175 = arith.select %gt3A_1172, %select_n3A_1165, %select_n3A_1155 : vector<16xi1>, vector<16xi32>
      %select_n3A_1176 = arith.select %gt3A_1172, %select_n3A_1155, %select_n3A_1165 : vector<16xi1>, vector<16xi32>
      %gt3A_1177 = arith.cmpf ogt, %max3A_1168, %max3A_1158 : vector<16xf32>
      %max3A_1178 = arith.maximumf %max3A_1158, %max3A_1168 : vector<16xf32>
      %min3A_1179 = arith.minimumf %max3A_1158, %max3A_1168 : vector<16xf32>
      %select_n3A_1180 = arith.select %gt3A_1177, %select_n3A_1170, %select_n3A_1160 : vector<16xi1>, vector<16xi32>
      %select_n3A_1181 = arith.select %gt3A_1177, %select_n3A_1160, %select_n3A_1170 : vector<16xi1>, vector<16xi32>
      %gt3A_1182 = arith.cmpf ogt, %min3A_1164, %min3A_1154 : vector<16xf32>
      %max3A_1183 = arith.maximumf %min3A_1154, %min3A_1164 : vector<16xf32>
      %min3A_1184 = arith.minimumf %min3A_1154, %min3A_1164 : vector<16xf32>
      %select_n3A_1185 = arith.select %gt3A_1182, %select_n3A_1166, %select_n3A_1156 : vector<16xi1>, vector<16xi32>
      %select_n3A_1186 = arith.select %gt3A_1182, %select_n3A_1156, %select_n3A_1166 : vector<16xi1>, vector<16xi32>
      %gt3A_1187 = arith.cmpf ogt, %min3A_1169, %min3A_1159 : vector<16xf32>
      %max3A_1188 = arith.maximumf %min3A_1159, %min3A_1169 : vector<16xf32>
      %min3A_1189 = arith.minimumf %min3A_1159, %min3A_1169 : vector<16xf32>
      %select_n3A_1190 = arith.select %gt3A_1187, %select_n3A_1171, %select_n3A_1161 : vector<16xi1>, vector<16xi32>
      %select_n3A_1191 = arith.select %gt3A_1187, %select_n3A_1161, %select_n3A_1171 : vector<16xi1>, vector<16xi32>
      %gt3A_1192 = arith.cmpf ogt, %max3A_1178, %max3A_1173 : vector<16xf32>
      %max3A_1193 = arith.maximumf %max3A_1173, %max3A_1178 : vector<16xf32>
      %min3A_1194 = arith.minimumf %max3A_1173, %max3A_1178 : vector<16xf32>
      %select_n3A_1195 = arith.select %gt3A_1192, %select_n3A_1180, %select_n3A_1175 : vector<16xi1>, vector<16xi32>
      %select_n3A_1196 = arith.select %gt3A_1192, %select_n3A_1175, %select_n3A_1180 : vector<16xi1>, vector<16xi32>
      %gt3A_1197 = arith.cmpf ogt, %min3A_1179, %min3A_1174 : vector<16xf32>
      %max3A_1198 = arith.maximumf %min3A_1174, %min3A_1179 : vector<16xf32>
      %min3A_1199 = arith.minimumf %min3A_1174, %min3A_1179 : vector<16xf32>
      %select_n3A_1200 = arith.select %gt3A_1197, %select_n3A_1181, %select_n3A_1176 : vector<16xi1>, vector<16xi32>
      %select_n3A_1201 = arith.select %gt3A_1197, %select_n3A_1176, %select_n3A_1181 : vector<16xi1>, vector<16xi32>
      %gt3A_1202 = arith.cmpf ogt, %max3A_1188, %max3A_1183 : vector<16xf32>
      %max3A_1203 = arith.maximumf %max3A_1183, %max3A_1188 : vector<16xf32>
      %min3A_1204 = arith.minimumf %max3A_1183, %max3A_1188 : vector<16xf32>
      %select_n3A_1205 = arith.select %gt3A_1202, %select_n3A_1190, %select_n3A_1185 : vector<16xi1>, vector<16xi32>
      %select_n3A_1206 = arith.select %gt3A_1202, %select_n3A_1185, %select_n3A_1190 : vector<16xi1>, vector<16xi32>
      %gt3A_1207 = arith.cmpf ogt, %min3A_1189, %min3A_1184 : vector<16xf32>
      %max3A_1208 = arith.maximumf %min3A_1184, %min3A_1189 : vector<16xf32>
      %min3A_1209 = arith.minimumf %min3A_1184, %min3A_1189 : vector<16xf32>
      %select_n3A_1210 = arith.select %gt3A_1207, %select_n3A_1191, %select_n3A_1186 : vector<16xi1>, vector<16xi32>
      %select_n3A_1211 = arith.select %gt3A_1207, %select_n3A_1186, %select_n3A_1191 : vector<16xi1>, vector<16xi32>
      %get3A_1212 = arith.constant 40 : i32
      %get3A_1213 = arith.index_cast %get3A_1212 : i32 to index
      %get3A_1214 = arith.index_cast %multiple_of3A : i32 to index
      %get3A_1215 = tpu.vector_load %arg6[%get3A_1213, %get3A_1214] {strides = array<i32>} : memref<64x512xf32, #tpu.memory_space<vmem>>, vector<1x16xf32>,
      %get3A_1216 = vector.shape_cast %get3A_1215 : vector<1x16xf32> to vector<16xf32>
      %get3A_1217 = arith.constant 41 : i32
      %get3A_1218 = arith.index_cast %get3A_1217 : i32 to index
      %get3A_1219 = arith.index_cast %multiple_of3A : i32 to index
      %get3A_1220 = tpu.vector_load %arg6[%get3A_1218, %get3A_1219] {strides = array<i32>} : memref<64x512xf32, #tpu.memory_space<vmem>>, vector<1x16xf32>,
      %get3A_1221 = vector.shape_cast %get3A_1220 : vector<1x16xf32> to vector<16xf32>
      %get3A_1222 = arith.constant 42 : i32
      %get3A_1223 = arith.index_cast %get3A_1222 : i32 to index
      %get3A_1224 = arith.index_cast %multiple_of3A : i32 to index
      %get3A_1225 = tpu.vector_load %arg6[%get3A_1223, %get3A_1224] {strides = array<i32>} : memref<64x512xf32, #tpu.memory_space<vmem>>, vector<1x16xf32>,
      %get3A_1226 = vector.shape_cast %get3A_1225 : vector<1x16xf32> to vector<16xf32>
      %get3A_1227 = arith.constant 43 : i32
      %get3A_1228 = arith.index_cast %get3A_1227 : i32 to index
      %get3A_1229 = arith.index_cast %multiple_of3A : i32 to index
      %get3A_1230 = tpu.vector_load %arg6[%get3A_1228, %get3A_1229] {strides = array<i32>} : memref<64x512xf32, #tpu.memory_space<vmem>>, vector<1x16xf32>,
      %get3A_1231 = vector.shape_cast %get3A_1230 : vector<1x16xf32> to vector<16xf32>
      %get3A_1232 = arith.constant 44 : i32
      %get3A_1233 = arith.index_cast %get3A_1232 : i32 to index
      %get3A_1234 = arith.index_cast %multiple_of3A : i32 to index
      %get3A_1235 = tpu.vector_load %arg6[%get3A_1233, %get3A_1234] {strides = array<i32>} : memref<64x512xf32, #tpu.memory_space<vmem>>, vector<1x16xf32>,
      %get3A_1236 = vector.shape_cast %get3A_1235 : vector<1x16xf32> to vector<16xf32>
      %get3A_1237 = arith.constant 45 : i32
      %get3A_1238 = arith.index_cast %get3A_1237 : i32 to index
      %get3A_1239 = arith.index_cast %multiple_of3A : i32 to index
      %get3A_1240 = tpu.vector_load %arg6[%get3A_1238, %get3A_1239] {strides = array<i32>} : memref<64x512xf32, #tpu.memory_space<vmem>>, vector<1x16xf32>,
      %get3A_1241 = vector.shape_cast %get3A_1240 : vector<1x16xf32> to vector<16xf32>
      %get3A_1242 = arith.constant 46 : i32
      %get3A_1243 = arith.index_cast %get3A_1242 : i32 to index
      %get3A_1244 = arith.index_cast %multiple_of3A : i32 to index
      %get3A_1245 = tpu.vector_load %arg6[%get3A_1243, %get3A_1244] {strides = array<i32>} : memref<64x512xf32, #tpu.memory_space<vmem>>, vector<1x16xf32>,
      %get3A_1246 = vector.shape_cast %get3A_1245 : vector<1x16xf32> to vector<16xf32>
      %get3A_1247 = arith.constant 47 : i32
      %get3A_1248 = arith.index_cast %get3A_1247 : i32 to index
      %get3A_1249 = arith.index_cast %multiple_of3A : i32 to index
      %get3A_1250 = tpu.vector_load %arg6[%get3A_1248, %get3A_1249] {strides = array<i32>} : memref<64x512xf32, #tpu.memory_space<vmem>>, vector<1x16xf32>,
      %get3A_1251 = vector.shape_cast %get3A_1250 : vector<1x16xf32> to vector<16xf32>
      %broadcast_in_dim3A_1252 = arith.constant 40 : i32
      %broadcast_in_dim3A_1253 = vector.broadcast %broadcast_in_dim3A_1252 : i32 to vector<16xi32>
      %broadcast_in_dim3A_1254 = arith.constant 41 : i32
      %broadcast_in_dim3A_1255 = vector.broadcast %broadcast_in_dim3A_1254 : i32 to vector<16xi32>
      %broadcast_in_dim3A_1256 = arith.constant 42 : i32
      %broadcast_in_dim3A_1257 = vector.broadcast %broadcast_in_dim3A_1256 : i32 to vector<16xi32>
      %broadcast_in_dim3A_1258 = arith.constant 43 : i32
      %broadcast_in_dim3A_1259 = vector.broadcast %broadcast_in_dim3A_1258 : i32 to vector<16xi32>
      %broadcast_in_dim3A_1260 = arith.constant 44 : i32
      %broadcast_in_dim3A_1261 = vector.broadcast %broadcast_in_dim3A_1260 : i32 to vector<16xi32>
      %broadcast_in_dim3A_1262 = arith.constant 45 : i32
      %broadcast_in_dim3A_1263 = vector.broadcast %broadcast_in_dim3A_1262 : i32 to vector<16xi32>
      %broadcast_in_dim3A_1264 = arith.constant 46 : i32
      %broadcast_in_dim3A_1265 = vector.broadcast %broadcast_in_dim3A_1264 : i32 to vector<16xi32>
      %broadcast_in_dim3A_1266 = arith.constant 47 : i32
      %broadcast_in_dim3A_1267 = vector.broadcast %broadcast_in_dim3A_1266 : i32 to vector<16xi32>
      %gt3A_1268 = arith.cmpf ogt, %get3A_1221, %get3A_1216 : vector<16xf32>
      %max3A_1269 = arith.maximumf %get3A_1216, %get3A_1221 : vector<16xf32>
      %min3A_1270 = arith.minimumf %get3A_1216, %get3A_1221 : vector<16xf32>
      %select_n3A_1271 = arith.select %gt3A_1268, %broadcast_in_dim3A_1255, %broadcast_in_dim3A_1253 : vector<16xi1>, vector<16xi32>
      %select_n3A_1272 = arith.select %gt3A_1268, %broadcast_in_dim3A_1253, %broadcast_in_dim3A_1255 : vector<16xi1>, vector<16xi32>
      %gt3A_1273 = arith.cmpf ogt, %get3A_1231, %get3A_1226 : vector<16xf32>
      %max3A_1274 = arith.maximumf %get3A_1226, %get3A_1231 : vector<16xf32>
      %min3A_1275 = arith.minimumf %get3A_1226, %get3A_1231 : vector<16xf32>
      %select_n3A_1276 = arith.select %gt3A_1273, %broadcast_in_dim3A_1259, %broadcast_in_dim3A_1257 : vector<16xi1>, vector<16xi32>
      %select_n3A_1277 = arith.select %gt3A_1273, %broadcast_in_dim3A_1257, %broadcast_in_dim3A_1259 : vector<16xi1>, vector<16xi32>
      %gt3A_1278 = arith.cmpf ogt, %get3A_1241, %get3A_1236 : vector<16xf32>
      %max3A_1279 = arith.maximumf %get3A_1236, %get3A_1241 : vector<16xf32>
      %min3A_1280 = arith.minimumf %get3A_1236, %get3A_1241 : vector<16xf32>
      %select_n3A_1281 = arith.select %gt3A_1278, %broadcast_in_dim3A_1263, %broadcast_in_dim3A_1261 : vector<16xi1>, vector<16xi32>
      %select_n3A_1282 = arith.select %gt3A_1278, %broadcast_in_dim3A_1261, %broadcast_in_dim3A_1263 : vector<16xi1>, vector<16xi32>
      %gt3A_1283 = arith.cmpf ogt, %get3A_1251, %get3A_1246 : vector<16xf32>
      %max3A_1284 = arith.maximumf %get3A_1246, %get3A_1251 : vector<16xf32>
      %min3A_1285 = arith.minimumf %get3A_1246, %get3A_1251 : vector<16xf32>
      %select_n3A_1286 = arith.select %gt3A_1283, %broadcast_in_dim3A_1267, %broadcast_in_dim3A_1265 : vector<16xi1>, vector<16xi32>
      %select_n3A_1287 = arith.select %gt3A_1283, %broadcast_in_dim3A_1265, %broadcast_in_dim3A_1267 : vector<16xi1>, vector<16xi32>
      %gt3A_1288 = arith.cmpf ogt, %max3A_1274, %max3A_1269 : vector<16xf32>
      %max3A_1289 = arith.maximumf %max3A_1269, %max3A_1274 : vector<16xf32>
      %min3A_1290 = arith.minimumf %max3A_1269, %max3A_1274 : vector<16xf32>
      %select_n3A_1291 = arith.select %gt3A_1288, %select_n3A_1276, %select_n3A_1271 : vector<16xi1>, vector<16xi32>
      %select_n3A_1292 = arith.select %gt3A_1288, %select_n3A_1271, %select_n3A_1276 : vector<16xi1>, vector<16xi32>
      %gt3A_1293 = arith.cmpf ogt, %min3A_1275, %min3A_1270 : vector<16xf32>
      %max3A_1294 = arith.maximumf %min3A_1270, %min3A_1275 : vector<16xf32>
      %min3A_1295 = arith.minimumf %min3A_1270, %min3A_1275 : vector<16xf32>
      %select_n3A_1296 = arith.select %gt3A_1293, %select_n3A_1277, %select_n3A_1272 : vector<16xi1>, vector<16xi32>
      %select_n3A_1297 = arith.select %gt3A_1293, %select_n3A_1272, %select_n3A_1277 : vector<16xi1>, vector<16xi32>
      %gt3A_1298 = arith.cmpf ogt, %max3A_1284, %max3A_1279 : vector<16xf32>
      %max3A_1299 = arith.maximumf %max3A_1279, %max3A_1284 : vector<16xf32>
      %min3A_1300 = arith.minimumf %max3A_1279, %max3A_1284 : vector<16xf32>
      %select_n3A_1301 = arith.select %gt3A_1298, %select_n3A_1286, %select_n3A_1281 : vector<16xi1>, vector<16xi32>
      %select_n3A_1302 = arith.select %gt3A_1298, %select_n3A_1281, %select_n3A_1286 : vector<16xi1>, vector<16xi32>
      %gt3A_1303 = arith.cmpf ogt, %min3A_1285, %min3A_1280 : vector<16xf32>
      %max3A_1304 = arith.maximumf %min3A_1280, %min3A_1285 : vector<16xf32>
      %min3A_1305 = arith.minimumf %min3A_1280, %min3A_1285 : vector<16xf32>
      %select_n3A_1306 = arith.select %gt3A_1303, %select_n3A_1287, %select_n3A_1282 : vector<16xi1>, vector<16xi32>
      %select_n3A_1307 = arith.select %gt3A_1303, %select_n3A_1282, %select_n3A_1287 : vector<16xi1>, vector<16xi32>
      %gt3A_1308 = arith.cmpf ogt, %min3A_1290, %max3A_1294 : vector<16xf32>
      %max3A_1309 = arith.maximumf %max3A_1294, %min3A_1290 : vector<16xf32>
      %min3A_1310 = arith.minimumf %max3A_1294, %min3A_1290 : vector<16xf32>
      %select_n3A_1311 = arith.select %gt3A_1308, %select_n3A_1292, %select_n3A_1296 : vector<16xi1>, vector<16xi32>
      %select_n3A_1312 = arith.select %gt3A_1308, %select_n3A_1296, %select_n3A_1292 : vector<16xi1>, vector<16xi32>
      %gt3A_1313 = arith.cmpf ogt, %min3A_1300, %max3A_1304 : vector<16xf32>
      %max3A_1314 = arith.maximumf %max3A_1304, %min3A_1300 : vector<16xf32>
      %min3A_1315 = arith.minimumf %max3A_1304, %min3A_1300 : vector<16xf32>
      %select_n3A_1316 = arith.select %gt3A_1313, %select_n3A_1302, %select_n3A_1306 : vector<16xi1>, vector<16xi32>
      %select_n3A_1317 = arith.select %gt3A_1313, %select_n3A_1306, %select_n3A_1302 : vector<16xi1>, vector<16xi32>
      %gt3A_1318 = arith.cmpf ogt, %max3A_1299, %max3A_1289 : vector<16xf32>
      %max3A_1319 = arith.maximumf %max3A_1289, %max3A_1299 : vector<16xf32>
      %min3A_1320 = arith.minimumf %max3A_1289, %max3A_1299 : vector<16xf32>
      %select_n3A_1321 = arith.select %gt3A_1318, %select_n3A_1301, %select_n3A_1291 : vector<16xi1>, vector<16xi32>
      %select_n3A_1322 = arith.select %gt3A_1318, %select_n3A_1291, %select_n3A_1301 : vector<16xi1>, vector<16xi32>
      %gt3A_1323 = arith.cmpf ogt, %max3A_1314, %max3A_1309 : vector<16xf32>
      %max3A_1324 = arith.maximumf %max3A_1309, %max3A_1314 : vector<16xf32>
      %min3A_1325 = arith.minimumf %max3A_1309, %max3A_1314 : vector<16xf32>
      %select_n3A_1326 = arith.select %gt3A_1323, %select_n3A_1316, %select_n3A_1311 : vector<16xi1>, vector<16xi32>
      %select_n3A_1327 = arith.select %gt3A_1323, %select_n3A_1311, %select_n3A_1316 : vector<16xi1>, vector<16xi32>
      %gt3A_1328 = arith.cmpf ogt, %min3A_1315, %min3A_1310 : vector<16xf32>
      %max3A_1329 = arith.maximumf %min3A_1310, %min3A_1315 : vector<16xf32>
      %min3A_1330 = arith.minimumf %min3A_1310, %min3A_1315 : vector<16xf32>
      %select_n3A_1331 = arith.select %gt3A_1328, %select_n3A_1317, %select_n3A_1312 : vector<16xi1>, vector<16xi32>
      %select_n3A_1332 = arith.select %gt3A_1328, %select_n3A_1312, %select_n3A_1317 : vector<16xi1>, vector<16xi32>
      %gt3A_1333 = arith.cmpf ogt, %min3A_1305, %min3A_1295 : vector<16xf32>
      %max3A_1334 = arith.maximumf %min3A_1295, %min3A_1305 : vector<16xf32>
      %min3A_1335 = arith.minimumf %min3A_1295, %min3A_1305 : vector<16xf32>
      %select_n3A_1336 = arith.select %gt3A_1333, %select_n3A_1307, %select_n3A_1297 : vector<16xi1>, vector<16xi32>
      %select_n3A_1337 = arith.select %gt3A_1333, %select_n3A_1297, %select_n3A_1307 : vector<16xi1>, vector<16xi32>
      %gt3A_1338 = arith.cmpf ogt, %min3A_1320, %max3A_1329 : vector<16xf32>
      %max3A_1339 = arith.maximumf %max3A_1329, %min3A_1320 : vector<16xf32>
      %min3A_1340 = arith.minimumf %max3A_1329, %min3A_1320 : vector<16xf32>
      %select_n3A_1341 = arith.select %gt3A_1338, %select_n3A_1322, %select_n3A_1331 : vector<16xi1>, vector<16xi32>
      %select_n3A_1342 = arith.select %gt3A_1338, %select_n3A_1331, %select_n3A_1322 : vector<16xi1>, vector<16xi32>
      %gt3A_1343 = arith.cmpf ogt, %min3A_1325, %max3A_1334 : vector<16xf32>
      %max3A_1344 = arith.maximumf %max3A_1334, %min3A_1325 : vector<16xf32>
      %min3A_1345 = arith.minimumf %max3A_1334, %min3A_1325 : vector<16xf32>
      %select_n3A_1346 = arith.select %gt3A_1343, %select_n3A_1327, %select_n3A_1336 : vector<16xi1>, vector<16xi32>
      %select_n3A_1347 = arith.select %gt3A_1343, %select_n3A_1336, %select_n3A_1327 : vector<16xi1>, vector<16xi32>
      %gt3A_1348 = arith.cmpf ogt, %max3A_1339, %max3A_1324 : vector<16xf32>
      %max3A_1349 = arith.maximumf %max3A_1324, %max3A_1339 : vector<16xf32>
      %min3A_1350 = arith.minimumf %max3A_1324, %max3A_1339 : vector<16xf32>
      %select_n3A_1351 = arith.select %gt3A_1348, %select_n3A_1341, %select_n3A_1326 : vector<16xi1>, vector<16xi32>
      %select_n3A_1352 = arith.select %gt3A_1348, %select_n3A_1326, %select_n3A_1341 : vector<16xi1>, vector<16xi32>
      %gt3A_1353 = arith.cmpf ogt, %min3A_1340, %max3A_1344 : vector<16xf32>
      %max3A_1354 = arith.maximumf %max3A_1344, %min3A_1340 : vector<16xf32>
      %min3A_1355 = arith.minimumf %max3A_1344, %min3A_1340 : vector<16xf32>
      %select_n3A_1356 = arith.select %gt3A_1353, %select_n3A_1342, %select_n3A_1346 : vector<16xi1>, vector<16xi32>
      %select_n3A_1357 = arith.select %gt3A_1353, %select_n3A_1346, %select_n3A_1342 : vector<16xi1>, vector<16xi32>
      %gt3A_1358 = arith.cmpf ogt, %min3A_1330, %min3A_1345 : vector<16xf32>
      %max3A_1359 = arith.maximumf %min3A_1345, %min3A_1330 : vector<16xf32>
      %min3A_1360 = arith.minimumf %min3A_1345, %min3A_1330 : vector<16xf32>
      %select_n3A_1361 = arith.select %gt3A_1358, %select_n3A_1332, %select_n3A_1347 : vector<16xi1>, vector<16xi32>
      %select_n3A_1362 = arith.select %gt3A_1358, %select_n3A_1347, %select_n3A_1332 : vector<16xi1>, vector<16xi32>
      %gt3A_1363 = arith.cmpf ogt, %min3A_1335, %max3A_1193 : vector<16xf32>
      %select_n3A_1364 = arith.select %gt3A_1363, %min3A_1335, %max3A_1193 : vector<16xi1>, vector<16xf32>
      %select_n3A_1365 = arith.select %gt3A_1363, %select_n3A_1337, %select_n3A_1195 : vector<16xi1>, vector<16xi32>
      %gt3A_1366 = arith.cmpf ogt, %min3A_1360, %min3A_1194 : vector<16xf32>
      %select_n3A_1367 = arith.select %gt3A_1366, %min3A_1360, %min3A_1194 : vector<16xi1>, vector<16xf32>
      %select_n3A_1368 = arith.select %gt3A_1366, %select_n3A_1362, %select_n3A_1196 : vector<16xi1>, vector<16xi32>
      %gt3A_1369 = arith.cmpf ogt, %max3A_1359, %max3A_1198 : vector<16xf32>
      %select_n3A_1370 = arith.select %gt3A_1369, %max3A_1359, %max3A_1198 : vector<16xi1>, vector<16xf32>
      %select_n3A_1371 = arith.select %gt3A_1369, %select_n3A_1361, %select_n3A_1200 : vector<16xi1>, vector<16xi32>
      %gt3A_1372 = arith.cmpf ogt, %min3A_1355, %min3A_1199 : vector<16xf32>
      %select_n3A_1373 = arith.select %gt3A_1372, %min3A_1355, %min3A_1199 : vector<16xi1>, vector<16xf32>
      %select_n3A_1374 = arith.select %gt3A_1372, %select_n3A_1357, %select_n3A_1201 : vector<16xi1>, vector<16xi32>
      %gt3A_1375 = arith.cmpf ogt, %max3A_1354, %max3A_1203 : vector<16xf32>
      %select_n3A_1376 = arith.select %gt3A_1375, %max3A_1354, %max3A_1203 : vector<16xi1>, vector<16xf32>
      %select_n3A_1377 = arith.select %gt3A_1375, %select_n3A_1356, %select_n3A_1205 : vector<16xi1>, vector<16xi32>
      %gt3A_1378 = arith.cmpf ogt, %min3A_1350, %min3A_1204 : vector<16xf32>
      %select_n3A_1379 = arith.select %gt3A_1378, %min3A_1350, %min3A_1204 : vector<16xi1>, vector<16xf32>
      %select_n3A_1380 = arith.select %gt3A_1378, %select_n3A_1352, %select_n3A_1206 : vector<16xi1>, vector<16xi32>
      %gt3A_1381 = arith.cmpf ogt, %max3A_1349, %max3A_1208 : vector<16xf32>
      %select_n3A_1382 = arith.select %gt3A_1381, %max3A_1349, %max3A_1208 : vector<16xi1>, vector<16xf32>
      %select_n3A_1383 = arith.select %gt3A_1381, %select_n3A_1351, %select_n3A_1210 : vector<16xi1>, vector<16xi32>
      %gt3A_1384 = arith.cmpf ogt, %max3A_1319, %min3A_1209 : vector<16xf32>
      %select_n3A_1385 = arith.select %gt3A_1384, %max3A_1319, %min3A_1209 : vector<16xi1>, vector<16xf32>
      %select_n3A_1386 = arith.select %gt3A_1384, %select_n3A_1321, %select_n3A_1211 : vector<16xi1>, vector<16xi32>
      %gt3A_1387 = arith.cmpf ogt, %select_n3A_1376, %select_n3A_1364 : vector<16xf32>
      %max3A_1388 = arith.maximumf %select_n3A_1364, %select_n3A_1376 : vector<16xf32>
      %min3A_1389 = arith.minimumf %select_n3A_1364, %select_n3A_1376 : vector<16xf32>
      %select_n3A_1390 = arith.select %gt3A_1387, %select_n3A_1377, %select_n3A_1365 : vector<16xi1>, vector<16xi32>
      %select_n3A_1391 = arith.select %gt3A_1387, %select_n3A_1365, %select_n3A_1377 : vector<16xi1>, vector<16xi32>
      %gt3A_1392 = arith.cmpf ogt, %select_n3A_1379, %select_n3A_1367 : vector<16xf32>
      %max3A_1393 = arith.maximumf %select_n3A_1367, %select_n3A_1379 : vector<16xf32>
      %min3A_1394 = arith.minimumf %select_n3A_1367, %select_n3A_1379 : vector<16xf32>
      %select_n3A_1395 = arith.select %gt3A_1392, %select_n3A_1380, %select_n3A_1368 : vector<16xi1>, vector<16xi32>
      %select_n3A_1396 = arith.select %gt3A_1392, %select_n3A_1368, %select_n3A_1380 : vector<16xi1>, vector<16xi32>
      %gt3A_1397 = arith.cmpf ogt, %select_n3A_1382, %select_n3A_1370 : vector<16xf32>
      %max3A_1398 = arith.maximumf %select_n3A_1370, %select_n3A_1382 : vector<16xf32>
      %min3A_1399 = arith.minimumf %select_n3A_1370, %select_n3A_1382 : vector<16xf32>
      %select_n3A_1400 = arith.select %gt3A_1397, %select_n3A_1383, %select_n3A_1371 : vector<16xi1>, vector<16xi32>
      %select_n3A_1401 = arith.select %gt3A_1397, %select_n3A_1371, %select_n3A_1383 : vector<16xi1>, vector<16xi32>
      %gt3A_1402 = arith.cmpf ogt, %select_n3A_1385, %select_n3A_1373 : vector<16xf32>
      %max3A_1403 = arith.maximumf %select_n3A_1373, %select_n3A_1385 : vector<16xf32>
      %min3A_1404 = arith.minimumf %select_n3A_1373, %select_n3A_1385 : vector<16xf32>
      %select_n3A_1405 = arith.select %gt3A_1402, %select_n3A_1386, %select_n3A_1374 : vector<16xi1>, vector<16xi32>
      %select_n3A_1406 = arith.select %gt3A_1402, %select_n3A_1374, %select_n3A_1386 : vector<16xi1>, vector<16xi32>
      %gt3A_1407 = arith.cmpf ogt, %max3A_1398, %max3A_1388 : vector<16xf32>
      %max3A_1408 = arith.maximumf %max3A_1388, %max3A_1398 : vector<16xf32>
      %min3A_1409 = arith.minimumf %max3A_1388, %max3A_1398 : vector<16xf32>
      %select_n3A_1410 = arith.select %gt3A_1407, %select_n3A_1400, %select_n3A_1390 : vector<16xi1>, vector<16xi32>
      %select_n3A_1411 = arith.select %gt3A_1407, %select_n3A_1390, %select_n3A_1400 : vector<16xi1>, vector<16xi32>
      %gt3A_1412 = arith.cmpf ogt, %max3A_1403, %max3A_1393 : vector<16xf32>
      %max3A_1413 = arith.maximumf %max3A_1393, %max3A_1403 : vector<16xf32>
      %min3A_1414 = arith.minimumf %max3A_1393, %max3A_1403 : vector<16xf32>
      %select_n3A_1415 = arith.select %gt3A_1412, %select_n3A_1405, %select_n3A_1395 : vector<16xi1>, vector<16xi32>
      %select_n3A_1416 = arith.select %gt3A_1412, %select_n3A_1395, %select_n3A_1405 : vector<16xi1>, vector<16xi32>
      %gt3A_1417 = arith.cmpf ogt, %min3A_1399, %min3A_1389 : vector<16xf32>
      %max3A_1418 = arith.maximumf %min3A_1389, %min3A_1399 : vector<16xf32>
      %min3A_1419 = arith.minimumf %min3A_1389, %min3A_1399 : vector<16xf32>
      %select_n3A_1420 = arith.select %gt3A_1417, %select_n3A_1401, %select_n3A_1391 : vector<16xi1>, vector<16xi32>
      %select_n3A_1421 = arith.select %gt3A_1417, %select_n3A_1391, %select_n3A_1401 : vector<16xi1>, vector<16xi32>
      %gt3A_1422 = arith.cmpf ogt, %min3A_1404, %min3A_1394 : vector<16xf32>
      %max3A_1423 = arith.maximumf %min3A_1394, %min3A_1404 : vector<16xf32>
      %min3A_1424 = arith.minimumf %min3A_1394, %min3A_1404 : vector<16xf32>
      %select_n3A_1425 = arith.select %gt3A_1422, %select_n3A_1406, %select_n3A_1396 : vector<16xi1>, vector<16xi32>
      %select_n3A_1426 = arith.select %gt3A_1422, %select_n3A_1396, %select_n3A_1406 : vector<16xi1>, vector<16xi32>
      %gt3A_1427 = arith.cmpf ogt, %max3A_1413, %max3A_1408 : vector<16xf32>
      %max3A_1428 = arith.maximumf %max3A_1408, %max3A_1413 : vector<16xf32>
      %min3A_1429 = arith.minimumf %max3A_1408, %max3A_1413 : vector<16xf32>
      %select_n3A_1430 = arith.select %gt3A_1427, %select_n3A_1415, %select_n3A_1410 : vector<16xi1>, vector<16xi32>
      %select_n3A_1431 = arith.select %gt3A_1427, %select_n3A_1410, %select_n3A_1415 : vector<16xi1>, vector<16xi32>
      %gt3A_1432 = arith.cmpf ogt, %min3A_1414, %min3A_1409 : vector<16xf32>
      %max3A_1433 = arith.maximumf %min3A_1409, %min3A_1414 : vector<16xf32>
      %min3A_1434 = arith.minimumf %min3A_1409, %min3A_1414 : vector<16xf32>
      %select_n3A_1435 = arith.select %gt3A_1432, %select_n3A_1416, %select_n3A_1411 : vector<16xi1>, vector<16xi32>
      %select_n3A_1436 = arith.select %gt3A_1432, %select_n3A_1411, %select_n3A_1416 : vector<16xi1>, vector<16xi32>
      %gt3A_1437 = arith.cmpf ogt, %max3A_1423, %max3A_1418 : vector<16xf32>
      %max3A_1438 = arith.maximumf %max3A_1418, %max3A_1423 : vector<16xf32>
      %min3A_1439 = arith.minimumf %max3A_1418, %max3A_1423 : vector<16xf32>
      %select_n3A_1440 = arith.select %gt3A_1437, %select_n3A_1425, %select_n3A_1420 : vector<16xi1>, vector<16xi32>
      %select_n3A_1441 = arith.select %gt3A_1437, %select_n3A_1420, %select_n3A_1425 : vector<16xi1>, vector<16xi32>
      %gt3A_1442 = arith.cmpf ogt, %min3A_1424, %min3A_1419 : vector<16xf32>
      %max3A_1443 = arith.maximumf %min3A_1419, %min3A_1424 : vector<16xf32>
      %min3A_1444 = arith.minimumf %min3A_1419, %min3A_1424 : vector<16xf32>
      %select_n3A_1445 = arith.select %gt3A_1442, %select_n3A_1426, %select_n3A_1421 : vector<16xi1>, vector<16xi32>
      %select_n3A_1446 = arith.select %gt3A_1442, %select_n3A_1421, %select_n3A_1426 : vector<16xi1>, vector<16xi32>
      %get3A_1447 = arith.constant 48 : i32
      %get3A_1448 = arith.index_cast %get3A_1447 : i32 to index
      %get3A_1449 = arith.index_cast %multiple_of3A : i32 to index
      %get3A_1450 = tpu.vector_load %arg6[%get3A_1448, %get3A_1449] {strides = array<i32>} : memref<64x512xf32, #tpu.memory_space<vmem>>, vector<1x16xf32>,
      %get3A_1451 = vector.shape_cast %get3A_1450 : vector<1x16xf32> to vector<16xf32>
      %get3A_1452 = arith.constant 49 : i32
      %get3A_1453 = arith.index_cast %get3A_1452 : i32 to index
      %get3A_1454 = arith.index_cast %multiple_of3A : i32 to index
      %get3A_1455 = tpu.vector_load %arg6[%get3A_1453, %get3A_1454] {strides = array<i32>} : memref<64x512xf32, #tpu.memory_space<vmem>>, vector<1x16xf32>,
      %get3A_1456 = vector.shape_cast %get3A_1455 : vector<1x16xf32> to vector<16xf32>
      %get3A_1457 = arith.constant 50 : i32
      %get3A_1458 = arith.index_cast %get3A_1457 : i32 to index
      %get3A_1459 = arith.index_cast %multiple_of3A : i32 to index
      %get3A_1460 = tpu.vector_load %arg6[%get3A_1458, %get3A_1459] {strides = array<i32>} : memref<64x512xf32, #tpu.memory_space<vmem>>, vector<1x16xf32>,
      %get3A_1461 = vector.shape_cast %get3A_1460 : vector<1x16xf32> to vector<16xf32>
      %get3A_1462 = arith.constant 51 : i32
      %get3A_1463 = arith.index_cast %get3A_1462 : i32 to index
      %get3A_1464 = arith.index_cast %multiple_of3A : i32 to index
      %get3A_1465 = tpu.vector_load %arg6[%get3A_1463, %get3A_1464] {strides = array<i32>} : memref<64x512xf32, #tpu.memory_space<vmem>>, vector<1x16xf32>,
      %get3A_1466 = vector.shape_cast %get3A_1465 : vector<1x16xf32> to vector<16xf32>
      %get3A_1467 = arith.constant 52 : i32
      %get3A_1468 = arith.index_cast %get3A_1467 : i32 to index
      %get3A_1469 = arith.index_cast %multiple_of3A : i32 to index
      %get3A_1470 = tpu.vector_load %arg6[%get3A_1468, %get3A_1469] {strides = array<i32>} : memref<64x512xf32, #tpu.memory_space<vmem>>, vector<1x16xf32>,
      %get3A_1471 = vector.shape_cast %get3A_1470 : vector<1x16xf32> to vector<16xf32>
      %get3A_1472 = arith.constant 53 : i32
      %get3A_1473 = arith.index_cast %get3A_1472 : i32 to index
      %get3A_1474 = arith.index_cast %multiple_of3A : i32 to index
      %get3A_1475 = tpu.vector_load %arg6[%get3A_1473, %get3A_1474] {strides = array<i32>} : memref<64x512xf32, #tpu.memory_space<vmem>>, vector<1x16xf32>,
      %get3A_1476 = vector.shape_cast %get3A_1475 : vector<1x16xf32> to vector<16xf32>
      %get3A_1477 = arith.constant 54 : i32
      %get3A_1478 = arith.index_cast %get3A_1477 : i32 to index
      %get3A_1479 = arith.index_cast %multiple_of3A : i32 to index
      %get3A_1480 = tpu.vector_load %arg6[%get3A_1478, %get3A_1479] {strides = array<i32>} : memref<64x512xf32, #tpu.memory_space<vmem>>, vector<1x16xf32>,
      %get3A_1481 = vector.shape_cast %get3A_1480 : vector<1x16xf32> to vector<16xf32>
      %get3A_1482 = arith.constant 55 : i32
      %get3A_1483 = arith.index_cast %get3A_1482 : i32 to index
      %get3A_1484 = arith.index_cast %multiple_of3A : i32 to index
      %get3A_1485 = tpu.vector_load %arg6[%get3A_1483, %get3A_1484] {strides = array<i32>} : memref<64x512xf32, #tpu.memory_space<vmem>>, vector<1x16xf32>,
      %get3A_1486 = vector.shape_cast %get3A_1485 : vector<1x16xf32> to vector<16xf32>
      %broadcast_in_dim3A_1487 = arith.constant 48 : i32
      %broadcast_in_dim3A_1488 = vector.broadcast %broadcast_in_dim3A_1487 : i32 to vector<16xi32>
      %broadcast_in_dim3A_1489 = arith.constant 49 : i32
      %broadcast_in_dim3A_1490 = vector.broadcast %broadcast_in_dim3A_1489 : i32 to vector<16xi32>
      %broadcast_in_dim3A_1491 = arith.constant 50 : i32
      %broadcast_in_dim3A_1492 = vector.broadcast %broadcast_in_dim3A_1491 : i32 to vector<16xi32>
      %broadcast_in_dim3A_1493 = arith.constant 51 : i32
      %broadcast_in_dim3A_1494 = vector.broadcast %broadcast_in_dim3A_1493 : i32 to vector<16xi32>
      %broadcast_in_dim3A_1495 = arith.constant 52 : i32
      %broadcast_in_dim3A_1496 = vector.broadcast %broadcast_in_dim3A_1495 : i32 to vector<16xi32>
      %broadcast_in_dim3A_1497 = arith.constant 53 : i32
      %broadcast_in_dim3A_1498 = vector.broadcast %broadcast_in_dim3A_1497 : i32 to vector<16xi32>
      %broadcast_in_dim3A_1499 = arith.constant 54 : i32
      %broadcast_in_dim3A_1500 = vector.broadcast %broadcast_in_dim3A_1499 : i32 to vector<16xi32>
      %broadcast_in_dim3A_1501 = arith.constant 55 : i32
      %broadcast_in_dim3A_1502 = vector.broadcast %broadcast_in_dim3A_1501 : i32 to vector<16xi32>
      %gt3A_1503 = arith.cmpf ogt, %get3A_1456, %get3A_1451 : vector<16xf32>
      %max3A_1504 = arith.maximumf %get3A_1451, %get3A_1456 : vector<16xf32>
      %min3A_1505 = arith.minimumf %get3A_1451, %get3A_1456 : vector<16xf32>
      %select_n3A_1506 = arith.select %gt3A_1503, %broadcast_in_dim3A_1490, %broadcast_in_dim3A_1488 : vector<16xi1>, vector<16xi32>
      %select_n3A_1507 = arith.select %gt3A_1503, %broadcast_in_dim3A_1488, %broadcast_in_dim3A_1490 : vector<16xi1>, vector<16xi32>
      %gt3A_1508 = arith.cmpf ogt, %get3A_1466, %get3A_1461 : vector<16xf32>
      %max3A_1509 = arith.maximumf %get3A_1461, %get3A_1466 : vector<16xf32>
      %min3A_1510 = arith.minimumf %get3A_1461, %get3A_1466 : vector<16xf32>
      %select_n3A_1511 = arith.select %gt3A_1508, %broadcast_in_dim3A_1494, %broadcast_in_dim3A_1492 : vector<16xi1>, vector<16xi32>
      %select_n3A_1512 = arith.select %gt3A_1508, %broadcast_in_dim3A_1492, %broadcast_in_dim3A_1494 : vector<16xi1>, vector<16xi32>
      %gt3A_1513 = arith.cmpf ogt, %get3A_1476, %get3A_1471 : vector<16xf32>
      %max3A_1514 = arith.maximumf %get3A_1471, %get3A_1476 : vector<16xf32>
      %min3A_1515 = arith.minimumf %get3A_1471, %get3A_1476 : vector<16xf32>
      %select_n3A_1516 = arith.select %gt3A_1513, %broadcast_in_dim3A_1498, %broadcast_in_dim3A_1496 : vector<16xi1>, vector<16xi32>
      %select_n3A_1517 = arith.select %gt3A_1513, %broadcast_in_dim3A_1496, %broadcast_in_dim3A_1498 : vector<16xi1>, vector<16xi32>
      %gt3A_1518 = arith.cmpf ogt, %get3A_1486, %get3A_1481 : vector<16xf32>
      %max3A_1519 = arith.maximumf %get3A_1481, %get3A_1486 : vector<16xf32>
      %min3A_1520 = arith.minimumf %get3A_1481, %get3A_1486 : vector<16xf32>
      %select_n3A_1521 = arith.select %gt3A_1518, %broadcast_in_dim3A_1502, %broadcast_in_dim3A_1500 : vector<16xi1>, vector<16xi32>
      %select_n3A_1522 = arith.select %gt3A_1518, %broadcast_in_dim3A_1500, %broadcast_in_dim3A_1502 : vector<16xi1>, vector<16xi32>
      %gt3A_1523 = arith.cmpf ogt, %max3A_1509, %max3A_1504 : vector<16xf32>
      %max3A_1524 = arith.maximumf %max3A_1504, %max3A_1509 : vector<16xf32>
      %min3A_1525 = arith.minimumf %max3A_1504, %max3A_1509 : vector<16xf32>
      %select_n3A_1526 = arith.select %gt3A_1523, %select_n3A_1511, %select_n3A_1506 : vector<16xi1>, vector<16xi32>
      %select_n3A_1527 = arith.select %gt3A_1523, %select_n3A_1506, %select_n3A_1511 : vector<16xi1>, vector<16xi32>
      %gt3A_1528 = arith.cmpf ogt, %min3A_1510, %min3A_1505 : vector<16xf32>
      %max3A_1529 = arith.maximumf %min3A_1505, %min3A_1510 : vector<16xf32>
      %min3A_1530 = arith.minimumf %min3A_1505, %min3A_1510 : vector<16xf32>
      %select_n3A_1531 = arith.select %gt3A_1528, %select_n3A_1512, %select_n3A_1507 : vector<16xi1>, vector<16xi32>
      %select_n3A_1532 = arith.select %gt3A_1528, %select_n3A_1507, %select_n3A_1512 : vector<16xi1>, vector<16xi32>
      %gt3A_1533 = arith.cmpf ogt, %max3A_1519, %max3A_1514 : vector<16xf32>
      %max3A_1534 = arith.maximumf %max3A_1514, %max3A_1519 : vector<16xf32>
      %min3A_1535 = arith.minimumf %max3A_1514, %max3A_1519 : vector<16xf32>
      %select_n3A_1536 = arith.select %gt3A_1533, %select_n3A_1521, %select_n3A_1516 : vector<16xi1>, vector<16xi32>
      %select_n3A_1537 = arith.select %gt3A_1533, %select_n3A_1516, %select_n3A_1521 : vector<16xi1>, vector<16xi32>
      %gt3A_1538 = arith.cmpf ogt, %min3A_1520, %min3A_1515 : vector<16xf32>
      %max3A_1539 = arith.maximumf %min3A_1515, %min3A_1520 : vector<16xf32>
      %min3A_1540 = arith.minimumf %min3A_1515, %min3A_1520 : vector<16xf32>
      %select_n3A_1541 = arith.select %gt3A_1538, %select_n3A_1522, %select_n3A_1517 : vector<16xi1>, vector<16xi32>
      %select_n3A_1542 = arith.select %gt3A_1538, %select_n3A_1517, %select_n3A_1522 : vector<16xi1>, vector<16xi32>
      %gt3A_1543 = arith.cmpf ogt, %min3A_1525, %max3A_1529 : vector<16xf32>
      %max3A_1544 = arith.maximumf %max3A_1529, %min3A_1525 : vector<16xf32>
      %min3A_1545 = arith.minimumf %max3A_1529, %min3A_1525 : vector<16xf32>
      %select_n3A_1546 = arith.select %gt3A_1543, %select_n3A_1527, %select_n3A_1531 : vector<16xi1>, vector<16xi32>
      %select_n3A_1547 = arith.select %gt3A_1543, %select_n3A_1531, %select_n3A_1527 : vector<16xi1>, vector<16xi32>
      %gt3A_1548 = arith.cmpf ogt, %min3A_1535, %max3A_1539 : vector<16xf32>
      %max3A_1549 = arith.maximumf %max3A_1539, %min3A_1535 : vector<16xf32>
      %min3A_1550 = arith.minimumf %max3A_1539, %min3A_1535 : vector<16xf32>
      %select_n3A_1551 = arith.select %gt3A_1548, %select_n3A_1537, %select_n3A_1541 : vector<16xi1>, vector<16xi32>
      %select_n3A_1552 = arith.select %gt3A_1548, %select_n3A_1541, %select_n3A_1537 : vector<16xi1>, vector<16xi32>
      %gt3A_1553 = arith.cmpf ogt, %max3A_1534, %max3A_1524 : vector<16xf32>
      %max3A_1554 = arith.maximumf %max3A_1524, %max3A_1534 : vector<16xf32>
      %min3A_1555 = arith.minimumf %max3A_1524, %max3A_1534 : vector<16xf32>
      %select_n3A_1556 = arith.select %gt3A_1553, %select_n3A_1536, %select_n3A_1526 : vector<16xi1>, vector<16xi32>
      %select_n3A_1557 = arith.select %gt3A_1553, %select_n3A_1526, %select_n3A_1536 : vector<16xi1>, vector<16xi32>
      %gt3A_1558 = arith.cmpf ogt, %max3A_1549, %max3A_1544 : vector<16xf32>
      %max3A_1559 = arith.maximumf %max3A_1544, %max3A_1549 : vector<16xf32>
      %min3A_1560 = arith.minimumf %max3A_1544, %max3A_1549 : vector<16xf32>
      %select_n3A_1561 = arith.select %gt3A_1558, %select_n3A_1551, %select_n3A_1546 : vector<16xi1>, vector<16xi32>
      %select_n3A_1562 = arith.select %gt3A_1558, %select_n3A_1546, %select_n3A_1551 : vector<16xi1>, vector<16xi32>
      %gt3A_1563 = arith.cmpf ogt, %min3A_1550, %min3A_1545 : vector<16xf32>
      %max3A_1564 = arith.maximumf %min3A_1545, %min3A_1550 : vector<16xf32>
      %min3A_1565 = arith.minimumf %min3A_1545, %min3A_1550 : vector<16xf32>
      %select_n3A_1566 = arith.select %gt3A_1563, %select_n3A_1552, %select_n3A_1547 : vector<16xi1>, vector<16xi32>
      %select_n3A_1567 = arith.select %gt3A_1563, %select_n3A_1547, %select_n3A_1552 : vector<16xi1>, vector<16xi32>
      %gt3A_1568 = arith.cmpf ogt, %min3A_1540, %min3A_1530 : vector<16xf32>
      %max3A_1569 = arith.maximumf %min3A_1530, %min3A_1540 : vector<16xf32>
      %min3A_1570 = arith.minimumf %min3A_1530, %min3A_1540 : vector<16xf32>
      %select_n3A_1571 = arith.select %gt3A_1568, %select_n3A_1542, %select_n3A_1532 : vector<16xi1>, vector<16xi32>
      %select_n3A_1572 = arith.select %gt3A_1568, %select_n3A_1532, %select_n3A_1542 : vector<16xi1>, vector<16xi32>
      %gt3A_1573 = arith.cmpf ogt, %min3A_1555, %max3A_1564 : vector<16xf32>
      %max3A_1574 = arith.maximumf %max3A_1564, %min3A_1555 : vector<16xf32>
      %min3A_1575 = arith.minimumf %max3A_1564, %min3A_1555 : vector<16xf32>
      %select_n3A_1576 = arith.select %gt3A_1573, %select_n3A_1557, %select_n3A_1566 : vector<16xi1>, vector<16xi32>
      %select_n3A_1577 = arith.select %gt3A_1573, %select_n3A_1566, %select_n3A_1557 : vector<16xi1>, vector<16xi32>
      %gt3A_1578 = arith.cmpf ogt, %min3A_1560, %max3A_1569 : vector<16xf32>
      %max3A_1579 = arith.maximumf %max3A_1569, %min3A_1560 : vector<16xf32>
      %min3A_1580 = arith.minimumf %max3A_1569, %min3A_1560 : vector<16xf32>
      %select_n3A_1581 = arith.select %gt3A_1578, %select_n3A_1562, %select_n3A_1571 : vector<16xi1>, vector<16xi32>
      %select_n3A_1582 = arith.select %gt3A_1578, %select_n3A_1571, %select_n3A_1562 : vector<16xi1>, vector<16xi32>
      %gt3A_1583 = arith.cmpf ogt, %max3A_1574, %max3A_1559 : vector<16xf32>
      %max3A_1584 = arith.maximumf %max3A_1559, %max3A_1574 : vector<16xf32>
      %min3A_1585 = arith.minimumf %max3A_1559, %max3A_1574 : vector<16xf32>
      %select_n3A_1586 = arith.select %gt3A_1583, %select_n3A_1576, %select_n3A_1561 : vector<16xi1>, vector<16xi32>
      %select_n3A_1587 = arith.select %gt3A_1583, %select_n3A_1561, %select_n3A_1576 : vector<16xi1>, vector<16xi32>
      %gt3A_1588 = arith.cmpf ogt, %min3A_1575, %max3A_1579 : vector<16xf32>
      %max3A_1589 = arith.maximumf %max3A_1579, %min3A_1575 : vector<16xf32>
      %min3A_1590 = arith.minimumf %max3A_1579, %min3A_1575 : vector<16xf32>
      %select_n3A_1591 = arith.select %gt3A_1588, %select_n3A_1577, %select_n3A_1581 : vector<16xi1>, vector<16xi32>
      %select_n3A_1592 = arith.select %gt3A_1588, %select_n3A_1581, %select_n3A_1577 : vector<16xi1>, vector<16xi32>
      %gt3A_1593 = arith.cmpf ogt, %min3A_1565, %min3A_1580 : vector<16xf32>
      %max3A_1594 = arith.maximumf %min3A_1580, %min3A_1565 : vector<16xf32>
      %min3A_1595 = arith.minimumf %min3A_1580, %min3A_1565 : vector<16xf32>
      %select_n3A_1596 = arith.select %gt3A_1593, %select_n3A_1567, %select_n3A_1582 : vector<16xi1>, vector<16xi32>
      %select_n3A_1597 = arith.select %gt3A_1593, %select_n3A_1582, %select_n3A_1567 : vector<16xi1>, vector<16xi32>
      %gt3A_1598 = arith.cmpf ogt, %min3A_1570, %max3A_1428 : vector<16xf32>
      %select_n3A_1599 = arith.select %gt3A_1598, %min3A_1570, %max3A_1428 : vector<16xi1>, vector<16xf32>
      %select_n3A_1600 = arith.select %gt3A_1598, %select_n3A_1572, %select_n3A_1430 : vector<16xi1>, vector<16xi32>
      %gt3A_1601 = arith.cmpf ogt, %min3A_1595, %min3A_1429 : vector<16xf32>
      %select_n3A_1602 = arith.select %gt3A_1601, %min3A_1595, %min3A_1429 : vector<16xi1>, vector<16xf32>
      %select_n3A_1603 = arith.select %gt3A_1601, %select_n3A_1597, %select_n3A_1431 : vector<16xi1>, vector<16xi32>
      %gt3A_1604 = arith.cmpf ogt, %max3A_1594, %max3A_1433 : vector<16xf32>
      %select_n3A_1605 = arith.select %gt3A_1604, %max3A_1594, %max3A_1433 : vector<16xi1>, vector<16xf32>
      %select_n3A_1606 = arith.select %gt3A_1604, %select_n3A_1596, %select_n3A_1435 : vector<16xi1>, vector<16xi32>
      %gt3A_1607 = arith.cmpf ogt, %min3A_1590, %min3A_1434 : vector<16xf32>
      %select_n3A_1608 = arith.select %gt3A_1607, %min3A_1590, %min3A_1434 : vector<16xi1>, vector<16xf32>
      %select_n3A_1609 = arith.select %gt3A_1607, %select_n3A_1592, %select_n3A_1436 : vector<16xi1>, vector<16xi32>
      %gt3A_1610 = arith.cmpf ogt, %max3A_1589, %max3A_1438 : vector<16xf32>
      %select_n3A_1611 = arith.select %gt3A_1610, %max3A_1589, %max3A_1438 : vector<16xi1>, vector<16xf32>
      %select_n3A_1612 = arith.select %gt3A_1610, %select_n3A_1591, %select_n3A_1440 : vector<16xi1>, vector<16xi32>
      %gt3A_1613 = arith.cmpf ogt, %min3A_1585, %min3A_1439 : vector<16xf32>
      %select_n3A_1614 = arith.select %gt3A_1613, %min3A_1585, %min3A_1439 : vector<16xi1>, vector<16xf32>
      %select_n3A_1615 = arith.select %gt3A_1613, %select_n3A_1587, %select_n3A_1441 : vector<16xi1>, vector<16xi32>
      %gt3A_1616 = arith.cmpf ogt, %max3A_1584, %max3A_1443 : vector<16xf32>
      %select_n3A_1617 = arith.select %gt3A_1616, %max3A_1584, %max3A_1443 : vector<16xi1>, vector<16xf32>
      %select_n3A_1618 = arith.select %gt3A_1616, %select_n3A_1586, %select_n3A_1445 : vector<16xi1>, vector<16xi32>
      %gt3A_1619 = arith.cmpf ogt, %max3A_1554, %min3A_1444 : vector<16xf32>
      %select_n3A_1620 = arith.select %gt3A_1619, %max3A_1554, %min3A_1444 : vector<16xi1>, vector<16xf32>
      %select_n3A_1621 = arith.select %gt3A_1619, %select_n3A_1556, %select_n3A_1446 : vector<16xi1>, vector<16xi32>
      %gt3A_1622 = arith.cmpf ogt, %select_n3A_1611, %select_n3A_1599 : vector<16xf32>
      %max3A_1623 = arith.maximumf %select_n3A_1599, %select_n3A_1611 : vector<16xf32>
      %min3A_1624 = arith.minimumf %select_n3A_1599, %select_n3A_1611 : vector<16xf32>
      %select_n3A_1625 = arith.select %gt3A_1622, %select_n3A_1612, %select_n3A_1600 : vector<16xi1>, vector<16xi32>
      %select_n3A_1626 = arith.select %gt3A_1622, %select_n3A_1600, %select_n3A_1612 : vector<16xi1>, vector<16xi32>
      %gt3A_1627 = arith.cmpf ogt, %select_n3A_1614, %select_n3A_1602 : vector<16xf32>
      %max3A_1628 = arith.maximumf %select_n3A_1602, %select_n3A_1614 : vector<16xf32>
      %min3A_1629 = arith.minimumf %select_n3A_1602, %select_n3A_1614 : vector<16xf32>
      %select_n3A_1630 = arith.select %gt3A_1627, %select_n3A_1615, %select_n3A_1603 : vector<16xi1>, vector<16xi32>
      %select_n3A_1631 = arith.select %gt3A_1627, %select_n3A_1603, %select_n3A_1615 : vector<16xi1>, vector<16xi32>
      %gt3A_1632 = arith.cmpf ogt, %select_n3A_1617, %select_n3A_1605 : vector<16xf32>
      %max3A_1633 = arith.maximumf %select_n3A_1605, %select_n3A_1617 : vector<16xf32>
      %min3A_1634 = arith.minimumf %select_n3A_1605, %select_n3A_1617 : vector<16xf32>
      %select_n3A_1635 = arith.select %gt3A_1632, %select_n3A_1618, %select_n3A_1606 : vector<16xi1>, vector<16xi32>
      %select_n3A_1636 = arith.select %gt3A_1632, %select_n3A_1606, %select_n3A_1618 : vector<16xi1>, vector<16xi32>
      %gt3A_1637 = arith.cmpf ogt, %select_n3A_1620, %select_n3A_1608 : vector<16xf32>
      %max3A_1638 = arith.maximumf %select_n3A_1608, %select_n3A_1620 : vector<16xf32>
      %min3A_1639 = arith.minimumf %select_n3A_1608, %select_n3A_1620 : vector<16xf32>
      %select_n3A_1640 = arith.select %gt3A_1637, %select_n3A_1621, %select_n3A_1609 : vector<16xi1>, vector<16xi32>
      %select_n3A_1641 = arith.select %gt3A_1637, %select_n3A_1609, %select_n3A_1621 : vector<16xi1>, vector<16xi32>
      %gt3A_1642 = arith.cmpf ogt, %max3A_1633, %max3A_1623 : vector<16xf32>
      %max3A_1643 = arith.maximumf %max3A_1623, %max3A_1633 : vector<16xf32>
      %min3A_1644 = arith.minimumf %max3A_1623, %max3A_1633 : vector<16xf32>
      %select_n3A_1645 = arith.select %gt3A_1642, %select_n3A_1635, %select_n3A_1625 : vector<16xi1>, vector<16xi32>
      %select_n3A_1646 = arith.select %gt3A_1642, %select_n3A_1625, %select_n3A_1635 : vector<16xi1>, vector<16xi32>
      %gt3A_1647 = arith.cmpf ogt, %max3A_1638, %max3A_1628 : vector<16xf32>
      %max3A_1648 = arith.maximumf %max3A_1628, %max3A_1638 : vector<16xf32>
      %min3A_1649 = arith.minimumf %max3A_1628, %max3A_1638 : vector<16xf32>
      %select_n3A_1650 = arith.select %gt3A_1647, %select_n3A_1640, %select_n3A_1630 : vector<16xi1>, vector<16xi32>
      %select_n3A_1651 = arith.select %gt3A_1647, %select_n3A_1630, %select_n3A_1640 : vector<16xi1>, vector<16xi32>
      %gt3A_1652 = arith.cmpf ogt, %min3A_1634, %min3A_1624 : vector<16xf32>
      %max3A_1653 = arith.maximumf %min3A_1624, %min3A_1634 : vector<16xf32>
      %min3A_1654 = arith.minimumf %min3A_1624, %min3A_1634 : vector<16xf32>
      %select_n3A_1655 = arith.select %gt3A_1652, %select_n3A_1636, %select_n3A_1626 : vector<16xi1>, vector<16xi32>
      %select_n3A_1656 = arith.select %gt3A_1652, %select_n3A_1626, %select_n3A_1636 : vector<16xi1>, vector<16xi32>
      %gt3A_1657 = arith.cmpf ogt, %min3A_1639, %min3A_1629 : vector<16xf32>
      %max3A_1658 = arith.maximumf %min3A_1629, %min3A_1639 : vector<16xf32>
      %min3A_1659 = arith.minimumf %min3A_1629, %min3A_1639 : vector<16xf32>
      %select_n3A_1660 = arith.select %gt3A_1657, %select_n3A_1641, %select_n3A_1631 : vector<16xi1>, vector<16xi32>
      %select_n3A_1661 = arith.select %gt3A_1657, %select_n3A_1631, %select_n3A_1641 : vector<16xi1>, vector<16xi32>
      %gt3A_1662 = arith.cmpf ogt, %max3A_1648, %max3A_1643 : vector<16xf32>
      %max3A_1663 = arith.maximumf %max3A_1643, %max3A_1648 : vector<16xf32>
      %min3A_1664 = arith.minimumf %max3A_1643, %max3A_1648 : vector<16xf32>
      %select_n3A_1665 = arith.select %gt3A_1662, %select_n3A_1650, %select_n3A_1645 : vector<16xi1>, vector<16xi32>
      %select_n3A_1666 = arith.select %gt3A_1662, %select_n3A_1645, %select_n3A_1650 : vector<16xi1>, vector<16xi32>
      %gt3A_1667 = arith.cmpf ogt, %min3A_1649, %min3A_1644 : vector<16xf32>
      %max3A_1668 = arith.maximumf %min3A_1644, %min3A_1649 : vector<16xf32>
      %min3A_1669 = arith.minimumf %min3A_1644, %min3A_1649 : vector<16xf32>
      %select_n3A_1670 = arith.select %gt3A_1667, %select_n3A_1651, %select_n3A_1646 : vector<16xi1>, vector<16xi32>
      %select_n3A_1671 = arith.select %gt3A_1667, %select_n3A_1646, %select_n3A_1651 : vector<16xi1>, vector<16xi32>
      %gt3A_1672 = arith.cmpf ogt, %max3A_1658, %max3A_1653 : vector<16xf32>
      %max3A_1673 = arith.maximumf %max3A_1653, %max3A_1658 : vector<16xf32>
      %min3A_1674 = arith.minimumf %max3A_1653, %max3A_1658 : vector<16xf32>
      %select_n3A_1675 = arith.select %gt3A_1672, %select_n3A_1660, %select_n3A_1655 : vector<16xi1>, vector<16xi32>
      %select_n3A_1676 = arith.select %gt3A_1672, %select_n3A_1655, %select_n3A_1660 : vector<16xi1>, vector<16xi32>
      %gt3A_1677 = arith.cmpf ogt, %min3A_1659, %min3A_1654 : vector<16xf32>
      %max3A_1678 = arith.maximumf %min3A_1654, %min3A_1659 : vector<16xf32>
      %min3A_1679 = arith.minimumf %min3A_1654, %min3A_1659 : vector<16xf32>
      %select_n3A_1680 = arith.select %gt3A_1677, %select_n3A_1661, %select_n3A_1656 : vector<16xi1>, vector<16xi32>
      %select_n3A_1681 = arith.select %gt3A_1677, %select_n3A_1656, %select_n3A_1661 : vector<16xi1>, vector<16xi32>
      %get3A_1682 = arith.constant 56 : i32
      %get3A_1683 = arith.index_cast %get3A_1682 : i32 to index
      %get3A_1684 = arith.index_cast %multiple_of3A : i32 to index
      %get3A_1685 = tpu.vector_load %arg6[%get3A_1683, %get3A_1684] {strides = array<i32>} : memref<64x512xf32, #tpu.memory_space<vmem>>, vector<1x16xf32>,
      %get3A_1686 = vector.shape_cast %get3A_1685 : vector<1x16xf32> to vector<16xf32>
      %get3A_1687 = arith.constant 57 : i32
      %get3A_1688 = arith.index_cast %get3A_1687 : i32 to index
      %get3A_1689 = arith.index_cast %multiple_of3A : i32 to index
      %get3A_1690 = tpu.vector_load %arg6[%get3A_1688, %get3A_1689] {strides = array<i32>} : memref<64x512xf32, #tpu.memory_space<vmem>>, vector<1x16xf32>,
      %get3A_1691 = vector.shape_cast %get3A_1690 : vector<1x16xf32> to vector<16xf32>
      %get3A_1692 = arith.constant 58 : i32
      %get3A_1693 = arith.index_cast %get3A_1692 : i32 to index
      %get3A_1694 = arith.index_cast %multiple_of3A : i32 to index
      %get3A_1695 = tpu.vector_load %arg6[%get3A_1693, %get3A_1694] {strides = array<i32>} : memref<64x512xf32, #tpu.memory_space<vmem>>, vector<1x16xf32>,
      %get3A_1696 = vector.shape_cast %get3A_1695 : vector<1x16xf32> to vector<16xf32>
      %get3A_1697 = arith.constant 59 : i32
      %get3A_1698 = arith.index_cast %get3A_1697 : i32 to index
      %get3A_1699 = arith.index_cast %multiple_of3A : i32 to index
      %get3A_1700 = tpu.vector_load %arg6[%get3A_1698, %get3A_1699] {strides = array<i32>} : memref<64x512xf32, #tpu.memory_space<vmem>>, vector<1x16xf32>,
      %get3A_1701 = vector.shape_cast %get3A_1700 : vector<1x16xf32> to vector<16xf32>
      %get3A_1702 = arith.constant 60 : i32
      %get3A_1703 = arith.index_cast %get3A_1702 : i32 to index
      %get3A_1704 = arith.index_cast %multiple_of3A : i32 to index
      %get3A_1705 = tpu.vector_load %arg6[%get3A_1703, %get3A_1704] {strides = array<i32>} : memref<64x512xf32, #tpu.memory_space<vmem>>, vector<1x16xf32>,
      %get3A_1706 = vector.shape_cast %get3A_1705 : vector<1x16xf32> to vector<16xf32>
      %get3A_1707 = arith.constant 61 : i32
      %get3A_1708 = arith.index_cast %get3A_1707 : i32 to index
      %get3A_1709 = arith.index_cast %multiple_of3A : i32 to index
      %get3A_1710 = tpu.vector_load %arg6[%get3A_1708, %get3A_1709] {strides = array<i32>} : memref<64x512xf32, #tpu.memory_space<vmem>>, vector<1x16xf32>,
      %get3A_1711 = vector.shape_cast %get3A_1710 : vector<1x16xf32> to vector<16xf32>
      %get3A_1712 = arith.constant 62 : i32
      %get3A_1713 = arith.index_cast %get3A_1712 : i32 to index
      %get3A_1714 = arith.index_cast %multiple_of3A : i32 to index
      %get3A_1715 = tpu.vector_load %arg6[%get3A_1713, %get3A_1714] {strides = array<i32>} : memref<64x512xf32, #tpu.memory_space<vmem>>, vector<1x16xf32>,
      %get3A_1716 = vector.shape_cast %get3A_1715 : vector<1x16xf32> to vector<16xf32>
      %get3A_1717 = arith.constant 63 : i32
      %get3A_1718 = arith.index_cast %get3A_1717 : i32 to index
      %get3A_1719 = arith.index_cast %multiple_of3A : i32 to index
      %get3A_1720 = tpu.vector_load %arg6[%get3A_1718, %get3A_1719] {strides = array<i32>} : memref<64x512xf32, #tpu.memory_space<vmem>>, vector<1x16xf32>,
      %get3A_1721 = vector.shape_cast %get3A_1720 : vector<1x16xf32> to vector<16xf32>
      %broadcast_in_dim3A_1722 = arith.constant 56 : i32
      %broadcast_in_dim3A_1723 = vector.broadcast %broadcast_in_dim3A_1722 : i32 to vector<16xi32>
      %broadcast_in_dim3A_1724 = arith.constant 57 : i32
      %broadcast_in_dim3A_1725 = vector.broadcast %broadcast_in_dim3A_1724 : i32 to vector<16xi32>
      %broadcast_in_dim3A_1726 = arith.constant 58 : i32
      %broadcast_in_dim3A_1727 = vector.broadcast %broadcast_in_dim3A_1726 : i32 to vector<16xi32>
      %broadcast_in_dim3A_1728 = arith.constant 59 : i32
      %broadcast_in_dim3A_1729 = vector.broadcast %broadcast_in_dim3A_1728 : i32 to vector<16xi32>
      %broadcast_in_dim3A_1730 = arith.constant 60 : i32
      %broadcast_in_dim3A_1731 = vector.broadcast %broadcast_in_dim3A_1730 : i32 to vector<16xi32>
      %broadcast_in_dim3A_1732 = arith.constant 61 : i32
      %broadcast_in_dim3A_1733 = vector.broadcast %broadcast_in_dim3A_1732 : i32 to vector<16xi32>
      %broadcast_in_dim3A_1734 = arith.constant 62 : i32
      %broadcast_in_dim3A_1735 = vector.broadcast %broadcast_in_dim3A_1734 : i32 to vector<16xi32>
      %broadcast_in_dim3A_1736 = arith.constant 63 : i32
      %broadcast_in_dim3A_1737 = vector.broadcast %broadcast_in_dim3A_1736 : i32 to vector<16xi32>
      %gt3A_1738 = arith.cmpf ogt, %get3A_1691, %get3A_1686 : vector<16xf32>
      %max3A_1739 = arith.maximumf %get3A_1686, %get3A_1691 : vector<16xf32>
      %min3A_1740 = arith.minimumf %get3A_1686, %get3A_1691 : vector<16xf32>
      %select_n3A_1741 = arith.select %gt3A_1738, %broadcast_in_dim3A_1725, %broadcast_in_dim3A_1723 : vector<16xi1>, vector<16xi32>
      %select_n3A_1742 = arith.select %gt3A_1738, %broadcast_in_dim3A_1723, %broadcast_in_dim3A_1725 : vector<16xi1>, vector<16xi32>
      %gt3A_1743 = arith.cmpf ogt, %get3A_1701, %get3A_1696 : vector<16xf32>
      %max3A_1744 = arith.maximumf %get3A_1696, %get3A_1701 : vector<16xf32>
      %min3A_1745 = arith.minimumf %get3A_1696, %get3A_1701 : vector<16xf32>
      %select_n3A_1746 = arith.select %gt3A_1743, %broadcast_in_dim3A_1729, %broadcast_in_dim3A_1727 : vector<16xi1>, vector<16xi32>
      %select_n3A_1747 = arith.select %gt3A_1743, %broadcast_in_dim3A_1727, %broadcast_in_dim3A_1729 : vector<16xi1>, vector<16xi32>
      %gt3A_1748 = arith.cmpf ogt, %get3A_1711, %get3A_1706 : vector<16xf32>
      %max3A_1749 = arith.maximumf %get3A_1706, %get3A_1711 : vector<16xf32>
      %min3A_1750 = arith.minimumf %get3A_1706, %get3A_1711 : vector<16xf32>
      %select_n3A_1751 = arith.select %gt3A_1748, %broadcast_in_dim3A_1733, %broadcast_in_dim3A_1731 : vector<16xi1>, vector<16xi32>
      %select_n3A_1752 = arith.select %gt3A_1748, %broadcast_in_dim3A_1731, %broadcast_in_dim3A_1733 : vector<16xi1>, vector<16xi32>
      %gt3A_1753 = arith.cmpf ogt, %get3A_1721, %get3A_1716 : vector<16xf32>
      %max3A_1754 = arith.maximumf %get3A_1716, %get3A_1721 : vector<16xf32>
      %min3A_1755 = arith.minimumf %get3A_1716, %get3A_1721 : vector<16xf32>
      %select_n3A_1756 = arith.select %gt3A_1753, %broadcast_in_dim3A_1737, %broadcast_in_dim3A_1735 : vector<16xi1>, vector<16xi32>
      %select_n3A_1757 = arith.select %gt3A_1753, %broadcast_in_dim3A_1735, %broadcast_in_dim3A_1737 : vector<16xi1>, vector<16xi32>
      %gt3A_1758 = arith.cmpf ogt, %max3A_1744, %max3A_1739 : vector<16xf32>
      %max3A_1759 = arith.maximumf %max3A_1739, %max3A_1744 : vector<16xf32>
      %min3A_1760 = arith.minimumf %max3A_1739, %max3A_1744 : vector<16xf32>
      %select_n3A_1761 = arith.select %gt3A_1758, %select_n3A_1746, %select_n3A_1741 : vector<16xi1>, vector<16xi32>
      %select_n3A_1762 = arith.select %gt3A_1758, %select_n3A_1741, %select_n3A_1746 : vector<16xi1>, vector<16xi32>
      %gt3A_1763 = arith.cmpf ogt, %min3A_1745, %min3A_1740 : vector<16xf32>
      %max3A_1764 = arith.maximumf %min3A_1740, %min3A_1745 : vector<16xf32>
      %min3A_1765 = arith.minimumf %min3A_1740, %min3A_1745 : vector<16xf32>
      %select_n3A_1766 = arith.select %gt3A_1763, %select_n3A_1747, %select_n3A_1742 : vector<16xi1>, vector<16xi32>
      %select_n3A_1767 = arith.select %gt3A_1763, %select_n3A_1742, %select_n3A_1747 : vector<16xi1>, vector<16xi32>
      %gt3A_1768 = arith.cmpf ogt, %max3A_1754, %max3A_1749 : vector<16xf32>
      %max3A_1769 = arith.maximumf %max3A_1749, %max3A_1754 : vector<16xf32>
      %min3A_1770 = arith.minimumf %max3A_1749, %max3A_1754 : vector<16xf32>
      %select_n3A_1771 = arith.select %gt3A_1768, %select_n3A_1756, %select_n3A_1751 : vector<16xi1>, vector<16xi32>
      %select_n3A_1772 = arith.select %gt3A_1768, %select_n3A_1751, %select_n3A_1756 : vector<16xi1>, vector<16xi32>
      %gt3A_1773 = arith.cmpf ogt, %min3A_1755, %min3A_1750 : vector<16xf32>
      %max3A_1774 = arith.maximumf %min3A_1750, %min3A_1755 : vector<16xf32>
      %min3A_1775 = arith.minimumf %min3A_1750, %min3A_1755 : vector<16xf32>
      %select_n3A_1776 = arith.select %gt3A_1773, %select_n3A_1757, %select_n3A_1752 : vector<16xi1>, vector<16xi32>
      %select_n3A_1777 = arith.select %gt3A_1773, %select_n3A_1752, %select_n3A_1757 : vector<16xi1>, vector<16xi32>
      %gt3A_1778 = arith.cmpf ogt, %min3A_1760, %max3A_1764 : vector<16xf32>
      %max3A_1779 = arith.maximumf %max3A_1764, %min3A_1760 : vector<16xf32>
      %min3A_1780 = arith.minimumf %max3A_1764, %min3A_1760 : vector<16xf32>
      %select_n3A_1781 = arith.select %gt3A_1778, %select_n3A_1762, %select_n3A_1766 : vector<16xi1>, vector<16xi32>
      %select_n3A_1782 = arith.select %gt3A_1778, %select_n3A_1766, %select_n3A_1762 : vector<16xi1>, vector<16xi32>
      %gt3A_1783 = arith.cmpf ogt, %min3A_1770, %max3A_1774 : vector<16xf32>
      %max3A_1784 = arith.maximumf %max3A_1774, %min3A_1770 : vector<16xf32>
      %min3A_1785 = arith.minimumf %max3A_1774, %min3A_1770 : vector<16xf32>
      %select_n3A_1786 = arith.select %gt3A_1783, %select_n3A_1772, %select_n3A_1776 : vector<16xi1>, vector<16xi32>
      %select_n3A_1787 = arith.select %gt3A_1783, %select_n3A_1776, %select_n3A_1772 : vector<16xi1>, vector<16xi32>
      %gt3A_1788 = arith.cmpf ogt, %max3A_1769, %max3A_1759 : vector<16xf32>
      %max3A_1789 = arith.maximumf %max3A_1759, %max3A_1769 : vector<16xf32>
      %min3A_1790 = arith.minimumf %max3A_1759, %max3A_1769 : vector<16xf32>
      %select_n3A_1791 = arith.select %gt3A_1788, %select_n3A_1771, %select_n3A_1761 : vector<16xi1>, vector<16xi32>
      %select_n3A_1792 = arith.select %gt3A_1788, %select_n3A_1761, %select_n3A_1771 : vector<16xi1>, vector<16xi32>
      %gt3A_1793 = arith.cmpf ogt, %max3A_1784, %max3A_1779 : vector<16xf32>
      %max3A_1794 = arith.maximumf %max3A_1779, %max3A_1784 : vector<16xf32>
      %min3A_1795 = arith.minimumf %max3A_1779, %max3A_1784 : vector<16xf32>
      %select_n3A_1796 = arith.select %gt3A_1793, %select_n3A_1786, %select_n3A_1781 : vector<16xi1>, vector<16xi32>
      %select_n3A_1797 = arith.select %gt3A_1793, %select_n3A_1781, %select_n3A_1786 : vector<16xi1>, vector<16xi32>
      %gt3A_1798 = arith.cmpf ogt, %min3A_1785, %min3A_1780 : vector<16xf32>
      %max3A_1799 = arith.maximumf %min3A_1780, %min3A_1785 : vector<16xf32>
      %min3A_1800 = arith.minimumf %min3A_1780, %min3A_1785 : vector<16xf32>
      %select_n3A_1801 = arith.select %gt3A_1798, %select_n3A_1787, %select_n3A_1782 : vector<16xi1>, vector<16xi32>
      %select_n3A_1802 = arith.select %gt3A_1798, %select_n3A_1782, %select_n3A_1787 : vector<16xi1>, vector<16xi32>
      %gt3A_1803 = arith.cmpf ogt, %min3A_1775, %min3A_1765 : vector<16xf32>
      %max3A_1804 = arith.maximumf %min3A_1765, %min3A_1775 : vector<16xf32>
      %min3A_1805 = arith.minimumf %min3A_1765, %min3A_1775 : vector<16xf32>
      %select_n3A_1806 = arith.select %gt3A_1803, %select_n3A_1777, %select_n3A_1767 : vector<16xi1>, vector<16xi32>
      %select_n3A_1807 = arith.select %gt3A_1803, %select_n3A_1767, %select_n3A_1777 : vector<16xi1>, vector<16xi32>
      %gt3A_1808 = arith.cmpf ogt, %min3A_1790, %max3A_1799 : vector<16xf32>
      %max3A_1809 = arith.maximumf %max3A_1799, %min3A_1790 : vector<16xf32>
      %min3A_1810 = arith.minimumf %max3A_1799, %min3A_1790 : vector<16xf32>
      %select_n3A_1811 = arith.select %gt3A_1808, %select_n3A_1792, %select_n3A_1801 : vector<16xi1>, vector<16xi32>
      %select_n3A_1812 = arith.select %gt3A_1808, %select_n3A_1801, %select_n3A_1792 : vector<16xi1>, vector<16xi32>
      %gt3A_1813 = arith.cmpf ogt, %min3A_1795, %max3A_1804 : vector<16xf32>
      %max3A_1814 = arith.maximumf %max3A_1804, %min3A_1795 : vector<16xf32>
      %min3A_1815 = arith.minimumf %max3A_1804, %min3A_1795 : vector<16xf32>
      %select_n3A_1816 = arith.select %gt3A_1813, %select_n3A_1797, %select_n3A_1806 : vector<16xi1>, vector<16xi32>
      %select_n3A_1817 = arith.select %gt3A_1813, %select_n3A_1806, %select_n3A_1797 : vector<16xi1>, vector<16xi32>
      %gt3A_1818 = arith.cmpf ogt, %max3A_1809, %max3A_1794 : vector<16xf32>
      %max3A_1819 = arith.maximumf %max3A_1794, %max3A_1809 : vector<16xf32>
      %min3A_1820 = arith.minimumf %max3A_1794, %max3A_1809 : vector<16xf32>
      %select_n3A_1821 = arith.select %gt3A_1818, %select_n3A_1811, %select_n3A_1796 : vector<16xi1>, vector<16xi32>
      %select_n3A_1822 = arith.select %gt3A_1818, %select_n3A_1796, %select_n3A_1811 : vector<16xi1>, vector<16xi32>
      %gt3A_1823 = arith.cmpf ogt, %min3A_1810, %max3A_1814 : vector<16xf32>
      %max3A_1824 = arith.maximumf %max3A_1814, %min3A_1810 : vector<16xf32>
      %min3A_1825 = arith.minimumf %max3A_1814, %min3A_1810 : vector<16xf32>
      %select_n3A_1826 = arith.select %gt3A_1823, %select_n3A_1812, %select_n3A_1816 : vector<16xi1>, vector<16xi32>
      %select_n3A_1827 = arith.select %gt3A_1823, %select_n3A_1816, %select_n3A_1812 : vector<16xi1>, vector<16xi32>
      %gt3A_1828 = arith.cmpf ogt, %min3A_1800, %min3A_1815 : vector<16xf32>
      %max3A_1829 = arith.maximumf %min3A_1815, %min3A_1800 : vector<16xf32>
      %min3A_1830 = arith.minimumf %min3A_1815, %min3A_1800 : vector<16xf32>
      %select_n3A_1831 = arith.select %gt3A_1828, %select_n3A_1802, %select_n3A_1817 : vector<16xi1>, vector<16xi32>
      %select_n3A_1832 = arith.select %gt3A_1828, %select_n3A_1817, %select_n3A_1802 : vector<16xi1>, vector<16xi32>
      %gt3A_1833 = arith.cmpf ogt, %min3A_1805, %max3A_1663 : vector<16xf32>
      %select_n3A_1834 = arith.select %gt3A_1833, %min3A_1805, %max3A_1663 : vector<16xi1>, vector<16xf32>
      %select_n3A_1835 = arith.select %gt3A_1833, %select_n3A_1807, %select_n3A_1665 : vector<16xi1>, vector<16xi32>
      %gt3A_1836 = arith.cmpf ogt, %min3A_1830, %min3A_1664 : vector<16xf32>
      %select_n3A_1837 = arith.select %gt3A_1836, %min3A_1830, %min3A_1664 : vector<16xi1>, vector<16xf32>
      %select_n3A_1838 = arith.select %gt3A_1836, %select_n3A_1832, %select_n3A_1666 : vector<16xi1>, vector<16xi32>
      %gt3A_1839 = arith.cmpf ogt, %max3A_1829, %max3A_1668 : vector<16xf32>
      %select_n3A_1840 = arith.select %gt3A_1839, %max3A_1829, %max3A_1668 : vector<16xi1>, vector<16xf32>
      %select_n3A_1841 = arith.select %gt3A_1839, %select_n3A_1831, %select_n3A_1670 : vector<16xi1>, vector<16xi32>
      %gt3A_1842 = arith.cmpf ogt, %min3A_1825, %min3A_1669 : vector<16xf32>
      %select_n3A_1843 = arith.select %gt3A_1842, %min3A_1825, %min3A_1669 : vector<16xi1>, vector<16xf32>
      %select_n3A_1844 = arith.select %gt3A_1842, %select_n3A_1827, %select_n3A_1671 : vector<16xi1>, vector<16xi32>
      %gt3A_1845 = arith.cmpf ogt, %max3A_1824, %max3A_1673 : vector<16xf32>
      %select_n3A_1846 = arith.select %gt3A_1845, %max3A_1824, %max3A_1673 : vector<16xi1>, vector<16xf32>
      %select_n3A_1847 = arith.select %gt3A_1845, %select_n3A_1826, %select_n3A_1675 : vector<16xi1>, vector<16xi32>
      %gt3A_1848 = arith.cmpf ogt, %min3A_1820, %min3A_1674 : vector<16xf32>
      %select_n3A_1849 = arith.select %gt3A_1848, %min3A_1820, %min3A_1674 : vector<16xi1>, vector<16xf32>
      %select_n3A_1850 = arith.select %gt3A_1848, %select_n3A_1822, %select_n3A_1676 : vector<16xi1>, vector<16xi32>
      %gt3A_1851 = arith.cmpf ogt, %max3A_1819, %max3A_1678 : vector<16xf32>
      %select_n3A_1852 = arith.select %gt3A_1851, %max3A_1819, %max3A_1678 : vector<16xi1>, vector<16xf32>
      %select_n3A_1853 = arith.select %gt3A_1851, %select_n3A_1821, %select_n3A_1680 : vector<16xi1>, vector<16xi32>
      %gt3A_1854 = arith.cmpf ogt, %max3A_1789, %min3A_1679 : vector<16xf32>
      %select_n3A_1855 = arith.select %gt3A_1854, %max3A_1789, %min3A_1679 : vector<16xi1>, vector<16xf32>
      %select_n3A_1856 = arith.select %gt3A_1854, %select_n3A_1791, %select_n3A_1681 : vector<16xi1>, vector<16xi32>
      %gt3A_1857 = arith.cmpf ogt, %select_n3A_1846, %select_n3A_1834 : vector<16xf32>
      %max3A_1858 = arith.maximumf %select_n3A_1834, %select_n3A_1846 : vector<16xf32>
      %min3A_1859 = arith.minimumf %select_n3A_1834, %select_n3A_1846 : vector<16xf32>
      %select_n3A_1860 = arith.select %gt3A_1857, %select_n3A_1847, %select_n3A_1835 : vector<16xi1>, vector<16xi32>
      %select_n3A_1861 = arith.select %gt3A_1857, %select_n3A_1835, %select_n3A_1847 : vector<16xi1>, vector<16xi32>
      %gt3A_1862 = arith.cmpf ogt, %select_n3A_1849, %select_n3A_1837 : vector<16xf32>
      %max3A_1863 = arith.maximumf %select_n3A_1837, %select_n3A_1849 : vector<16xf32>
      %min3A_1864 = arith.minimumf %select_n3A_1837, %select_n3A_1849 : vector<16xf32>
      %select_n3A_1865 = arith.select %gt3A_1862, %select_n3A_1850, %select_n3A_1838 : vector<16xi1>, vector<16xi32>
      %select_n3A_1866 = arith.select %gt3A_1862, %select_n3A_1838, %select_n3A_1850 : vector<16xi1>, vector<16xi32>
      %gt3A_1867 = arith.cmpf ogt, %select_n3A_1852, %select_n3A_1840 : vector<16xf32>
      %max3A_1868 = arith.maximumf %select_n3A_1840, %select_n3A_1852 : vector<16xf32>
      %min3A_1869 = arith.minimumf %select_n3A_1840, %select_n3A_1852 : vector<16xf32>
      %select_n3A_1870 = arith.select %gt3A_1867, %select_n3A_1853, %select_n3A_1841 : vector<16xi1>, vector<16xi32>
      %select_n3A_1871 = arith.select %gt3A_1867, %select_n3A_1841, %select_n3A_1853 : vector<16xi1>, vector<16xi32>
      %gt3A_1872 = arith.cmpf ogt, %select_n3A_1855, %select_n3A_1843 : vector<16xf32>
      %max3A_1873 = arith.maximumf %select_n3A_1843, %select_n3A_1855 : vector<16xf32>
      %min3A_1874 = arith.minimumf %select_n3A_1843, %select_n3A_1855 : vector<16xf32>
      %select_n3A_1875 = arith.select %gt3A_1872, %select_n3A_1856, %select_n3A_1844 : vector<16xi1>, vector<16xi32>
      %select_n3A_1876 = arith.select %gt3A_1872, %select_n3A_1844, %select_n3A_1856 : vector<16xi1>, vector<16xi32>
      %gt3A_1877 = arith.cmpf ogt, %max3A_1868, %max3A_1858 : vector<16xf32>
      %max3A_1878 = arith.maximumf %max3A_1858, %max3A_1868 : vector<16xf32>
      %min3A_1879 = arith.minimumf %max3A_1858, %max3A_1868 : vector<16xf32>
      %select_n3A_1880 = arith.select %gt3A_1877, %select_n3A_1870, %select_n3A_1860 : vector<16xi1>, vector<16xi32>
      %select_n3A_1881 = arith.select %gt3A_1877, %select_n3A_1860, %select_n3A_1870 : vector<16xi1>, vector<16xi32>
      %gt3A_1882 = arith.cmpf ogt, %max3A_1873, %max3A_1863 : vector<16xf32>
      %max3A_1883 = arith.maximumf %max3A_1863, %max3A_1873 : vector<16xf32>
      %min3A_1884 = arith.minimumf %max3A_1863, %max3A_1873 : vector<16xf32>
      %select_n3A_1885 = arith.select %gt3A_1882, %select_n3A_1875, %select_n3A_1865 : vector<16xi1>, vector<16xi32>
      %select_n3A_1886 = arith.select %gt3A_1882, %select_n3A_1865, %select_n3A_1875 : vector<16xi1>, vector<16xi32>
      %gt3A_1887 = arith.cmpf ogt, %min3A_1869, %min3A_1859 : vector<16xf32>
      %max3A_1888 = arith.maximumf %min3A_1859, %min3A_1869 : vector<16xf32>
      %min3A_1889 = arith.minimumf %min3A_1859, %min3A_1869 : vector<16xf32>
      %select_n3A_1890 = arith.select %gt3A_1887, %select_n3A_1871, %select_n3A_1861 : vector<16xi1>, vector<16xi32>
      %select_n3A_1891 = arith.select %gt3A_1887, %select_n3A_1861, %select_n3A_1871 : vector<16xi1>, vector<16xi32>
      %gt3A_1892 = arith.cmpf ogt, %min3A_1874, %min3A_1864 : vector<16xf32>
      %max3A_1893 = arith.maximumf %min3A_1864, %min3A_1874 : vector<16xf32>
      %min3A_1894 = arith.minimumf %min3A_1864, %min3A_1874 : vector<16xf32>
      %select_n3A_1895 = arith.select %gt3A_1892, %select_n3A_1876, %select_n3A_1866 : vector<16xi1>, vector<16xi32>
      %select_n3A_1896 = arith.select %gt3A_1892, %select_n3A_1866, %select_n3A_1876 : vector<16xi1>, vector<16xi32>
      %gt3A_1897 = arith.cmpf ogt, %max3A_1883, %max3A_1878 : vector<16xf32>
      %max3A_1898 = arith.maximumf %max3A_1878, %max3A_1883 : vector<16xf32>
      %min3A_1899 = arith.minimumf %max3A_1878, %max3A_1883 : vector<16xf32>
      %select_n3A_1900 = arith.select %gt3A_1897, %select_n3A_1885, %select_n3A_1880 : vector<16xi1>, vector<16xi32>
      %select_n3A_1901 = arith.select %gt3A_1897, %select_n3A_1880, %select_n3A_1885 : vector<16xi1>, vector<16xi32>
      %gt3A_1902 = arith.cmpf ogt, %min3A_1884, %min3A_1879 : vector<16xf32>
      %max3A_1903 = arith.maximumf %min3A_1879, %min3A_1884 : vector<16xf32>
      %min3A_1904 = arith.minimumf %min3A_1879, %min3A_1884 : vector<16xf32>
      %select_n3A_1905 = arith.select %gt3A_1902, %select_n3A_1886, %select_n3A_1881 : vector<16xi1>, vector<16xi32>
      %select_n3A_1906 = arith.select %gt3A_1902, %select_n3A_1881, %select_n3A_1886 : vector<16xi1>, vector<16xi32>
      %gt3A_1907 = arith.cmpf ogt, %max3A_1893, %max3A_1888 : vector<16xf32>
      %max3A_1908 = arith.maximumf %max3A_1888, %max3A_1893 : vector<16xf32>
      %min3A_1909 = arith.minimumf %max3A_1888, %max3A_1893 : vector<16xf32>
      %select_n3A_1910 = arith.select %gt3A_1907, %select_n3A_1895, %select_n3A_1890 : vector<16xi1>, vector<16xi32>
      %select_n3A_1911 = arith.select %gt3A_1907, %select_n3A_1890, %select_n3A_1895 : vector<16xi1>, vector<16xi32>
      %gt3A_1912 = arith.cmpf ogt, %min3A_1894, %min3A_1889 : vector<16xf32>
      %max3A_1913 = arith.maximumf %min3A_1889, %min3A_1894 : vector<16xf32>
      %min3A_1914 = arith.minimumf %min3A_1889, %min3A_1894 : vector<16xf32>
      %select_n3A_1915 = arith.select %gt3A_1912, %select_n3A_1896, %select_n3A_1891 : vector<16xi1>, vector<16xi32>
      %select_n3A_1916 = arith.select %gt3A_1912, %select_n3A_1891, %select_n3A_1896 : vector<16xi1>, vector<16xi32>
      %get3A_1917 = arith.constant 0 : i32
      %get3A_1918 = arith.index_cast %get3A_1917 : i32 to index
      %get3A_1919 = arith.index_cast %multiple_of3A : i32 to index
      %get3A_1920 = tpu.vector_load %arg7[%get3A_1918, %get3A_1919] {strides = array<i32>} : memref<1x512xf32, #tpu.memory_space<vmem>>, vector<1x16xf32>,
      %get3A_1921 = vector.shape_cast %get3A_1920 : vector<1x16xf32> to vector<16xf32>
      %exp3A = math.exp %max3A_1898 : vector<16xf32>
      %mul3A_1922 = arith.mulf %exp3A, %get3A_1921 : vector<16xf32>
      %swap3A = arith.constant 0 : i32
      %swap3A_1923 = arith.index_cast %swap3A : i32 to index
      %swap3A_1924 = arith.index_cast %multiple_of3A : i32 to index
      %swap3A_1925 = tpu.vector_load %arg8[%swap3A_1923, %swap3A_1924] {strides = array<i32>} : memref<8x512xf32, #tpu.memory_space<vmem>>, vector<1x16xf32>,
      %swap3A_1926 = vector.shape_cast %swap3A_1925 : vector<1x16xf32> to vector<16xf32>
      %swap3A_1927 = vector.shape_cast %mul3A_1922 : vector<16xf32> to vector<1x16xf32>
      tpu.vector_store %arg8[%swap3A_1923, %swap3A_1924], %swap3A_1927 {strides = array<i32>} : memref<8x512xf32, #tpu.memory_space<vmem>>, vector<1x16xf32>,
      %swap3A_1928 = arith.constant 0 : i32
      %swap3A_1929 = arith.index_cast %swap3A_1928 : i32 to index
      %swap3A_1930 = arith.index_cast %multiple_of3A : i32 to index
      %swap3A_1931 = tpu.vector_load %arg9[%swap3A_1929, %swap3A_1930] {strides = array<i32>} : memref<8x512xi32, #tpu.memory_space<vmem>>, vector<1x16xi32>,
      %swap3A_1932 = vector.shape_cast %swap3A_1931 : vector<1x16xi32> to vector<16xi32>
      %swap3A_1933 = vector.shape_cast %select_n3A_1900 : vector<16xi32> to vector<1x16xi32>
      tpu.vector_store %arg9[%swap3A_1929, %swap3A_1930], %swap3A_1933 {strides = array<i32>} : memref<8x512xi32, #tpu.memory_space<vmem>>, vector<1x16xi32>,
      %exp3A_1934 = math.exp %min3A_1899 : vector<16xf32>
      %mul3A_1935 = arith.mulf %exp3A_1934, %get3A_1921 : vector<16xf32>
      %swap3A_1936 = arith.constant 1 : i32
      %swap3A_1937 = arith.index_cast %swap3A_1936 : i32 to index
      %swap3A_1938 = arith.index_cast %multiple_of3A : i32 to index
      %swap3A_1939 = tpu.vector_load %arg8[%swap3A_1937, %swap3A_1938] {strides = array<i32>} : memref<8x512xf32, #tpu.memory_space<vmem>>, vector<1x16xf32>,
      %swap3A_1940 = vector.shape_cast %swap3A_1939 : vector<1x16xf32> to vector<16xf32>
      %swap3A_1941 = vector.shape_cast %mul3A_1935 : vector<16xf32> to vector<1x16xf32>
      tpu.vector_store %arg8[%swap3A_1937, %swap3A_1938], %swap3A_1941 {strides = array<i32>} : memref<8x512xf32, #tpu.memory_space<vmem>>, vector<1x16xf32>,
      %swap3A_1942 = arith.constant 1 : i32
      %swap3A_1943 = arith.index_cast %swap3A_1942 : i32 to index
      %swap3A_1944 = arith.index_cast %multiple_of3A : i32 to index
      %swap3A_1945 = tpu.vector_load %arg9[%swap3A_1943, %swap3A_1944] {strides = array<i32>} : memref<8x512xi32, #tpu.memory_space<vmem>>, vector<1x16xi32>,
      %swap3A_1946 = vector.shape_cast %swap3A_1945 : vector<1x16xi32> to vector<16xi32>
      %swap3A_1947 = vector.shape_cast %select_n3A_1901 : vector<16xi32> to vector<1x16xi32>
      tpu.vector_store %arg9[%swap3A_1943, %swap3A_1944], %swap3A_1947 {strides = array<i32>} : memref<8x512xi32, #tpu.memory_space<vmem>>, vector<1x16xi32>,
      %exp3A_1948 = math.exp %max3A_1903 : vector<16xf32>
      %mul3A_1949 = arith.mulf %exp3A_1948, %get3A_1921 : vector<16xf32>
      %swap3A_1950 = arith.constant 2 : i32
      %swap3A_1951 = arith.index_cast %swap3A_1950 : i32 to index
      %swap3A_1952 = arith.index_cast %multiple_of3A : i32 to index
      %swap3A_1953 = tpu.vector_load %arg8[%swap3A_1951, %swap3A_1952] {strides = array<i32>} : memref<8x512xf32, #tpu.memory_space<vmem>>, vector<1x16xf32>,
      %swap3A_1954 = vector.shape_cast %swap3A_1953 : vector<1x16xf32> to vector<16xf32>
      %swap3A_1955 = vector.shape_cast %mul3A_1949 : vector<16xf32> to vector<1x16xf32>
      tpu.vector_store %arg8[%swap3A_1951, %swap3A_1952], %swap3A_1955 {strides = array<i32>} : memref<8x512xf32, #tpu.memory_space<vmem>>, vector<1x16xf32>,
      %swap3A_1956 = arith.constant 2 : i32
      %swap3A_1957 = arith.index_cast %swap3A_1956 : i32 to index
      %swap3A_1958 = arith.index_cast %multiple_of3A : i32 to index
      %swap3A_1959 = tpu.vector_load %arg9[%swap3A_1957, %swap3A_1958] {strides = array<i32>} : memref<8x512xi32, #tpu.memory_space<vmem>>, vector<1x16xi32>,
      %swap3A_1960 = vector.shape_cast %swap3A_1959 : vector<1x16xi32> to vector<16xi32>
      %swap3A_1961 = vector.shape_cast %select_n3A_1905 : vector<16xi32> to vector<1x16xi32>
      tpu.vector_store %arg9[%swap3A_1957, %swap3A_1958], %swap3A_1961 {strides = array<i32>} : memref<8x512xi32, #tpu.memory_space<vmem>>, vector<1x16xi32>,
      %exp3A_1962 = math.exp %min3A_1904 : vector<16xf32>
      %mul3A_1963 = arith.mulf %exp3A_1962, %get3A_1921 : vector<16xf32>
      %swap3A_1964 = arith.constant 3 : i32
      %swap3A_1965 = arith.index_cast %swap3A_1964 : i32 to index
      %swap3A_1966 = arith.index_cast %multiple_of3A : i32 to index
      %swap3A_1967 = tpu.vector_load %arg8[%swap3A_1965, %swap3A_1966] {strides = array<i32>} : memref<8x512xf32, #tpu.memory_space<vmem>>, vector<1x16xf32>,
      %swap3A_1968 = vector.shape_cast %swap3A_1967 : vector<1x16xf32> to vector<16xf32>
      %swap3A_1969 = vector.shape_cast %mul3A_1963 : vector<16xf32> to vector<1x16xf32>
      tpu.vector_store %arg8[%swap3A_1965, %swap3A_1966], %swap3A_1969 {strides = array<i32>} : memref<8x512xf32, #tpu.memory_space<vmem>>, vector<1x16xf32>,
      %swap3A_1970 = arith.constant 3 : i32
      %swap3A_1971 = arith.index_cast %swap3A_1970 : i32 to index
      %swap3A_1972 = arith.index_cast %multiple_of3A : i32 to index
      %swap3A_1973 = tpu.vector_load %arg9[%swap3A_1971, %swap3A_1972] {strides = array<i32>} : memref<8x512xi32, #tpu.memory_space<vmem>>, vector<1x16xi32>,
      %swap3A_1974 = vector.shape_cast %swap3A_1973 : vector<1x16xi32> to vector<16xi32>
      %swap3A_1975 = vector.shape_cast %select_n3A_1906 : vector<16xi32> to vector<1x16xi32>
      tpu.vector_store %arg9[%swap3A_1971, %swap3A_1972], %swap3A_1975 {strides = array<i32>} : memref<8x512xi32, #tpu.memory_space<vmem>>, vector<1x16xi32>,
      %exp3A_1976 = math.exp %max3A_1908 : vector<16xf32>
      %mul3A_1977 = arith.mulf %exp3A_1976, %get3A_1921 : vector<16xf32>
      %swap3A_1978 = arith.constant 4 : i32
      %swap3A_1979 = arith.index_cast %swap3A_1978 : i32 to index
      %swap3A_1980 = arith.index_cast %multiple_of3A : i32 to index
      %swap3A_1981 = tpu.vector_load %arg8[%swap3A_1979, %swap3A_1980] {strides = array<i32>} : memref<8x512xf32, #tpu.memory_space<vmem>>, vector<1x16xf32>,
      %swap3A_1982 = vector.shape_cast %swap3A_1981 : vector<1x16xf32> to vector<16xf32>
      %swap3A_1983 = vector.shape_cast %mul3A_1977 : vector<16xf32> to vector<1x16xf32>
      tpu.vector_store %arg8[%swap3A_1979, %swap3A_1980], %swap3A_1983 {strides = array<i32>} : memref<8x512xf32, #tpu.memory_space<vmem>>, vector<1x16xf32>,
      %swap3A_1984 = arith.constant 4 : i32
      %swap3A_1985 = arith.index_cast %swap3A_1984 : i32 to index
      %swap3A_1986 = arith.index_cast %multiple_of3A : i32 to index
      %swap3A_1987 = tpu.vector_load %arg9[%swap3A_1985, %swap3A_1986] {strides = array<i32>} : memref<8x512xi32, #tpu.memory_space<vmem>>, vector<1x16xi32>,
      %swap3A_1988 = vector.shape_cast %swap3A_1987 : vector<1x16xi32> to vector<16xi32>
      %swap3A_1989 = vector.shape_cast %select_n3A_1910 : vector<16xi32> to vector<1x16xi32>
      tpu.vector_store %arg9[%swap3A_1985, %swap3A_1986], %swap3A_1989 {strides = array<i32>} : memref<8x512xi32, #tpu.memory_space<vmem>>, vector<1x16xi32>,
      %exp3A_1990 = math.exp %min3A_1909 : vector<16xf32>
      %mul3A_1991 = arith.mulf %exp3A_1990, %get3A_1921 : vector<16xf32>
      %swap3A_1992 = arith.constant 5 : i32
      %swap3A_1993 = arith.index_cast %swap3A_1992 : i32 to index
      %swap3A_1994 = arith.index_cast %multiple_of3A : i32 to index
      %swap3A_1995 = tpu.vector_load %arg8[%swap3A_1993, %swap3A_1994] {strides = array<i32>} : memref<8x512xf32, #tpu.memory_space<vmem>>, vector<1x16xf32>,
      %swap3A_1996 = vector.shape_cast %swap3A_1995 : vector<1x16xf32> to vector<16xf32>
      %swap3A_1997 = vector.shape_cast %mul3A_1991 : vector<16xf32> to vector<1x16xf32>
      tpu.vector_store %arg8[%swap3A_1993, %swap3A_1994], %swap3A_1997 {strides = array<i32>} : memref<8x512xf32, #tpu.memory_space<vmem>>, vector<1x16xf32>,
      %swap3A_1998 = arith.constant 5 : i32
      %swap3A_1999 = arith.index_cast %swap3A_1998 : i32 to index
      %swap3A_2000 = arith.index_cast %multiple_of3A : i32 to index
      %swap3A_2001 = tpu.vector_load %arg9[%swap3A_1999, %swap3A_2000] {strides = array<i32>} : memref<8x512xi32, #tpu.memory_space<vmem>>, vector<1x16xi32>,
      %swap3A_2002 = vector.shape_cast %swap3A_2001 : vector<1x16xi32> to vector<16xi32>
      %swap3A_2003 = vector.shape_cast %select_n3A_1911 : vector<16xi32> to vector<1x16xi32>
      tpu.vector_store %arg9[%swap3A_1999, %swap3A_2000], %swap3A_2003 {strides = array<i32>} : memref<8x512xi32, #tpu.memory_space<vmem>>, vector<1x16xi32>,
      %exp3A_2004 = math.exp %max3A_1913 : vector<16xf32>
      %mul3A_2005 = arith.mulf %exp3A_2004, %get3A_1921 : vector<16xf32>
      %swap3A_2006 = arith.constant 6 : i32
      %swap3A_2007 = arith.index_cast %swap3A_2006 : i32 to index
      %swap3A_2008 = arith.index_cast %multiple_of3A : i32 to index
      %swap3A_2009 = tpu.vector_load %arg8[%swap3A_2007, %swap3A_2008] {strides = array<i32>} : memref<8x512xf32, #tpu.memory_space<vmem>>, vector<1x16xf32>,
      %swap3A_2010 = vector.shape_cast %swap3A_2009 : vector<1x16xf32> to vector<16xf32>
      %swap3A_2011 = vector.shape_cast %mul3A_2005 : vector<16xf32> to vector<1x16xf32>
      tpu.vector_store %arg8[%swap3A_2007, %swap3A_2008], %swap3A_2011 {strides = array<i32>} : memref<8x512xf32, #tpu.memory_space<vmem>>, vector<1x16xf32>,
      %swap3A_2012 = arith.constant 6 : i32
      %swap3A_2013 = arith.index_cast %swap3A_2012 : i32 to index
      %swap3A_2014 = arith.index_cast %multiple_of3A : i32 to index
      %swap3A_2015 = tpu.vector_load %arg9[%swap3A_2013, %swap3A_2014] {strides = array<i32>} : memref<8x512xi32, #tpu.memory_space<vmem>>, vector<1x16xi32>,
      %swap3A_2016 = vector.shape_cast %swap3A_2015 : vector<1x16xi32> to vector<16xi32>
      %swap3A_2017 = vector.shape_cast %select_n3A_1915 : vector<16xi32> to vector<1x16xi32>
      tpu.vector_store %arg9[%swap3A_2013, %swap3A_2014], %swap3A_2017 {strides = array<i32>} : memref<8x512xi32, #tpu.memory_space<vmem>>, vector<1x16xi32>,
      %exp3A_2018 = math.exp %min3A_1914 : vector<16xf32>
      %mul3A_2019 = arith.mulf %exp3A_2018, %get3A_1921 : vector<16xf32>
      %swap3A_2020 = arith.constant 7 : i32
      %swap3A_2021 = arith.index_cast %swap3A_2020 : i32 to index
      %swap3A_2022 = arith.index_cast %multiple_of3A : i32 to index
      %swap3A_2023 = tpu.vector_load %arg8[%swap3A_2021, %swap3A_2022] {strides = array<i32>} : memref<8x512xf32, #tpu.memory_space<vmem>>, vector<1x16xf32>,
      %swap3A_2024 = vector.shape_cast %swap3A_2023 : vector<1x16xf32> to vector<16xf32>
      %swap3A_2025 = vector.shape_cast %mul3A_2019 : vector<16xf32> to vector<1x16xf32>
      tpu.vector_store %arg8[%swap3A_2021, %swap3A_2022], %swap3A_2025 {strides = array<i32>} : memref<8x512xf32, #tpu.memory_space<vmem>>, vector<1x16xf32>,
      %swap3A_2026 = arith.constant 7 : i32
      %swap3A_2027 = arith.index_cast %swap3A_2026 : i32 to index
      %swap3A_2028 = arith.index_cast %multiple_of3A : i32 to index
      %swap3A_2029 = tpu.vector_load %arg9[%swap3A_2027, %swap3A_2028] {strides = array<i32>} : memref<8x512xi32, #tpu.memory_space<vmem>>, vector<1x16xi32>,
      %swap3A_2030 = vector.shape_cast %swap3A_2029 : vector<1x16xi32> to vector<16xi32>
      %swap3A_2031 = vector.shape_cast %select_n3A_1916 : vector<16xi32> to vector<1x16xi32>
      tpu.vector_store %arg9[%swap3A_2027, %swap3A_2028], %swap3A_2031 {strides = array<i32>} : memref<8x512xi32, #tpu.memory_space<vmem>>, vector<1x16xi32>,
    }
    %scan3A_7 = arith.constant 32 : i32
    "tpu.region"() ({
      %run_scoped3A = tpu.sem_alloc : memref<!tpu.dma_semaphore, #tpu.memory_space<semaphore_mem>>
      %dma_start3A = arith.constant 0 : i32
      %dma_start3A_8 = tpu.memref_slice %arg4[%dma_start3A, %mul3A_2] : memref<8x16384xf32, #tpu.memory_space<hbm>> -> memref<8x512xf32, #tpu.memory_space<hbm>>
      %dma_start3A_9 = arith.constant 0 : i32
      %dma_start3A_10 = tpu.memref_slice %arg4[%dma_start3A_9, %mul3A_2] : memref<8x16384xf32, #tpu.memory_space<hbm>> -> memref<8x512xf32, #tpu.memory_space<hbm>>
      tpu.enqueue_dma source(%arg8 : memref<8x512xf32, #tpu.memory_space<vmem>>) target(%dma_start3A_10 : memref<8x512xf32, #tpu.memory_space<hbm>>) target_semaphore(%run_scoped3A : memref<!tpu.dma_semaphore, #tpu.memory_space<semaphore_mem>>)
      %dma_wait3A = arith.constant 0 : i32
      %dma_wait3A_11 = tpu.memref_slice %arg4[%dma_wait3A, %mul3A_2] : memref<8x16384xf32, #tpu.memory_space<hbm>> -> memref<8x512xf32, #tpu.memory_space<hbm>>
      %dma_wait3A_12 = arith.constant 0 : i32
      %dma_wait3A_13 = tpu.memref_slice %arg4[%dma_wait3A_12, %mul3A_2] : memref<8x16384xf32, #tpu.memory_space<hbm>> -> memref<8x512xf32, #tpu.memory_space<hbm>>
      tpu.wait_dma2 semaphore(%run_scoped3A : memref<!tpu.dma_semaphore, #tpu.memory_space<semaphore_mem>>) src(%arg8 : memref<8x512xf32, #tpu.memory_space<vmem>>) dst(%dma_wait3A_13 : memref<8x512xf32, #tpu.memory_space<hbm>>)
      tpu.yield
    }) : () -> ()
    "tpu.region"() ({
      %run_scoped3A = tpu.sem_alloc : memref<!tpu.dma_semaphore, #tpu.memory_space<semaphore_mem>>
      %dma_start3A = arith.constant 0 : i32
      %dma_start3A_8 = tpu.memref_slice %arg5[%dma_start3A, %mul3A_2] : memref<8x16384xi32, #tpu.memory_space<hbm>> -> memref<8x512xi32, #tpu.memory_space<hbm>>
      %dma_start3A_9 = arith.constant 0 : i32
      %dma_start3A_10 = tpu.memref_slice %arg5[%dma_start3A_9, %mul3A_2] : memref<8x16384xi32, #tpu.memory_space<hbm>> -> memref<8x512xi32, #tpu.memory_space<hbm>>
      tpu.enqueue_dma source(%arg9 : memref<8x512xi32, #tpu.memory_space<vmem>>) target(%dma_start3A_10 : memref<8x512xi32, #tpu.memory_space<hbm>>) target_semaphore(%run_scoped3A : memref<!tpu.dma_semaphore, #tpu.memory_space<semaphore_mem>>)
      %dma_wait3A = arith.constant 0 : i32
      %dma_wait3A_11 = tpu.memref_slice %arg5[%dma_wait3A, %mul3A_2] : memref<8x16384xi32, #tpu.memory_space<hbm>> -> memref<8x512xi32, #tpu.memory_space<hbm>>
      %dma_wait3A_12 = arith.constant 0 : i32
      %dma_wait3A_13 = tpu.memref_slice %arg5[%dma_wait3A_12, %mul3A_2] : memref<8x16384xi32, #tpu.memory_space<hbm>> -> memref<8x512xi32, #tpu.memory_space<hbm>>
      tpu.wait_dma2 semaphore(%run_scoped3A : memref<!tpu.dma_semaphore, #tpu.memory_space<semaphore_mem>>) src(%arg9 : memref<8x512xi32, #tpu.memory_space<vmem>>) dst(%dma_wait3A_13 : memref<8x512xi32, #tpu.memory_space<hbm>>)
      tpu.yield
    }) : () -> ()
    return
  }
}

module attributes {stable_mosaic.version = 14 : i64} {
  func.func @_mm_body(%arg0: i32, %arg1: memref<512x2048xf32, #tpu.memory_space<vmem>>, %arg2: memref<64x2048xf32, #tpu.memory_space<vmem>>, %arg3: memref<64x512xf32, #tpu.memory_space<vmem>>, %arg4: memref<1x512xf32, #tpu.memory_space<vmem>>) attributes {dimension_semantics = [#tpu.dimension_semantics<arbitrary>], iteration_bounds = array<i64: 32>, scalar_prefetch = 0 : i64, scratch_operands = 0 : i64, tpu.core_type = #tpu.core_type<tc>, window_params = [{transform_indices = @transform_0, window_bounds = array<i64: 512, 2048>}, {pipeline_mode = #tpu.pipeline_mode<synchronous>, transform_indices = @transform_1, window_bounds = array<i64: 64, 2048>}, {transform_indices = @transform_2, window_bounds = array<i64: 64, 512>}, {transform_indices = @transform_3, window_bounds = array<i64: 1, 512>}]} {
    %get3A = arith.constant 0 : index
    %get3A_0 = arith.constant 0 : index
    %get3A_1 = vector.load %arg2[%get3A, %get3A_0] : memref<64x2048xf32, #tpu.memory_space<vmem>>, vector<64x2048xf32>
    %get3A_2 = arith.constant 0 : index
    %get3A_3 = arith.constant 0 : index
    %get3A_4 = vector.load %arg1[%get3A_2, %get3A_3] : memref<512x2048xf32, #tpu.memory_space<vmem>>, vector<512x2048xf32>
    %dot_general3A = arith.constant dense<0.000000e+00> : vector<64x512xf32>
    %dot_general3A_5 = tpu.matmul %get3A_1, %get3A_4, %dot_general3A {dimension_numbers = #tpu.dot_dimension_numbers<[1], [1], [0], [0], [0, 0, 1, 0], [], []>, transpose_lhs_hint = false} : vector<64x2048xf32>, vector<512x2048xf32>, vector<64x512xf32> -> vector<64x512xf32>
    %swap3A = arith.constant 0 : index
    %swap3A_6 = arith.constant 0 : index
    %swap3A_7 = vector.load %arg3[%swap3A, %swap3A_6] : memref<64x512xf32, #tpu.memory_space<vmem>>, vector<64x512xf32>
    tpu.vector_store %arg3[%swap3A, %swap3A_6], %dot_general3A_5 {strides = array<i32>} : memref<64x512xf32, #tpu.memory_space<vmem>>, vector<64x512xf32>,
    %exp3A = math.exp %dot_general3A_5 : vector<64x512xf32>
    %reduce_sum3A = arith.constant dense<0.000000e+00> : vector<512xf32>
    %reduce_sum3A_8 = vector.multi_reduction <add>, %exp3A, %reduce_sum3A [0] : vector<64x512xf32> to vector<512xf32>
    %broadcast_in_dim3A = vector.shape_cast %reduce_sum3A_8 : vector<512xf32> to vector<1x512xf32>
    %div3A = arith.constant 1.000000e+00 : f32
    %div3A_9 = vector.broadcast %div3A : f32 to vector<1x512xf32>
    %div3A_10 = arith.divf %div3A_9, %broadcast_in_dim3A : vector<1x512xf32>
    %swap3A_11 = arith.constant 0 : index
    %swap3A_12 = arith.constant 0 : index
    %swap3A_13 = vector.load %arg4[%swap3A_11, %swap3A_12] : memref<1x512xf32, #tpu.memory_space<vmem>>, vector<1x512xf32>
    tpu.vector_store %arg4[%swap3A_11, %swap3A_12], %div3A_10 {strides = array<i32>} : memref<1x512xf32, #tpu.memory_space<vmem>>, vector<1x512xf32>,
    return
  }
  func.func @transform_0(%arg0: i32) -> (i32, i32) {
    %c0_i32 = arith.constant 0 : i32
    %c0_i32_0 = arith.constant 0 : i32
    return %arg0, %c0_i32 : i32, i32
  }
  func.func @transform_1(%arg0: i32) -> (i32, i32) {
    %c0_i32 = arith.constant 0 : i32
    %c0_i32_0 = arith.constant 0 : i32
    %c0_i32_1 = arith.constant 0 : i32
    return %c0_i32, %c0_i32_0 : i32, i32
  }
  func.func @transform_2(%arg0: i32) -> (i32, i32) {
    %c0_i32 = arith.constant 0 : i32
    %c0_i32_0 = arith.constant 0 : i32
    return %c0_i32, %arg0 : i32, i32
  }
  func.func @transform_3(%arg0: i32) -> (i32, i32) {
    %c0_i32 = arith.constant 0 : i32
    %c0_i32_0 = arith.constant 0 : i32
    return %c0_i32, %arg0 : i32, i32
  }
}

</mosaic_0001>

<sc_bundles>
// kernel: kernel.4.cloned.1.call-start
scs
__scs_entry_jumppad:
0x0: {  	(pc) =	sbr.rel $0x88, $3  }
0x1: {  	(tag) =	ssettag $0x0;
	lr =	simm.s32 $0x1  }
0x2: {  	[smem:$0x3F9F] =	sst lr;
	_ =	strace $0xD0000000  }
0x3: {  	_ = 	snop  }
0x4: {  	_ = 	snop  }
0x5: {  	_ = 	snop  }
0x6: {  	_ = 	snop  }
0x7: {  	_ = 	snop  }
__scs_overlays_trampoline_lowered:
0x8: {  	[smem:$0x3FAE] =	sst s0  }
0x9: {  	[smem:$0x3FAF] =	sst s1  }
0xa: {  	[smem:$0x3FB0] =	sst s2  }
0xb: {  	[smem:$0x3FB1] =	sst s3  }
0xc: {  	[smem:$0x3FB2] =	sst s4  }
0xd: {  	[smem:$0x3FB3] =	sst s5  }
0xe: {  	[smem:$0x3FB4] =	sst s6  }
0xf: {  	[smem:$0x3FB5] =	sst s7  }
0x10: {  	[smem:$0x3FB6] =	sst s8  }
0x11: {  	[smem:$0x3FB7] =	sst s9;
	s0 =	simm.s32 @!p0 $0x0  }
0x12: {  	s1 =	sld [smem:$0x3F9D];
	s0 =	simm.s32 @p0 $0x1  }
0x13: {  	[smem:$0x3FB8] =	sst s0;
	s0 =	simm.s32 @!p1 $0x0  }
0x14: {  	s2 =	sld [smem:$0x3F9C];
	s0 =	simm.s32 @p1 $0x1  }
0x15: {  	[smem:$0x3FB9] =	sst s0;
	s0 =	simm.s32 @!p2 $0x0  }
0x16: {  	s3 =	sld [smem:$0x3FDB];
	s0 =	simm.s32 @p2 $0x1  }
0x17: {  	s4 =	simm.s32 $0x1BF5;
	[smem:$0x3FBB] =	sst s0  }
0x18: {  	s0 =	sld [smem:$0x3F9E];
	_ =	swait.ge [sflag:s4], $0x0  }
0x19: {  	s7 =	sld [smem:$0x3F9F]  }
0x1a: {  	s8 =	sadd.s32 $0xFFFFE003, lr  }
0x1b: {  	s9 =	sadd.s32 $0xFFFFFEF7, lr;
	s5 =	simm.s32 $0xFFFFFFFF;
	p2 =	slt.u32 s8, $0xFFFFF086  }
0x1c: {  	p1 =	slt.u32 s9, $0xF7A;
	s5 =	simm.s32 @!p2 $0x0  }
0x1d: {  	s5 =	simm.s32 @p1 $0x1;
	p0 =	seq.s32 s7, s2  }
0x1e: {  	s7 =	smul.u32 @!p0 $0xF7A, s2;
	p2 =	seq.s32 @!p0 s5, $0x0  }
0x1f: {  	s9 =	smul.u32 $0xF7A, s1;
	s8 =	simm.s32 @!p0 $0x1BF5;
	p2 =	por !p2, p0  }
0x20: {  	[sflag:s8] =	ssyncset.s32 @!p0 $0xFFFFF086;
	s6 =	sadd.s32 @!p0 s3, s7;
	s7 =	simm.s32 @!p0 $0x108  }
0x21: {  	s3 =	sadd.s32 s3, s9;
	s6 =	sadd.s32 @!p0 $0x88, s6;
	s7 =	simm.s32 @p2 $0x1082  }
0x22: {  	[simem:s7], [sflag:s8] =	dma.local @!p0 [hbm:s6], $0xF7A  }
0x23: {  	s9 =	sor.u32 $0xD0000000, s2;
	s6 =	simm.s32 $0x108;
	_ =	swait.ge @!p0 [sflag:s8], $0x0  }
0x24: {  	s3 =	sadd.s32 $0x88, s3;
	s6 =	simm.s32 @!p1 $0x1082;
	[sflag:s4] =	ssyncset.s32 $0xFFFFF086  }
0x25: {  	[simem:s6], [sflag:s4] =	dma.local [hbm:s3], $0xF7A  }
0x26: {  	[smem:$0x3F9F] =	sst s1;
	(tag) =	ssettag s2;
	_ =	strace s9  }
0x27: {  	s1 =	sld [smem:$0x3FAF]  }
0x28: {  	s2 =	sld [smem:$0x3FB0]  }
0x29: {  	s4 =	sld [smem:$0x3FB2]  }
0x2a: {  	p0 =	seq.s32 s5, $0x0;
	s5 =	sld [smem:$0x3FB3]  }
0x2b: {  	s6 =	sld [smem:$0x3FB4]  }
0x2c: {  	s7 =	sld [smem:$0x3FB5]  }
0x2d: {  	s3 =	simm.s32 $0x108;
	s8 =	sld [smem:$0x3FB6]  }
0x2e: {  	s3 =	simm.s32 @!p0 $0x1082;
	s9 =	sld [smem:$0x3FB7]  }
0x2f: {  	lr =	sadd.s32 s0, s3;
	s0 =	sld [smem:$0x3FAE]  }
0x30: {  	s3 =	sld [smem:$0x3FB1]  }
0x31: {  	[smem:$0x3FBA] =	sst s10  }
0x32: {  	s10 =	sld [smem:$0x3FB8];
	_ =	sdelay $0x3  }
0x33: {  	p0 =	seq.s32 s10, $0x1;
	s10 =	sld [smem:$0x3FBA];
	_ =	sdelay $0x3  }
0x34: {  	[smem:$0x3FBA] =	sst s10  }
0x35: {  	s10 =	sld [smem:$0x3FB9];
	_ =	sdelay $0x3  }
0x36: {  	p1 =	seq.s32 s10, $0x1;
	s10 =	sld [smem:$0x3FBA];
	_ =	sdelay $0x3  }
0x37: {  	[smem:$0x3FBA] =	sst s10  }
0x38: {  	s10 =	sld [smem:$0x3FBB]  }
0x39: {  	_ = 	snop;
	(pc) =	sbr.ind lr, $3  }
0x3a: {  	_ = 	snop  }
0x3b: {  	_ = 	snop  }
0x3c: {  	p2 =	seq.s32 s10, $0x1;
	s10 =	sld [smem:$0x3FBA]  }
0x3d: {  	_ =	shalt  }
0x3e: {  	_ =	shalt  }
0x3f: {  	_ =	shalt  }
0x40: {  	_ =	shalt  }
0x41: {  	_ =	shalt  }
0x42: {  	_ =	shalt  }
0x43: {  	_ =	shalt  }
0x44: {  	_ =	shalt  }
0x45: {  	_ =	shalt  }
0x46: {  	_ =	shalt  }
0x47: {  	_ =	shalt  }
0x48: {  	_ =	shalt  }
0x49: {  	_ =	shalt  }
0x4a: {  	_ =	shalt  }
0x4b: {  	_ =	shalt  }
0x4c: {  	_ =	shalt  }
0x4d: {  	_ =	shalt  }
0x4e: {  	_ =	shalt  }
0x4f: {  	_ =	shalt  }
0x50: {  	_ =	shalt  }
0x51: {  	_ =	shalt  }
0x52: {  	_ =	shalt  }
0x53: {  	_ =	shalt  }
0x54: {  	_ =	shalt  }
0x55: {  	_ =	shalt  }
0x56: {  	_ =	shalt  }
0x57: {  	_ =	shalt  }
0x58: {  	_ =	shalt  }
0x59: {  	_ =	shalt  }
0x5a: {  	_ =	shalt  }
0x5b: {  	_ =	shalt  }
0x5c: {  	_ =	shalt  }
0x5d: {  	_ =	shalt  }
0x5e: {  	_ =	shalt  }
0x5f: {  	_ =	shalt  }
0x60: {  	_ =	shalt  }
0x61: {  	_ =	shalt  }
0x62: {  	_ =	shalt  }
0x63: {  	_ =	shalt  }
0x64: {  	_ =	shalt  }
0x65: {  	_ =	shalt  }
0x66: {  	_ =	shalt  }
0x67: {  	_ =	shalt  }
0x68: {  	_ =	shalt  }
0x69: {  	_ =	shalt  }
0x6a: {  	_ =	shalt  }
0x6b: {  	_ =	shalt  }
0x6c: {  	_ =	shalt  }
0x6d: {  	_ =	shalt  }
0x6e: {  	_ =	shalt  }
0x6f: {  	_ =	shalt  }
0x70: {  	_ =	shalt  }
0x71: {  	_ =	shalt  }
0x72: {  	_ =	shalt  }
0x73: {  	_ =	shalt  }
0x74: {  	_ =	shalt  }
0x75: {  	_ =	shalt  }
0x76: {  	_ =	shalt  }
0x77: {  	_ =	shalt  }
0x78: {  	_ =	shalt  }
0x79: {  	_ =	shalt  }
0x7a: {  	_ =	shalt  }
0x7b: {  	_ =	shalt  }
0x7c: {  	_ =	shalt  }
0x7d: {  	_ =	shalt  }
0x7e: {  	_ =	shalt  }
0x7f: {  	_ =	shalt  }
0x80: {  	_ =	shalt  }
0x81: {  	_ =	shalt  }
0x82: {  	_ =	shalt  }
0x83: {  	_ =	shalt  }
0x84: {  	_ =	shalt  }
0x85: {  	_ =	shalt  }
0x86: {  	_ =	shalt  }
0x87: {  	_ =	shalt  }
.Lfunc_end0:
.L_simem_size_0:
called_computation_lowered:
.L_overlay_start_0:
0x88: {  	s2 =	sld [smem:$0x3FD9]  }
0x89: {  	s3 =	sld [smem:$0x3FFE];
	_ =	sdelay $0x1  }
0x8a: {  	s1 =	srdreg.scid  }
0x8b: {  	s0 =	sand.u32 $0x1, s1  }
0x8c: {  	s14 =	sshll.u32 s0, $0xA;
	s2 =	sadd.s32 s3, s2  }
0x8d: {  	s2 =	sadd.s32 s2, s14  }
0x8e: {  	[smem:$0x3FC6] =	sst s2  }
0x8f: {  	_ = 	snop  }
0x90: {  	s2 =	sld [smem:$0x3FD0];
	_ =	sdelay $0x2  }
0x91: {  	s15 =	simm.s32 $0xA;
	s4 =	simm.s32 $0x10  }
0x92: {  	[smem:s4], [sflag:s15] =	dma.local [hbm:s2], $0x1  }
0x93: {  	_ =	swait.eq [sflag:s15], $0x1  }
0x94: {  	[sflag:s15] =	ssyncset.done $0x0  }
0x95: {  	s16 =	sld [smem:$0x10];
	[sflag:s15] =	ssyncadd.s32 $0xFFFFFFFF  }
0x96: {  	s17 =	sld [smem:$0x11];
	(tm) =	ssettm $0x1  }
0x97: {  	s18 =	sld [smem:$0x3FFB];
	_ =	sdelay $0x3  }
0x98: {  	_ =	strace s18  }
0x99: {  	s4 =	sld [smem:$0x3FFC];
	_ =	sdelay $0x3  }
0x9a: {  	_ =	strace s4  }
0x9b: {  	s4 =	sld [smem:$0x3FFD];
	_ =	sdelay $0x3  }
0x9c: {  	_ =	strace s4  }
0x9d: {  	_ =	strace $0x8FFFFFFF  }
0x9e: {  	s19 =	sld [smem:$0x3FDB];
	_ =	sdelay $0x1  }
0x9f: {  	s5 =	simm.s32 $_scs_section_size  }
0xa0: {  	s6 =	simm.s32 $_size__tile_overlayer_lowered;
	s7 =	simm.s32 $_tile_overlayer_lowered  }
0xa1: {  	s22 =	simm.s32 $0x1BFF;
	s21 =	sshll.u32 s7, $0x1;
	s4 =	sadd.s32 s5, s19  }
0xa2: {  	s8 =	simm.s32 $0x0;
	s20 =	sshll.u32 s6, $0x1;
	s6 =	sadd.s32 s21, s4  }
0xa3: {  	[timem:s8], [sflag:s22] =	dma.local [hbm:s6], s20  }
0xa4: {  	_ =	swait.ge [sflag:s22], s20  }
0xa5: {  	s5 =	ssub.s32 $0x0, s20;
	[sflag:s22] =	ssyncset.done $0x0  }
0xa6: {  	[sflag:s22] =	ssyncadd.s32 s5;
	_ =	sdelay $0x1  }
0xa7: {  	s23 =	simm.s32 $0x1B8B  }
0xa8: {  	_ =	swait.ge [sflag:s23], $0x1  }
0xa9: {  	[sflag:s23] =	ssyncset.done $0x0  }
0xaa: {  	s25 =	simm.s32 $0x1B8E;
	s24 =	sld [smem:$0x3FFE];
	[sflag:s23] =	ssyncadd.s32 $0xFFFFFFFF  }
0xab: {  	s26 =	simm.s32 $execute0_lowered;
	[smem:$0x3FD2] =	sst s25  }
0xac: {  	s6 =	sshll.u32 s26, $0x1;
	_ =	strace $0x80000046;
	[dreg:$0x1] =	wrdreg $0xFFFFFFFF  }
0xad: {  	s28 =	simm.s32 $_size_execute0_lowered;
	s4 =	sadd.s32 s4, s6;
	[dreg:$0x0] =	wrdreg $0x0  }
0xae: {  	s6 =	sshll.u32 s28, $0x1;
	[dreg:$0x2] =	wrdreg s4  }
0xaf: {  	[dreg:$0x3] =	wrdreg s6  }
0xb0: {  	[dreg:$0x4] =	wrdreg $0xC0  }
0xb1: {  	_ =	task [dreg:s8], $0x5FFFF  }
0xb2: {  	[dreg:$0x1] =	wrdreg $0xFFFFFFFF  }
0xb3: {  	[dreg:$0x0] =	wrdreg $0x60  }
0xb4: {  	[dreg:$0x2] =	wrdreg s24  }
0xb5: {  	[dreg:$0x3] =	wrdreg s16  }
0xb6: {  	[dreg:$0x4] =	wrdreg s17  }
0xb7: {  	[dreg:$0x5] =	wrdreg $0x9  }
0xb8: {  	_ =	task.clear_ibuf [dreg:s8], $0x6FFFF;
	_ =	strace $0x90000046  }
0xb9: {  	s29 =	simm.s32 $0x9;
	_ =	strace $0x80000048  }
0xba: {  	_ =	swait.ge [sflag:s29], $0x1  }
0xbb: {  	[sflag:s29] =	ssyncadd.s32 $0xFFFFFFFF  }
0xbc: {  	_ =	strace $0x90000048  }
0xbd: {  	_ =	sfence  }
0xbe: {  	s30 =	sld [smem:$0x0];
	_ =	sdelay $0x2  }
0xbf: {  	s31 =	sshll.u32 s1, $0xD;
	s1 =	sshrl.u32 s1, $0x2  }
0xc0: {  	s3 =	sand.u32 $0x4000, s31;
	s1 =	sadd.s32 s1, s30  }
0xc1: {  	s0 =	sor.u32 s3, s0;
	s1 =	sshll.u32 s1, $0x11  }
0xc2: {  	s0 =	sor.u32 s1, s0  }
0xc3: {  	s0 =	sadd.s32 $0x8F2B, s0  }
0xc4: {  	[sflag:s0] =	ssyncadd.remote.s32 $0x1  }
0xc5: {  	_ =	sfence.sel $0xFFFF  }
0xc6: {  	[dreg:$0x0] =	wrdreg $0xFFFFFFFF;
	(pc) =	sbr.abs _section_cstart, $3  }
0xc7: {  	[dreg:$0x1] =	wrdreg $0xFFFFFFFF  }
0xc8: {  	_ =	task.clear_ibuf [dreg:s8], $0x2FFFF;
	_ =	strace $0x9FFFFFFF  }
0xc9: {  	(tm) =	ssettm $0x7FFFFFFF  }
tec
execute0_lowered:
.L_overlay_start_1:
0x0: {  	(tag) =	ssettag $0x1  }
0x1: {  	v0 =	vimm.s32 $0x0;
	v11 =	vimm.s32 $0x2;
	v12 =	vimm.s32 $0x3  }
0x2: {  	v13 =	vimm.s32 $0x4;
	v14 =	vimm.s32 $0x5;
	v15 =	vimm.s32 $0x6  }
0x3: {  	v16 =	vimm.s32 $0x7;
	v25 =	vimm.s32 $0x8;
	v26 =	vimm.s32 $0x9  }
0x4: {  	v27 =	vimm.s32 $0xA;
	v28 =	vimm.s32 $0xB;
	v29 =	vimm.s32 $0xC;
	s3 =	rddreg [dreg:$0x0]  }
0x5: {  	v30 =	vimm.s32 $0xD;
	v31 =	vimm.s32 $0xE;
	v32 =	vimm.s32 $0xF;
	s5 =	rddreg [dreg:$0x1]  }
0x6: {  	s6 =	rddreg [dreg:$0x2];
	s2 =	srdreg.scid;
	v51 =	vimm.s32 $0x22;
	v52 =	vimm.s32 $0x23;
	v53 =	vimm.s32 $0x24  }
0x7: {  	s0 =	rddreg [dreg:$0x3];
	s1 =	stileid.u32;
	v54 =	vimm.s32 $0x25;
	v55 =	vimm.s32 $0x26;
	v56 =	vimm.s32 $0x27  }
0x8: {  	s11 =	simm.s32 $0x8200;
	s12 =	simm.s32 $0x9200;
	s13 =	simm.s32 $0x0;
	v57 =	vimm.s32 $0x28;
	v58 =	vimm.s32 $0x29;
	v59 =	vimm.s32 $0x2A  }
0x9: {  	v60 =	vimm.s32 $0x2B;
	v61 =	vimm.s32 $0x2C;
	v62 =	vimm.s32 $0x2D;
	s4 =	sand.u32 $0x1, s2;
	s2 =	simm.s32 $0x0;
	s7 =	sshll.u32 s1, $0xA  }
0xa: {  	v33 =	vimm.s32 $0x2E;
	v34 =	vimm.s32 $0x2F;
	v35 =	vimm.s32 $0x30;
	s8 =	sshll.u32 s4, $0x9;
	[smem:$0x7FF] =	sst s2;
	s4 =	ssub.s32 $0x2, s4  }
0xb: {  	v36 =	vimm.s32 $0x31;
	v37 =	vimm.s32 $0x32;
	v38 =	vimm.s32 $0x33;
	s7 =	sor.u32 s8, s7;
	_ =	strace $0x80000047;
	s31 =	sshrl.u32 s4, $0x1  }
0xc: {  	v39 =	vimm.s32 $0x34;
	v40 =	vimm.s32 $0x35;
	v41 =	vimm.s32 $0x36;
	s8 =	sshrl.u32 s7, $0x3;
	s9 =	sadd.s32 s7, s3;
	s10 =	ssub.s32 s4, s31  }
0xd: {  	v42 =	vimm.s32 $0x37;
	v43 =	vimm.s32 $0x38;
	v44 =	vimm.s32 $0x39;
	s5 =	sadd.s32 s5, s7;
	s6 =	sadd.s32 s6, s7;
	s8 =	sadd.s32 s8, s3  }
0xe: {  	v45 =	vimm.s32 $0x3A;
	v46 =	vimm.s32 $0x3B;
	v47 =	vimm.s32 $0x3C;
	s3 =	sadd.s32 $0x1000, s9;
	s7 =	smax.u32 s10, $0x1;
	s9 =	simm.s32 $0x20000  }
0xf: {  	v48 =	vimm.s32 $0x3D;
	v49 =	vimm.s32 $0x3E;
	v50 =	vimm.s32 $0x3F;
	s10 =	simm.s32 $0x1;
	s4 =	sadd.s32 $0x21000, s8;
	s8 =	simm.s32 $0x1000  }
.LBB2_1:
0x10: {  	[tilespmem:s2], [sflag:$0x1] =	stream.strided.gather [hbm4b:s3+s8], $0x8000, s9, s8, $0x38;
	[tilespmem:$0xA200] =	vst v63  }
0x11: {  	_ =	swait.ge [sflag:s10], $0x8000  }
0x12: {  	[sflag:s10] =	ssyncset.done $0x0  }
0x13: {  	s14 =	simm.s32 $0x8000;
	[sflag:s10] =	ssyncadd.s32 $0xFFFF8000  }
0x14: {  	[tilespmem:s14], [sflag:$0x1] =	stream.linear.gather [hbm4b:s4+s2], $0x200, $0x38;
	[tilespmem:$0xA200] =	vst v63  }
0x15: {  	_ =	swait.ge [sflag:s10], $0x200  }
0x16: {  	[sflag:s10] =	ssyncset.done $0x0  }
0x17: {  	s15 =	simm.s32 $0x0;
	s16 =	simm.s32 $0x0;
	[sflag:s10] =	ssyncadd.s32 $0xFFFFFE00  }
.LBB2_2:
0x18: {  	s17 =	sand.u32 $0x70, s16;
	s18 =	sand.u32 $0xC00, s15  }
0x19: {  	s17 =	sor.u32 s17, s18  }
0x1a: {  	v63 =	vld [tilespmem:s17+$0x0]  }
0x1b: {  	v1 =	vld [tilespmem:s17+$0x80]  }
0x1c: {  	v2 =	vld [tilespmem:s17+$0x100]  }
0x1d: {  	v4 =	vld [tilespmem:s17+$0x200]  }
0x1e: {  	s18 =	sor.u32 s18, s16;
	v5 =	vld [tilespmem:s17+$0x280]  }
0x1f: {  	s31 =	sor.u32 s15, s16;
	s19 =	sor.u32 $0x180, s18;
	v6 =	vld [tilespmem:s17+$0x300]  }
0x20: {  	s18 =	sor.u32 $0x380, s31;
	v3 =	vld [tilespmem:s19+$0x0]  }
0x21: {  	v7 =	vld [tilespmem:s18+$0x0];
	_ =	sdelay $0x1  }
0x22: {  	vm0 =	vgt.f32 v1, v63;
	v8 =	vmax.f32 v63, v1;
	v1 =	vmin.f32 v63, v1  }
0x23: {  	vm12 =	vgt.f32 v5, v4;
	vm1 =	vmneg vm0;
	v20 =	vsel vm0, $0x1, v0  }
0x24: {  	vm11 =	vgt.f32 v3, v2;
	v10 =	vmax.f32 v2, v3;
	v2 =	vmin.f32 v2, v3  }
0x25: {  	v21 =	vsel vm12, $0x5, v13;
	v13 =	vsel vm12, $0x4, v14;
	vm13 =	vgt.f32 v7, v6  }
0x26: {  	v14 =	vmax.f32 v6, v7;
	v6 =	vmin.f32 v6, v7;
	v9 =	vsel vm1, $0x1, v0  }
0x27: {  	v3 =	vsel vm11, $0x3, v11;
	v11 =	vsel vm11, $0x2, v12;
	v12 =	vmax.f32 v4, v5  }
0x28: {  	v4 =	vmin.f32 v4, v5;
	v22 =	vsel vm13, $0x7, v15;
	v15 =	vsel vm13, $0x6, v16  }
0x29: {  	vm14 =	vgt.f32 v10, v8;
	v16 =	vmax.f32 v8, v10;
	v8 =	vmin.f32 v8, v10  }
0x2a: {  	vm15 =	vgt.f32 v2, v1;
	v23 =	vmax.f32 v1, v2;
	v1 =	vmin.f32 v1, v2  }
0x2b: {  	v10 =	vsel vm14, v3, v20;
	v3 =	vsel vm14, v20, v3;
	v2 =	vsel vm15, v11, v9  }
0x2c: {  	v9 =	vsel vm15, v9, v11;
	vm4 =	vgt.f32 v14, v12;
	v11 =	vmax.f32 v12, v14  }
0x2d: {  	v12 =	vmin.f32 v12, v14;
	vm5 =	vgt.f32 v6, v4;
	v20 =	vmax.f32 v4, v6  }
0x2e: {  	v4 =	vmin.f32 v4, v6;
	vm6 =	vgt.f32 v8, v23;
	v14 =	vsel vm4, v22, v21  }
0x2f: {  	v5 =	vsel vm4, v21, v22;
	v21 =	vsel vm5, v15, v13;
	v13 =	vsel vm5, v13, v15  }
0x30: {  	v15 =	vmax.f32 v23, v8;
	v8 =	vmin.f32 v23, v8;
	v22 =	vsel vm6, v3, v2  }
0x31: {  	v2 =	vsel vm6, v2, v3;
	vm7 =	vgt.f32 v12, v20;
	v3 =	vmax.f32 v20, v12  }
0x32: {  	v7 =	vmin.f32 v20, v12;
	vm8 =	vgt.f32 v11, v16;
	v6 =	vmax.f32 v16, v11  }
0x33: {  	v11 =	vmin.f32 v16, v11;
	vm11 =	vgt.f32 v4, v1;
	v20 =	vmax.f32 v1, v4  }
0x34: {  	v1 =	vmin.f32 v1, v4;
	v12 =	vsel vm7, v5, v21;
	v5 =	vsel vm7, v21, v5  }
0x35: {  	v16 =	vsel vm8, v14, v10;
	v10 =	vsel vm8, v10, v14;
	vm9 =	vgt.f32 v3, v15  }
0x36: {  	v14 =	vmax.f32 v15, v3;
	v3 =	vmin.f32 v15, v3;
	vm10 =	vgt.f32 v7, v8  }
0x37: {  	v23 =	vmax.f32 v8, v7;
	v7 =	vmin.f32 v8, v7;
	v21 =	vsel vm11, v13, v9  }
0x38: {  	v9 =	vsel vm11, v9, v13;
	vm5 =	vgt.f32 v1, $-1.000000020e+30;
	v15 =	vsel vm9, v12, v22  }
0x39: {  	v12 =	vsel vm9, v22, v12;
	v8 =	vsel vm10, v5, v2;
	v2 =	vsel vm10, v2, v5  }
0x3a: {  	vm12 =	vgt.f32 v11, v23;
	v13 =	vmax.f32 v23, v11;
	v11 =	vmin.f32 v23, v11  }
0x3b: {  	vm13 =	vgt.f32 v3, v20;
	v1 =	vnsel vm5, $0xF149F2CA, v1;
	v22 =	vsel vm12, v10, v8  }
0x3c: {  	v8 =	vsel vm12, v8, v10;
	v10 =	vmax.f32 v20, v3;
	v3 =	vmin.f32 v20, v3  }
0x3d: {  	v23 =	vsel vm13, v12, v21;
	v4 =	vsel vm13, v21, v12;
	vm14 =	vgt.f32 v13, v14  }
0x3e: {  	v12 =	vmax.f32 v14, v13;
	v13 =	vmin.f32 v14, v13;
	vm12 =	vgt.f32 v6, $-1.000000020e+30  }
0x3f: {  	v14 =	vsel vm14, v22, v15;
	v15 =	vsel vm14, v15, v22;
	vm15 =	vgt.f32 v11, v10  }
0x40: {  	v20 =	vmax.f32 v10, v11;
	v10 =	vmin.f32 v10, v11;
	vm4 =	vgt.f32 v7, v3  }
0x41: {  	v22 =	vnsel vm5, $0x0, v9;
	vm10 =	vgt.f32 v13, $-1.000000020e+30;
	vm11 =	vgt.f32 v12, $-1.000000020e+30  }
0x42: {  	v6 =	vnsel vm12, $0xF149F2CA, v6;
	v16 =	vnsel vm12, $0x0, v16;
	v11 =	vsel vm15, v8, v23  }
0x43: {  	v5 =	vsel vm15, v23, v8;
	v8 =	vmax.f32 v3, v7;
	v3 =	vmin.f32 v3, v7  }
0x44: {  	v21 =	vsel vm4, v2, v4;
	v2 =	vsel vm4, v4, v2;
	vm8 =	vgt.f32 v10, $-1.000000020e+30  }
0x45: {  	vm9 =	vgt.f32 v20, $-1.000000020e+30;
	v13 =	vnsel vm10, $0xF149F2CA, v13;
	v15 =	vnsel vm10, $0x0, v15  }
0x46: {  	v12 =	vnsel vm11, $0xF149F2CA, v12;
	v14 =	vnsel vm11, $0x0, v14;
	vm6 =	vgt.f32 v3, $-1.000000020e+30  }
0x47: {  	vm7 =	vgt.f32 v8, $-1.000000020e+30;
	v9 =	vnsel vm8, $0xF149F2CA, v10;
	v5 =	vnsel vm8, $0x0, v5  }
0x48: {  	v10 =	vnsel vm9, $0xF149F2CA, v20;
	v11 =	vnsel vm9, $0x0, v11;
	v3 =	vnsel vm6, $0xF149F2CA, v3  }
0x49: {  	v2 =	vnsel vm6, $0x0, v2;
	v8 =	vnsel vm7, $0xF149F2CA, v8;
	v7 =	vnsel vm7, $0x0, v21  }
0x4a: {  	vm13 =	vgt.f32 v10, v1;
	v63 =	vmax.f32 v1, v10;
	v1 =	vmin.f32 v1, v10  }
0x4b: {  	vm4 =	vgt.f32 v6, v9;
	v10 =	vsel vm13, v11, v22;
	v4 =	vsel vm13, v22, v11  }
0x4c: {  	vm14 =	vgt.f32 v13, v3;
	v11 =	vmax.f32 v3, v13;
	v3 =	vmin.f32 v3, v13  }
0x4d: {  	vm15 =	vgt.f32 v12, v8;
	v13 =	vsel vm14, v15, v2;
	v2 =	vsel vm14, v2, v15  }
0x4e: {  	v15 =	vmax.f32 v8, v12;
	v8 =	vmin.f32 v8, v12;
	v12 =	vsel vm15, v14, v7  }
0x4f: {  	v7 =	vsel vm15, v7, v14;
	v14 =	vmax.f32 v9, v6;
	v6 =	vmin.f32 v9, v6  }
0x50: {  	v9 =	vsel vm4, v16, v5;
	v5 =	vsel vm4, v5, v16;
	vm5 =	vgt.f32 v15, v63  }
0x51: {  	v16 =	vmax.f32 v63, v15;
	v15 =	vmin.f32 v63, v15;
	vm6 =	vgt.f32 v14, v11  }
0x52: {  	vm7 =	vgt.f32 v8, v1;
	vm8 =	vgt.f32 v6, v3;
	v23 =	vsel vm5, v12, v10  }
0x53: {  	v10 =	vsel vm5, v10, v12;
	v12 =	vmax.f32 v11, v14;
	v11 =	vmin.f32 v11, v14  }
0x54: {  	v14 =	vsel vm6, v9, v13;
	v9 =	vsel vm6, v13, v9;
	v13 =	vmax.f32 v1, v8  }
0x55: {  	v1 =	vmin.f32 v1, v8;
	v8 =	vsel vm7, v7, v4;
	v4 =	vsel vm7, v4, v7  }
0x56: {  	v17 =	vld [tilespmem:s17+$0x1000];
	v7 =	vmax.f32 v3, v6;
	v3 =	vmin.f32 v3, v6;
	v6 =	vsel vm8, v5, v2  }
0x57: {  	v21 =	vld [tilespmem:s17+$0x1200];
	v2 =	vsel vm8, v2, v5;
	vm9 =	vgt.f32 v12, v16;
	v5 =	vmax.f32 v16, v12  }
0x58: {  	v22 =	vld [tilespmem:s17+$0x1280];
	vm10 =	vgt.f32 v11, v15;
	v18 =	vmax.f32 v15, v11;
	v11 =	vmin.f32 v15, v11  }
0x59: {  	v63 =	vld [tilespmem:s17+$0x1080];
	vm11 =	vgt.f32 v7, v13;
	v20 =	vmax.f32 v13, v7;
	v7 =	vmin.f32 v13, v7  }
0x5a: {  	v15 =	vld [tilespmem:s17+$0x1100];
	vm12 =	vgt.f32 v3, v1;
	v19 =	vsel vm10, v9, v10;
	v9 =	vsel vm10, v10, v9  }
0x5b: {  	v10 =	vld [tilespmem:s17+$0x1180];
	v13 =	vsel vm11, v6, v8;
	v6 =	vsel vm11, v8, v6;
	v8 =	vmax.f32 v1, v3  }
0x5c: {  	v1 =	vmin.f32 v1, v3;
	v3 =	vsel vm12, v2, v4;
	v2 =	vsel vm12, v4, v2;
	v4 =	vld [tilespmem:s17+$0x1300]  }
0x5d: {  	v12 =	vmin.f32 v16, v12;
	v16 =	vsel vm9, v14, v23;
	v14 =	vsel vm9, v23, v14;
	v23 =	vld [tilespmem:s17+$0x1380];
	_ =	sdelay $0x1  }
0x5e: {  	vm15 =	vgt.f32 v22, v21;
	vm13 =	vgt.f32 v63, v17;
	v24 =	vmax.f32 v17, v63  }
0x5f: {  	v17 =	vmin.f32 v17, v63;
	v63 =	vsel vm13, $0x9, v25;
	v25 =	vsel vm13, $0x8, v26  }
0x60: {  	vm14 =	vgt.f32 v10, v15;
	v26 =	vmax.f32 v15, v10;
	v10 =	vmin.f32 v15, v10  }
0x61: {  	vm4 =	vgt.f32 v23, v4;
	v15 =	vsel vm14, $0xB, v27;
	v27 =	vsel vm14, $0xA, v28  }
0x62: {  	v28 =	vmax.f32 v21, v22;
	v21 =	vmin.f32 v21, v22;
	v22 =	vsel vm15, $0xD, v29  }
0x63: {  	v29 =	vsel vm15, $0xC, v30;
	v30 =	vmax.f32 v4, v23;
	v4 =	vmin.f32 v4, v23  }
0x64: {  	v23 =	vsel vm4, $0xF, v31;
	v31 =	vsel vm4, $0xE, v32;
	vm5 =	vgt.f32 v26, v24  }
0x65: {  	v32 =	vmax.f32 v24, v26;
	v24 =	vmin.f32 v24, v26;
	vm6 =	vgt.f32 v10, v17  }
0x66: {  	v26 =	vsel vm5, v15, v63;
	v15 =	vsel vm5, v63, v15;
	v63 =	vmax.f32 v17, v10  }
0x67: {  	v10 =	vmin.f32 v17, v10;
	v17 =	vsel vm6, v27, v25;
	v25 =	vsel vm6, v25, v27  }
0x68: {  	vm7 =	vgt.f32 v30, v28;
	v27 =	vmax.f32 v28, v30;
	v28 =	vmin.f32 v28, v30  }
0x69: {  	vm8 =	vgt.f32 v4, v21;
	v30 =	vsel vm7, v23, v22;
	v22 =	vsel vm7, v22, v23  }
0x6a: {  	v23 =	vmax.f32 v21, v4;
	v4 =	vmin.f32 v21, v4;
	v21 =	vsel vm8, v31, v29  }
0x6b: {  	v29 =	vsel vm8, v29, v31;
	vm9 =	vgt.f32 v24, v63;
	v31 =	vmax.f32 v63, v24  }
0x6c: {  	v24 =	vmin.f32 v63, v24;
	vm11 =	vgt.f32 v27, v32;
	v63 =	vsel vm9, v15, v17  }
0x6d: {  	v15 =	vsel vm9, v17, v15;
	vm10 =	vgt.f32 v28, v23;
	v17 =	vmax.f32 v23, v28  }
0x6e: {  	v23 =	vmin.f32 v23, v28;
	vm14 =	vgt.f32 v4, v10;
	v28 =	vsel vm10, v22, v21  }
0x6f: {  	v21 =	vsel vm10, v21, v22;
	v22 =	vmax.f32 v32, v27;
	v27 =	vmin.f32 v32, v27  }
0x70: {  	v32 =	vsel vm11, v30, v26;
	v26 =	vsel vm11, v26, v30;
	vm12 =	vgt.f32 v17, v31  }
0x71: {  	v30 =	vmax.f32 v31, v17;
	v17 =	vmin.f32 v31, v17;
	vm13 =	vgt.f32 v23, v24  }
0x72: {  	v31 =	vsel vm12, v28, v63;
	v28 =	vsel vm12, v63, v28;
	v63 =	vmax.f32 v24, v23  }
0x73: {  	v23 =	vmin.f32 v24, v23;
	v24 =	vsel vm13, v21, v15;
	v15 =	vsel vm13, v15, v21  }
0x74: {  	v21 =	vmax.f32 v10, v4;
	v4 =	vmin.f32 v10, v4;
	v10 =	vsel vm14, v29, v25  }
0x75: {  	v25 =	vsel vm14, v25, v29;
	vm15 =	vgt.f32 v27, v63;
	v29 =	vmax.f32 v63, v27  }
0x76: {  	v27 =	vmin.f32 v63, v27;
	vm4 =	vgt.f32 v17, v21;
	vm8 =	vgt.f32 v4, v5  }
0x77: {  	v63 =	vsel vm15, v26, v24;
	v24 =	vsel vm15, v24, v26;
	v26 =	vmax.f32 v21, v17  }
0x78: {  	v17 =	vmin.f32 v21, v17;
	v21 =	vsel vm4, v28, v10;
	v10 =	vsel vm4, v10, v28  }
0x79: {  	vm5 =	vgt.f32 v29, v30;
	v28 =	vmax.f32 v30, v29;
	v29 =	vmin.f32 v30, v29  }
0x7a: {  	v4 =	vsel vm8, v4, v5;
	v5 =	vsel vm8, v25, v16;
	vm15 =	vgt.f32 v22, v1  }
0x7b: {  	v30 =	vsel vm5, v63, v31;
	v31 =	vsel vm5, v31, v63;
	vm6 =	vgt.f32 v27, v26  }
0x7c: {  	v63 =	vmax.f32 v26, v27;
	v26 =	vmin.f32 v26, v27;
	vm7 =	vgt.f32 v23, v17  }
0x7d: {  	vm13 =	vgt.f32 v29, v7;
	vm14 =	vgt.f32 v28, v8;
	v1 =	vsel vm15, v22, v1  }
0x7e: {  	v2 =	vsel vm15, v32, v2;
	v27 =	vsel vm6, v24, v21;
	v21 =	vsel vm6, v21, v24  }
0x7f: {  	v24 =	vmax.f32 v17, v23;
	v17 =	vmin.f32 v17, v23;
	v23 =	vsel vm7, v15, v10  }
0x80: {  	v10 =	vsel vm7, v10, v15;
	vm11 =	vgt.f32 v26, v11;
	vm12 =	vgt.f32 v63, v20  }
0x81: {  	v7 =	vsel vm13, v29, v7;
	v6 =	vsel vm13, v31, v6;
	v8 =	vsel vm14, v28, v8  }
0x82: {  	v3 =	vsel vm14, v30, v3;
	v28 =	vimm.s32 $0x13;
	v30 =	vimm.s32 $0x15  }
0x83: {  	vm9 =	vgt.f32 v17, v12;
	vm10 =	vgt.f32 v24, v18;
	v11 =	vsel vm11, v26, v11  }
0x84: {  	v9 =	vsel vm11, v21, v9;
	v16 =	vsel vm12, v63, v20;
	v13 =	vsel vm12, v27, v13  }
0x85: {  	v26 =	vimm.s32 $0x11;
	v12 =	vsel vm9, v17, v12;
	v10 =	vsel vm9, v10, v14  }
0x86: {  	v14 =	vsel vm10, v24, v18;
	v15 =	vsel vm10, v23, v19;
	vm4 =	vgt.f32 v16, v4  }
0x87: {  	v17 =	vmax.f32 v4, v16;
	v4 =	vmin.f32 v4, v16;
	vm7 =	vgt.f32 v1, v11  }
0x88: {  	v16 =	vsel vm4, v13, v5;
	v5 =	vsel vm4, v5, v13;
	vm5 =	vgt.f32 v7, v12  }
0x89: {  	v13 =	vmax.f32 v12, v7;
	v7 =	vmin.f32 v12, v7;
	vm6 =	vgt.f32 v8, v14  }
0x8a: {  	v12 =	vsel vm5, v6, v10;
	v6 =	vsel vm5, v10, v6;
	v10 =	vmax.f32 v14, v8  }
0x8b: {  	v8 =	vmin.f32 v14, v8;
	v14 =	vsel vm6, v3, v15;
	v3 =	vsel vm6, v15, v3  }
0x8c: {  	v15 =	vmax.f32 v11, v1;
	v1 =	vmin.f32 v11, v1;
	v11 =	vsel vm7, v2, v9  }
0x8d: {  	v2 =	vsel vm7, v9, v2;
	vm8 =	vgt.f32 v10, v17;
	v9 =	vmax.f32 v17, v10  }
0x8e: {  	v10 =	vmin.f32 v17, v10;
	vm9 =	vgt.f32 v15, v13;
	vm10 =	vgt.f32 v8, v4  }
0x8f: {  	vm11 =	vgt.f32 v1, v7;
	v17 =	vsel vm8, v14, v16;
	v14 =	vsel vm8, v16, v14  }
0x90: {  	v16 =	vmax.f32 v13, v15;
	v13 =	vmin.f32 v13, v15;
	v15 =	vsel vm9, v11, v12  }
0x91: {  	v11 =	vsel vm9, v12, v11;
	v12 =	vmax.f32 v4, v8;
	v4 =	vmin.f32 v4, v8  }
0x92: {  	v8 =	vsel vm10, v3, v5;
	v3 =	vsel vm10, v5, v3;
	v5 =	vmax.f32 v7, v1  }
0x93: {  	v32 =	vld [tilespmem:s17+$0x2180];
	v1 =	vmin.f32 v7, v1;
	v7 =	vsel vm11, v2, v6;
	v2 =	vsel vm11, v6, v2  }
0x94: {  	v6 =	vld [tilespmem:s17+$0x2000];
	vm12 =	vgt.f32 v16, v9;
	v18 =	vmax.f32 v9, v16;
	v9 =	vmin.f32 v9, v16  }
0x95: {  	v16 =	vld [tilespmem:s17+$0x2080];
	vm13 =	vgt.f32 v13, v10;
	v20 =	vmax.f32 v10, v13;
	v10 =	vmin.f32 v10, v13  }
0x96: {  	v63 =	vld [tilespmem:s17+$0x2200];
	vm14 =	vgt.f32 v5, v12;
	vm15 =	vgt.f32 v1, v4;
	v23 =	vmax.f32 v4, v1  }
0x97: {  	v1 =	vmin.f32 v4, v1;
	v19 =	vsel vm12, v15, v17;
	v15 =	vsel vm12, v17, v15;
	v17 =	vld [tilespmem:s17+$0x2100]  }
0x98: {  	v4 =	vld [tilespmem:s17+$0x2300];
	v13 =	vsel vm13, v11, v14;
	v11 =	vsel vm13, v14, v11;
	v14 =	vmax.f32 v12, v5  }
0x99: {  	v5 =	vmin.f32 v12, v5;
	v12 =	vsel vm14, v7, v8;
	v7 =	vsel vm14, v8, v7;
	v8 =	vld [tilespmem:s17+$0x2280]  }
0x9a: {  	v24 =	vsel vm15, v2, v3;
	v2 =	vsel vm15, v3, v2;
	v3 =	vld [tilespmem:s17+$0x2380];
	vm4 =	vgt.f32 v16, v6  }
0x9b: {  	v25 =	vmax.f32 v6, v16;
	v6 =	vmin.f32 v6, v16;
	v16 =	vimm.s32 $0x10  }
0x9c: {  	v16 =	vsel vm4, $0x11, v16;
	v26 =	vsel vm4, $0x10, v26;
	vm5 =	vgt.f32 v32, v17  }
0x9d: {  	v27 =	vmax.f32 v17, v32;
	v17 =	vmin.f32 v17, v32;
	v32 =	vimm.s32 $0x12  }
0x9e: {  	vm6 =	vgt.f32 v8, v63;
	v29 =	vmax.f32 v63, v8;
	v8 =	vmin.f32 v63, v8  }
0x9f: {  	v63 =	vimm.s32 $0x14;
	vm7 =	vgt.f32 v3, v4;
	v31 =	vmax.f32 v4, v3  }
0xa0: {  	v3 =	vmin.f32 v4, v3;
	v21 =	vsel vm5, $0x13, v32;
	v28 =	vsel vm5, $0x12, v28  }
0xa1: {  	v22 =	vsel vm6, $0x15, v63;
	v30 =	vsel vm6, $0x14, v30;
	v32 =	vimm.s32 $0x16  }
0xa2: {  	v63 =	vimm.s32 $0x17;
	vm8 =	vgt.f32 v27, v25;
	vm9 =	vgt.f32 v17, v6  }
0xa3: {  	vm10 =	vgt.f32 v31, v29;
	vm11 =	vgt.f32 v3, v8;
	v4 =	vsel vm7, $0x17, v32  }
0xa4: {  	v32 =	vsel vm7, $0x16, v63;
	v63 =	vmax.f32 v25, v27;
	v25 =	vmin.f32 v25, v27  }
0xa5: {  	v27 =	vsel vm8, v21, v16;
	v16 =	vsel vm8, v16, v21;
	v21 =	vmax.f32 v6, v17  }
0xa6: {  	v6 =	vmin.f32 v6, v17;
	v17 =	vsel vm9, v28, v26;
	v26 =	vsel vm9, v26, v28  }
0xa7: {  	v28 =	vmax.f32 v29, v31;
	v29 =	vmin.f32 v29, v31;
	v31 =	vsel vm10, v4, v22  }
0xa8: {  	v4 =	vsel vm10, v22, v4;
	v22 =	vmax.f32 v8, v3;
	v3 =	vmin.f32 v8, v3  }
0xa9: {  	v8 =	vsel vm11, v32, v30;
	v30 =	vsel vm11, v30, v32;
	vm12 =	vgt.f32 v25, v21  }
0xaa: {  	v32 =	vmax.f32 v21, v25;
	v21 =	vmin.f32 v21, v25;
	vm14 =	vgt.f32 v28, v63  }
0xab: {  	v25 =	vsel vm12, v16, v17;
	v16 =	vsel vm12, v17, v16;
	vm13 =	vgt.f32 v29, v22  }
0xac: {  	v17 =	vmax.f32 v22, v29;
	v22 =	vmin.f32 v22, v29;
	vm5 =	vgt.f32 v3, v6  }
0xad: {  	v29 =	vsel vm13, v4, v8;
	v4 =	vsel vm13, v8, v4;
	v8 =	vmax.f32 v63, v28  }
0xae: {  	v28 =	vmin.f32 v63, v28;
	v63 =	vsel vm14, v31, v27;
	v27 =	vsel vm14, v27, v31  }
0xaf: {  	vm15 =	vgt.f32 v17, v32;
	v31 =	vmax.f32 v32, v17;
	v17 =	vmin.f32 v32, v17  }
0xb0: {  	vm4 =	vgt.f32 v22, v21;
	v32 =	vsel vm15, v29, v25;
	v25 =	vsel vm15, v25, v29  }
0xb1: {  	v29 =	vmax.f32 v21, v22;
	v21 =	vmin.f32 v21, v22;
	v22 =	vsel vm4, v4, v16  }
0xb2: {  	v4 =	vsel vm4, v16, v4;
	v16 =	vmax.f32 v6, v3;
	v3 =	vmin.f32 v6, v3  }
0xb3: {  	v6 =	vsel vm5, v30, v26;
	v26 =	vsel vm5, v26, v30;
	vm6 =	vgt.f32 v28, v29  }
0xb4: {  	v30 =	vmax.f32 v29, v28;
	v28 =	vmin.f32 v29, v28;
	vm7 =	vgt.f32 v17, v16  }
0xb5: {  	vm11 =	vgt.f32 v3, v18;
	v29 =	vsel vm6, v27, v22;
	v22 =	vsel vm6, v22, v27  }
0xb6: {  	v27 =	vmax.f32 v16, v17;
	v16 =	vmin.f32 v16, v17;
	v17 =	vsel vm7, v25, v6  }
0xb7: {  	v6 =	vsel vm7, v6, v25;
	vm8 =	vgt.f32 v30, v31;
	v25 =	vmax.f32 v31, v30  }
0xb8: {  	v30 =	vmin.f32 v31, v30;
	v3 =	vsel vm11, v3, v18;
	vm6 =	vgt.f32 v8, v1  }
0xb9: {  	v31 =	vsel vm8, v29, v32;
	v29 =	vsel vm8, v32, v29;
	vm9 =	vgt.f32 v28, v27  }
0xba: {  	v32 =	vmax.f32 v27, v28;
	v27 =	vmin.f32 v27, v28;
	vm10 =	vgt.f32 v21, v16  }
0xbb: {  	vm4 =	vgt.f32 v30, v5;
	vm5 =	vgt.f32 v25, v23;
	v1 =	vsel vm6, v8, v1  }
0xbc: {  	v2 =	vsel vm6, v63, v2;
	v28 =	vsel vm9, v22, v17;
	v17 =	vsel vm9, v17, v22  }
0xbd: {  	v22 =	vmax.f32 v16, v21;
	v16 =	vmin.f32 v16, v21;
	v21 =	vsel vm10, v4, v6  }
0xbe: {  	v4 =	vsel vm10, v6, v4;
	v6 =	vsel vm11, v26, v19;
	vm14 =	vgt.f32 v27, v10  }
0xbf: {  	vm15 =	vgt.f32 v32, v14;
	v5 =	vsel vm4, v30, v5;
	v7 =	vsel vm4, v29, v7  }
0xc0: {  	v26 =	vimm.s32 $0x19;
	v30 =	vimm.s32 $0x1D;
	vm12 =	vgt.f32 v16, v9  }
0xc1: {  	vm13 =	vgt.f32 v22, v20;
	v10 =	vsel vm14, v27, v10;
	v11 =	vsel vm14, v17, v11  }
0xc2: {  	v14 =	vsel vm15, v32, v14;
	v12 =	vsel vm15, v28, v12;
	v17 =	vsel vm5, v31, v24  }
0xc3: {  	v28 =	vimm.s32 $0x1B;
	v9 =	vsel vm12, v16, v9;
	v4 =	vsel vm12, v4, v15  }
0xc4: {  	v15 =	vsel vm13, v22, v20;
	v13 =	vsel vm13, v21, v13;
	v16 =	vsel vm5, v25, v23  }
0xc5: {  	vm7 =	vgt.f32 v14, v3;
	v8 =	vmax.f32 v3, v14;
	v3 =	vmin.f32 v3, v14  }
0xc6: {  	vm10 =	vgt.f32 v1, v10;
	v14 =	vsel vm7, v12, v6;
	v6 =	vsel vm7, v6, v12  }
0xc7: {  	vm8 =	vgt.f32 v5, v9;
	v12 =	vmax.f32 v9, v5;
	v5 =	vmin.f32 v9, v5  }
0xc8: {  	vm9 =	vgt.f32 v16, v15;
	v32 =	vmax.f32 v15, v16;
	v15 =	vmin.f32 v15, v16  }
0xc9: {  	v9 =	vsel vm8, v7, v4;
	v4 =	vsel vm8, v4, v7;
	v16 =	vsel vm9, v17, v13  }
0xca: {  	v13 =	vsel vm9, v13, v17;
	v17 =	vmax.f32 v10, v1;
	v1 =	vmin.f32 v10, v1  }
0xcb: {  	v10 =	vsel vm10, v2, v11;
	v2 =	vsel vm10, v11, v2;
	vm11 =	vgt.f32 v32, v8  }
0xcc: {  	v11 =	vmax.f32 v8, v32;
	v7 =	vmin.f32 v8, v32;
	vm13 =	vgt.f32 v15, v3  }
0xcd: {  	v8 =	vsel vm11, v16, v14;
	v14 =	vsel vm11, v14, v16;
	vm12 =	vgt.f32 v17, v12  }
0xce: {  	v16 =	vmax.f32 v12, v17;
	v12 =	vmin.f32 v12, v17;
	vm14 =	vgt.f32 v1, v5  }
0xcf: {  	v17 =	vsel vm12, v10, v9;
	v9 =	vsel vm12, v9, v10;
	v10 =	vmax.f32 v3, v15  }
0xd0: {  	v3 =	vmin.f32 v3, v15;
	v15 =	vsel vm13, v13, v6;
	v6 =	vsel vm13, v6, v13  }
0xd1: {  	v13 =	vmax.f32 v5, v1;
	v1 =	vmin.f32 v5, v1;
	v63 =	vsel vm14, v2, v4  }
0xd2: {  	v19 =	vld [tilespmem:s17+$0x3080];
	v2 =	vsel vm14, v4, v2;
	vm15 =	vgt.f32 v16, v11;
	v18 =	vmax.f32 v11, v16  }
0xd3: {  	v4 =	vld [tilespmem:s17+$0x3000];
	v11 =	vmin.f32 v11, v16;
	vm4 =	vgt.f32 v12, v7;
	v16 =	vsel vm15, v17, v8  }
0xd4: {  	v32 =	vld [tilespmem:s17+$0x3100];
	v8 =	vsel vm15, v8, v17;
	v17 =	vmax.f32 v7, v12;
	v7 =	vmin.f32 v7, v12  }
0xd5: {  	v12 =	vsel vm4, v9, v14;
	v9 =	vsel vm4, v14, v9;
	v14 =	vld [tilespmem:s17+$0x3180];
	vm5 =	vgt.f32 v13, v10  }
0xd6: {  	v24 =	vld [tilespmem:s17+$0x3300];
	v21 =	vmax.f32 v10, v13;
	v10 =	vmin.f32 v10, v13;
	vm6 =	vgt.f32 v1, v3  }
0xd7: {  	v13 =	vld [tilespmem:s17+$0x3200];
	v23 =	vmax.f32 v3, v1;
	v1 =	vmin.f32 v3, v1;
	v22 =	vsel vm5, v63, v15  }
0xd8: {  	v5 =	vsel vm5, v15, v63;
	v15 =	vld [tilespmem:s17+$0x3280];
	v3 =	vsel vm6, v2, v6;
	vm7 =	vgt.f32 v19, v4  }
0xd9: {  	v63 =	vld [tilespmem:s17+$0x3380];
	v25 =	vmax.f32 v4, v19;
	v4 =	vmin.f32 v4, v19;
	v19 =	vimm.s32 $0x18  }
0xda: {  	v2 =	vsel vm6, v6, v2;
	v19 =	vsel vm7, $0x19, v19;
	vm8 =	vgt.f32 v14, v32  }
0xdb: {  	v27 =	vmax.f32 v32, v14;
	v14 =	vmin.f32 v32, v14;
	v32 =	vimm.s32 $0x1A  }
0xdc: {  	v26 =	vsel vm7, $0x18, v26;
	v20 =	vsel vm8, $0x1B, v32;
	v28 =	vsel vm8, $0x1A, v28  }
0xdd: {  	vm9 =	vgt.f32 v15, v13;
	v29 =	vmax.f32 v13, v15;
	v13 =	vmin.f32 v13, v15  }
0xde: {  	v15 =	vimm.s32 $0x1C;
	vm10 =	vgt.f32 v63, v24;
	v31 =	vmax.f32 v24, v63  }
0xdf: {  	v6 =	vmin.f32 v24, v63;
	v24 =	vimm.s32 $0x1E;
	v63 =	vimm.s32 $0x1F  }
0xe0: {  	vm11 =	vgt.f32 v27, v25;
	vm12 =	vgt.f32 v14, v4;
	v15 =	vsel vm9, $0x1D, v15  }
0xe1: {  	v30 =	vsel vm9, $0x1C, v30;
	v24 =	vsel vm10, $0x1F, v24;
	v32 =	vsel vm10, $0x1E, v63  }
0xe2: {  	v63 =	vmax.f32 v25, v27;
	v25 =	vmin.f32 v25, v27;
	v27 =	vsel vm11, v20, v19  }
0xe3: {  	v19 =	vsel vm11, v19, v20;
	v20 =	vmax.f32 v4, v14;
	v4 =	vmin.f32 v4, v14  }
0xe4: {  	v14 =	vsel vm12, v28, v26;
	v26 =	vsel vm12, v26, v28;
	vm13 =	vgt.f32 v31, v29  }
0xe5: {  	v28 =	vmax.f32 v29, v31;
	v29 =	vmin.f32 v29, v31;
	vm14 =	vgt.f32 v6, v13  }
0xe6: {  	v31 =	vsel vm13, v24, v15;
	v15 =	vsel vm13, v15, v24;
	v24 =	vmax.f32 v13, v6  }
0xe7: {  	v6 =	vmin.f32 v13, v6;
	v13 =	vsel vm14, v32, v30;
	v30 =	vsel vm14, v30, v32  }
0xe8: {  	vm15 =	vgt.f32 v25, v20;
	v32 =	vmax.f32 v20, v25;
	v20 =	vmin.f32 v20, v25  }
0xe9: {  	vm5 =	vgt.f32 v28, v63;
	v25 =	vsel vm15, v19, v14;
	v14 =	vsel vm15, v14, v19  }
0xea: {  	vm4 =	vgt.f32 v29, v24;
	v19 =	vmax.f32 v24, v29;
	v24 =	vmin.f32 v24, v29  }
0xeb: {  	vm8 =	vgt.f32 v6, v4;
	v29 =	vsel vm4, v15, v13;
	v13 =	vsel vm4, v13, v15  }
0xec: {  	v15 =	vmax.f32 v63, v28;
	v28 =	vmin.f32 v63, v28;
	v63 =	vsel vm5, v31, v27  }
0xed: {  	v27 =	vsel vm5, v27, v31;
	vm6 =	vgt.f32 v19, v32;
	v31 =	vmax.f32 v32, v19  }
0xee: {  	v19 =	vmin.f32 v32, v19;
	vm7 =	vgt.f32 v24, v20;
	v32 =	vsel vm6, v29, v25  }
0xef: {  	v25 =	vsel vm6, v25, v29;
	v29 =	vmax.f32 v20, v24;
	v20 =	vmin.f32 v20, v24  }
0xf0: {  	v24 =	vsel vm7, v13, v14;
	v13 =	vsel vm7, v14, v13;
	v14 =	vmax.f32 v4, v6  }
0xf1: {  	v4 =	vmin.f32 v4, v6;
	v6 =	vsel vm8, v30, v26;
	v26 =	vsel vm8, v26, v30  }
0xf2: {  	vm9 =	vgt.f32 v28, v29;
	v30 =	vmax.f32 v29, v28;
	v28 =	vmin.f32 v29, v28  }
0xf3: {  	vm10 =	vgt.f32 v19, v14;
	vm14 =	vgt.f32 v4, v18;
	v29 =	vsel vm9, v27, v24  }
0xf4: {  	v24 =	vsel vm9, v24, v27;
	v27 =	vmax.f32 v14, v19;
	v14 =	vmin.f32 v14, v19  }
0xf5: {  	v19 =	vsel vm10, v25, v6;
	v6 =	vsel vm10, v6, v25;
	vm11 =	vgt.f32 v30, v31  }
0xf6: {  	v25 =	vmax.f32 v31, v30;
	v30 =	vmin.f32 v31, v30;
	v4 =	vsel vm14, v4, v18  }
0xf7: {  	vm9 =	vgt.f32 v15, v1;
	v31 =	vsel vm11, v29, v32;
	v29 =	vsel vm11, v32, v29  }
0xf8: {  	vm12 =	vgt.f32 v28, v27;
	v32 =	vmax.f32 v27, v28;
	v27 =	vmin.f32 v27, v28  }
0xf9: {  	vm13 =	vgt.f32 v20, v14;
	vm7 =	vgt.f32 v30, v10;
	vm8 =	vgt.f32 v25, v23  }
0xfa: {  	v1 =	vsel vm9, v15, v1;
	v2 =	vsel vm9, v63, v2;
	v28 =	vsel vm12, v24, v19  }
0xfb: {  	v19 =	vsel vm12, v19, v24;
	v24 =	vmax.f32 v14, v20;
	v14 =	vmin.f32 v14, v20  }
0xfc: {  	v20 =	vsel vm13, v13, v6;
	v6 =	vsel vm13, v6, v13;
	v13 =	vsel vm14, v26, v16  }
0xfd: {  	vm5 =	vgt.f32 v27, v7;
	vm6 =	vgt.f32 v32, v21;
	v10 =	vsel vm7, v30, v10  }
0xfe: {  	v5 =	vsel vm7, v29, v5;
	v3 =	vsel vm8, v31, v3;
	v26 =	vimm.s32 $0x21  }
0xff: {  	vm15 =	vgt.f32 v14, v11;
	vm4 =	vgt.f32 v24, v17;
	v7 =	vsel vm5, v27, v7  }
0x100: {  	v9 =	vsel vm5, v19, v9;
	v16 =	vsel vm6, v28, v22;
	v11 =	vsel vm15, v14, v11  }
0x101: {  	v6 =	vsel vm15, v6, v8;
	v8 =	vsel vm4, v24, v17;
	v12 =	vsel vm4, v20, v12  }
0x102: {  	v14 =	vsel vm6, v32, v21;
	v17 =	vsel vm8, v25, v23;
	vm13 =	vgt.f32 v1, v7  }
0x103: {  	vm10 =	vgt.f32 v14, v4;
	v15 =	vmax.f32 v4, v14;
	v4 =	vmin.f32 v4, v14  }
0x104: {  	vm11 =	vgt.f32 v10, v11;
	vm12 =	vgt.f32 v17, v8;
	v22 =	vmax.f32 v8, v17  }
0x105: {  	v8 =	vmin.f32 v8, v17;
	v23 =	vsel vm13, v2, v9;
	v2 =	vsel vm13, v9, v2  }
0x106: {  	v14 =	vsel vm10, v16, v13;
	v13 =	vsel vm10, v13, v16;
	v16 =	vmax.f32 v11, v10  }
0x107: {  	v10 =	vmin.f32 v11, v10;
	v11 =	vsel vm11, v5, v6;
	v5 =	vsel vm11, v6, v5  }
0x108: {  	v17 =	vsel vm12, v3, v12;
	v3 =	vsel vm12, v12, v3;
	v12 =	vmax.f32 v7, v1  }
0x109: {  	v1 =	vmin.f32 v7, v1;
	vm14 =	vgt.f32 v22, v15;
	v9 =	vmax.f32 v15, v22  }
0x10a: {  	v6 =	vmin.f32 v15, v22;
	vm4 =	vgt.f32 v8, v4;
	v15 =	vsel vm14, v17, v14  }
0x10b: {  	v14 =	vsel vm14, v14, v17;
	vm15 =	vgt.f32 v12, v16;
	v17 =	vmax.f32 v16, v12  }
0x10c: {  	v12 =	vmin.f32 v16, v12;
	vm5 =	vgt.f32 v1, v10;
	v16 =	vsel vm15, v23, v11  }
0x10d: {  	v7 =	vsel vm15, v11, v23;
	v11 =	vmax.f32 v4, v8;
	v4 =	vmin.f32 v4, v8  }
0x10e: {  	v63 =	vld [tilespmem:s17+$0x4280];
	v8 =	vsel vm4, v3, v13;
	v3 =	vsel vm4, v13, v3;
	v13 =	vmax.f32 v10, v1  }
0x10f: {  	v32 =	vld [tilespmem:s17+$0x4200];
	v1 =	vmin.f32 v10, v1;
	v10 =	vsel vm5, v2, v5;
	v2 =	vsel vm5, v5, v2  }
0x110: {  	vm6 =	vgt.f32 v17, v9;
	v5 =	vmax.f32 v9, v17;
	v9 =	vmin.f32 v9, v17  }
0x111: {  	v18 =	vld [tilespmem:s17+$0x4000];
	vm7 =	vgt.f32 v12, v6;
	v19 =	vmax.f32 v6, v12;
	v6 =	vmin.f32 v6, v12  }
0x112: {  	v12 =	vld [tilespmem:s17+$0x4100];
	v17 =	vsel vm6, v16, v15;
	v15 =	vsel vm6, v15, v16;
	v20 =	vsel vm7, v7, v14  }
0x113: {  	v16 =	vld [tilespmem:s17+$0x4080];
	v7 =	vsel vm7, v14, v7;
	vm8 =	vgt.f32 v13, v11;
	v21 =	vmax.f32 v11, v13  }
0x114: {  	v14 =	vld [tilespmem:s17+$0x4180];
	v11 =	vmin.f32 v11, v13;
	vm9 =	vgt.f32 v1, v4;
	vm12 =	vgt.f32 v63, v32  }
0x115: {  	v29 =	vmax.f32 v32, v63;
	v22 =	vmin.f32 v32, v63;
	v13 =	vsel vm8, v10, v8  }
0x116: {  	v24 =	vld [tilespmem:s17+$0x4380];
	v8 =	vsel vm8, v8, v10;
	v10 =	vmax.f32 v4, v1;
	v1 =	vmin.f32 v4, v1  }
0x117: {  	v4 =	vsel vm9, v2, v3;
	v2 =	vsel vm9, v3, v2;
	v3 =	vld [tilespmem:s17+$0x4300];
	v23 =	vsel vm12, $0x25, v53  }
0x118: {  	v30 =	vsel vm12, $0x24, v54;
	vm10 =	vgt.f32 v16, v18;
	v25 =	vmax.f32 v18, v16  }
0x119: {  	v16 =	vmin.f32 v18, v16;
	v18 =	vimm.s32 $0x20;
	vm11 =	vgt.f32 v14, v12  }
0x11a: {  	v27 =	vmax.f32 v12, v14;
	v12 =	vmin.f32 v12, v14;
	v18 =	vsel vm10, $0x21, v18  }
0x11b: {  	v26 =	vsel vm10, $0x20, v26;
	v14 =	vsel vm11, $0x23, v51;
	v28 =	vsel vm11, $0x22, v52  }
0x11c: {  	vm13 =	vgt.f32 v24, v3;
	v31 =	vmax.f32 v3, v24;
	v3 =	vmin.f32 v3, v24  }
0x11d: {  	vm14 =	vgt.f32 v27, v25;
	v63 =	vmax.f32 v25, v27;
	v25 =	vmin.f32 v25, v27  }
0x11e: {  	vm15 =	vgt.f32 v12, v16;
	v24 =	vsel vm13, $0x27, v55;
	v32 =	vsel vm13, $0x26, v56  }
0x11f: {  	v27 =	vsel vm14, v14, v18;
	v14 =	vsel vm14, v18, v14;
	v18 =	vmax.f32 v16, v12  }
0x120: {  	v12 =	vmin.f32 v16, v12;
	v16 =	vsel vm15, v28, v26;
	v26 =	vsel vm15, v26, v28  }
0x121: {  	vm4 =	vgt.f32 v31, v29;
	v28 =	vmax.f32 v29, v31;
	v29 =	vmin.f32 v29, v31  }
0x122: {  	vm5 =	vgt.f32 v3, v22;
	v31 =	vsel vm4, v24, v23;
	v23 =	vsel vm4, v23, v24  }
0x123: {  	v24 =	vmax.f32 v22, v3;
	v3 =	vmin.f32 v22, v3;
	v22 =	vsel vm5, v32, v30  }
0x124: {  	v30 =	vsel vm5, v30, v32;
	vm6 =	vgt.f32 v25, v18;
	v32 =	vmax.f32 v18, v25  }
0x125: {  	v18 =	vmin.f32 v18, v25;
	vm8 =	vgt.f32 v28, v63;
	v25 =	vsel vm6, v14, v16  }
0x126: {  	v14 =	vsel vm6, v16, v14;
	vm7 =	vgt.f32 v29, v24;
	v16 =	vmax.f32 v24, v29  }
0x127: {  	v24 =	vmin.f32 v24, v29;
	vm11 =	vgt.f32 v3, v12;
	v29 =	vsel vm7, v23, v22  }
0x128: {  	v22 =	vsel vm7, v22, v23;
	v23 =	vmax.f32 v63, v28;
	v28 =	vmin.f32 v63, v28  }
0x129: {  	v63 =	vsel vm8, v31, v27;
	v27 =	vsel vm8, v27, v31;
	vm9 =	vgt.f32 v16, v32  }
0x12a: {  	v31 =	vmax.f32 v32, v16;
	v16 =	vmin.f32 v32, v16;
	vm10 =	vgt.f32 v24, v18  }
0x12b: {  	v32 =	vsel vm9, v29, v25;
	v25 =	vsel vm9, v25, v29;
	v29 =	vmax.f32 v18, v24  }
0x12c: {  	v18 =	vmin.f32 v18, v24;
	v24 =	vsel vm10, v22, v14;
	v14 =	vsel vm10, v14, v22  }
0x12d: {  	v22 =	vmax.f32 v12, v3;
	v3 =	vmin.f32 v12, v3;
	v12 =	vsel vm11, v30, v26  }
0x12e: {  	v26 =	vsel vm11, v26, v30;
	vm12 =	vgt.f32 v28, v29;
	v30 =	vmax.f32 v29, v28  }
0x12f: {  	v28 =	vmin.f32 v29, v28;
	vm13 =	vgt.f32 v16, v22;
	vm5 =	vgt.f32 v3, v5  }
0x130: {  	v29 =	vsel vm12, v27, v24;
	v24 =	vsel vm12, v24, v27;
	v27 =	vmax.f32 v22, v16  }
0x131: {  	v16 =	vmin.f32 v22, v16;
	v22 =	vsel vm13, v25, v12;
	v12 =	vsel vm13, v12, v25  }
0x132: {  	vm14 =	vgt.f32 v30, v31;
	v25 =	vmax.f32 v31, v30;
	v30 =	vmin.f32 v31, v30  }
0x133: {  	v3 =	vsel vm5, v3, v5;
	v5 =	vsel vm5, v26, v17;
	vm12 =	vgt.f32 v23, v1  }
0x134: {  	v31 =	vsel vm14, v29, v32;
	v29 =	vsel vm14, v32, v29;
	vm15 =	vgt.f32 v28, v27  }
0x135: {  	v32 =	vmax.f32 v27, v28;
	v27 =	vmin.f32 v27, v28;
	vm4 =	vgt.f32 v18, v16  }
0x136: {  	vm10 =	vgt.f32 v30, v11;
	vm11 =	vgt.f32 v25, v10;
	v1 =	vsel vm12, v23, v1  }
0x137: {  	v2 =	vsel vm12, v63, v2;
	v28 =	vsel vm15, v24, v22;
	v22 =	vsel vm15, v22, v24  }
0x138: {  	v24 =	vmax.f32 v16, v18;
	v16 =	vmin.f32 v16, v18;
	v18 =	vsel vm4, v14, v12  }
0x139: {  	v12 =	vsel vm4, v12, v14;
	vm8 =	vgt.f32 v27, v6;
	vm9 =	vgt.f32 v32, v21  }
0x13a: {  	v11 =	vsel vm10, v30, v11;
	v8 =	vsel vm10, v29, v8;
	v10 =	vsel vm11, v25, v10  }
0x13b: {  	v4 =	vsel vm11, v31, v4;
	vm6 =	vgt.f32 v16, v9;
	vm7 =	vgt.f32 v24, v19  }
0x13c: {  	v6 =	vsel vm8, v27, v6;
	v7 =	vsel vm8, v22, v7;
	v13 =	vsel vm9, v28, v13  }
0x13d: {  	v9 =	vsel vm6, v16, v9;
	v12 =	vsel vm6, v12, v15;
	v14 =	vsel vm7, v24, v19  }
0x13e: {  	v15 =	vsel vm7, v18, v20;
	v16 =	vsel vm9, v32, v21;
	vm4 =	vgt.f32 v1, v6  }
0x13f: {  	vm13 =	vgt.f32 v16, v3;
	v17 =	vmax.f32 v3, v16;
	v3 =	vmin.f32 v3, v16  }
0x140: {  	vm14 =	vgt.f32 v11, v9;
	vm15 =	vgt.f32 v10, v14;
	v23 =	vsel vm4, v2, v7  }
0x141: {  	v2 =	vsel vm4, v7, v2;
	v16 =	vsel vm13, v13, v5;
	v5 =	vsel vm13, v5, v13  }
0x142: {  	v13 =	vmax.f32 v9, v11;
	v9 =	vmin.f32 v9, v11;
	v11 =	vsel vm14, v8, v12  }
0x143: {  	v8 =	vsel vm14, v12, v8;
	v12 =	vmax.f32 v14, v10;
	v10 =	vmin.f32 v14, v10  }
0x144: {  	v14 =	vsel vm15, v4, v15;
	v4 =	vsel vm15, v15, v4;
	v15 =	vmax.f32 v6, v1  }
0x145: {  	v1 =	vmin.f32 v6, v1;
	vm5 =	vgt.f32 v12, v17;
	v32 =	vmax.f32 v17, v12  }
0x146: {  	v12 =	vmin.f32 v17, v12;
	vm6 =	vgt.f32 v15, v13;
	vm7 =	vgt.f32 v10, v3  }
0x147: {  	vm8 =	vgt.f32 v1, v9;
	v63 =	vmax.f32 v9, v1;
	v1 =	vmin.f32 v9, v1  }
0x148: {  	v17 =	vsel vm5, v14, v16;
	v14 =	vsel vm5, v16, v14;
	v16 =	vmax.f32 v13, v15  }
0x149: {  	v13 =	vmin.f32 v13, v15;
	v15 =	vsel vm6, v23, v11;
	v6 =	vsel vm6, v11, v23  }
0x14a: {  	v11 =	vmax.f32 v3, v10;
	v3 =	vmin.f32 v3, v10;
	v10 =	vsel vm7, v4, v5  }
0x14b: {  	v21 =	vld [tilespmem:s17+$0x5180];
	v4 =	vsel vm7, v5, v4;
	v9 =	vsel vm8, v2, v8;
	v2 =	vsel vm8, v8, v2  }
0x14c: {  	v8 =	vld [tilespmem:s17+$0x5000];
	vm9 =	vgt.f32 v16, v32;
	v18 =	vmax.f32 v32, v16;
	v7 =	vmin.f32 v32, v16  }
0x14d: {  	v16 =	vld [tilespmem:s17+$0x5080];
	vm10 =	vgt.f32 v13, v12;
	v20 =	vmax.f32 v12, v13;
	v12 =	vmin.f32 v12, v13  }
0x14e: {  	vm11 =	vgt.f32 v63, v11;
	v32 =	vld [tilespmem:s17+$0x5200];
	v5 =	vmin.f32 v11, v63;
	vm12 =	vgt.f32 v1, v3  }
0x14f: {  	v23 =	vmax.f32 v3, v1;
	v1 =	vmin.f32 v3, v1;
	v3 =	vld [tilespmem:s17+$0x5300];
	v19 =	vsel vm9, v15, v17  }
0x150: {  	v15 =	vsel vm9, v17, v15;
	v17 =	vld [tilespmem:s17+$0x5100];
	v13 =	vsel vm10, v6, v14;
	v6 =	vsel vm10, v14, v6  }
0x151: {  	v14 =	vmax.f32 v11, v63;
	v11 =	vsel vm11, v9, v10;
	v9 =	vsel vm11, v10, v9;
	v10 =	vld [tilespmem:s17+$0x5280]  }
0x152: {  	v24 =	vsel vm12, v2, v4;
	v63 =	vld [tilespmem:s17+$0x5380]  }
0x153: {  	v2 =	vsel vm12, v4, v2;
	vm13 =	vgt.f32 v16, v8;
	v25 =	vmax.f32 v8, v16  }
0x154: {  	v8 =	vmin.f32 v8, v16;
	v16 =	vsel vm13, $0x29, v57;
	v26 =	vsel vm13, $0x28, v58  }
0x155: {  	vm14 =	vgt.f32 v21, v17;
	v27 =	vmax.f32 v17, v21;
	v17 =	vmin.f32 v17, v21  }
0x156: {  	vm15 =	vgt.f32 v10, v32;
	v29 =	vmax.f32 v32, v10;
	v10 =	vmin.f32 v32, v10  }
0x157: {  	vm4 =	vgt.f32 v63, v3;
	v31 =	vmax.f32 v3, v63;
	v3 =	vmin.f32 v3, v63  }
0x158: {  	v21 =	vsel vm14, $0x2B, v59;
	v28 =	vsel vm14, $0x2A, v60;
	v22 =	vsel vm15, $0x2D, v61  }
0x159: {  	v30 =	vsel vm15, $0x2C, v62;
	v4 =	vsel vm4, $0x2F, v33;
	v32 =	vsel vm4, $0x2E, v34  }
0x15a: {  	vm5 =	vgt.f32 v27, v25;
	v63 =	vmax.f32 v25, v27;
	v25 =	vmin.f32 v25, v27  }
0x15b: {  	vm6 =	vgt.f32 v17, v8;
	vm7 =	vgt.f32 v31, v29;
	vm8 =	vgt.f32 v3, v10  }
0x15c: {  	v27 =	vsel vm5, v21, v16;
	v16 =	vsel vm5, v16, v21;
	v21 =	vmax.f32 v8, v17  }
0x15d: {  	v8 =	vmin.f32 v8, v17;
	v17 =	vsel vm6, v28, v26;
	v26 =	vsel vm6, v26, v28  }
0x15e: {  	v28 =	vmax.f32 v29, v31;
	v29 =	vmin.f32 v29, v31;
	v31 =	vsel vm7, v4, v22  }
0x15f: {  	v4 =	vsel vm7, v22, v4;
	v22 =	vmax.f32 v10, v3;
	v3 =	vmin.f32 v10, v3  }
0x160: {  	v10 =	vsel vm8, v32, v30;
	v30 =	vsel vm8, v30, v32;
	vm9 =	vgt.f32 v25, v21  }
0x161: {  	v32 =	vmax.f32 v21, v25;
	v21 =	vmin.f32 v21, v25;
	vm10 =	vgt.f32 v29, v22  }
0x162: {  	vm11 =	vgt.f32 v28, v63;
	vm14 =	vgt.f32 v3, v8;
	v25 =	vsel vm9, v16, v17  }
0x163: {  	v16 =	vsel vm9, v17, v16;
	v17 =	vmax.f32 v22, v29;
	v22 =	vmin.f32 v22, v29  }
0x164: {  	v29 =	vsel vm10, v4, v10;
	v4 =	vsel vm10, v10, v4;
	v10 =	vmax.f32 v63, v28  }
0x165: {  	v28 =	vmin.f32 v63, v28;
	v63 =	vsel vm11, v31, v27;
	v27 =	vsel vm11, v27, v31  }
0x166: {  	vm12 =	vgt.f32 v17, v32;
	v31 =	vmax.f32 v32, v17;
	v17 =	vmin.f32 v32, v17  }
0x167: {  	vm13 =	vgt.f32 v22, v21;
	v32 =	vsel vm12, v29, v25;
	v25 =	vsel vm12, v25, v29  }
0x168: {  	v29 =	vmax.f32 v21, v22;
	v21 =	vmin.f32 v21, v22;
	v22 =	vsel vm13, v4, v16  }
0x169: {  	v4 =	vsel vm13, v16, v4;
	v16 =	vmax.f32 v8, v3;
	v3 =	vmin.f32 v8, v3  }
0x16a: {  	v8 =	vsel vm14, v30, v26;
	v26 =	vsel vm14, v26, v30;
	vm15 =	vgt.f32 v28, v29  }
0x16b: {  	v30 =	vmax.f32 v29, v28;
	v28 =	vmin.f32 v29, v28;
	vm4 =	vgt.f32 v17, v16  }
0x16c: {  	vm8 =	vgt.f32 v3, v18;
	v29 =	vsel vm15, v27, v22;
	v22 =	vsel vm15, v22, v27  }
0x16d: {  	v27 =	vmax.f32 v16, v17;
	v16 =	vmin.f32 v16, v17;
	v17 =	vsel vm4, v25, v8  }
0x16e: {  	v8 =	vsel vm4, v8, v25;
	vm5 =	vgt.f32 v30, v31;
	v25 =	vmax.f32 v31, v30  }
0x16f: {  	v30 =	vmin.f32 v31, v30;
	v3 =	vsel vm8, v3, v18;
	vm15 =	vgt.f32 v10, v1  }
0x170: {  	v31 =	vsel vm5, v29, v32;
	v29 =	vsel vm5, v32, v29;
	vm6 =	vgt.f32 v28, v27  }
0x171: {  	v32 =	vmax.f32 v27, v28;
	v27 =	vmin.f32 v27, v28;
	vm7 =	vgt.f32 v21, v16  }
0x172: {  	vm13 =	vgt.f32 v30, v5;
	vm14 =	vgt.f32 v25, v23;
	v1 =	vsel vm15, v10, v1  }
0x173: {  	v2 =	vsel vm15, v63, v2;
	v28 =	vsel vm6, v22, v17;
	v17 =	vsel vm6, v17, v22  }
0x174: {  	v22 =	vmax.f32 v16, v21;
	v16 =	vmin.f32 v16, v21;
	v21 =	vsel vm7, v4, v8  }
0x175: {  	v4 =	vsel vm7, v8, v4;
	v8 =	vsel vm8, v26, v19;
	vm11 =	vgt.f32 v27, v12  }
0x176: {  	vm12 =	vgt.f32 v32, v14;
	v5 =	vsel vm13, v30, v5;
	v9 =	vsel vm13, v29, v9  }
0x177: {  	vm9 =	vgt.f32 v16, v7;
	vm10 =	vgt.f32 v22, v20;
	v12 =	vsel vm11, v27, v12  }
0x178: {  	v6 =	vsel vm11, v17, v6;
	v14 =	vsel vm12, v32, v14;
	v11 =	vsel vm12, v28, v11  }
0x179: {  	v17 =	vsel vm14, v31, v24;
	v7 =	vsel vm9, v16, v7;
	v4 =	vsel vm9, v4, v15  }
0x17a: {  	v15 =	vsel vm10, v22, v20;
	v13 =	vsel vm10, v21, v13;
	v16 =	vsel vm14, v25, v23  }
0x17b: {  	vm4 =	vgt.f32 v14, v3;
	v10 =	vmax.f32 v3, v14;
	v3 =	vmin.f32 v3, v14  }
0x17c: {  	vm7 =	vgt.f32 v1, v12;
	v14 =	vsel vm4, v11, v8;
	v8 =	vsel vm4, v8, v11  }
0x17d: {  	vm5 =	vgt.f32 v5, v7;
	v11 =	vmax.f32 v7, v5;
	v5 =	vmin.f32 v7, v5  }
0x17e: {  	vm6 =	vgt.f32 v16, v15;
	v22 =	vsel vm5, v9, v4;
	v4 =	vsel vm5, v4, v9  }
0x17f: {  	v9 =	vmax.f32 v15, v16;
	v15 =	vmin.f32 v15, v16;
	v16 =	vsel vm6, v17, v13  }
0x180: {  	v13 =	vsel vm6, v13, v17;
	v17 =	vmax.f32 v12, v1;
	v1 =	vmin.f32 v12, v1  }
0x181: {  	v12 =	vsel vm7, v2, v6;
	v2 =	vsel vm7, v6, v2;
	vm8 =	vgt.f32 v9, v10  }
0x182: {  	v23 =	vmax.f32 v10, v9;
	v9 =	vmin.f32 v10, v9;
	vm9 =	vgt.f32 v17, v11  }
0x183: {  	vm10 =	vgt.f32 v15, v3;
	vm11 =	vgt.f32 v1, v5;
	v10 =	vsel vm8, v16, v14  }
0x184: {  	v14 =	vsel vm8, v14, v16;
	v16 =	vmax.f32 v11, v17;
	v11 =	vmin.f32 v11, v17  }
0x185: {  	v17 =	vsel vm9, v12, v22;
	v7 =	vsel vm9, v22, v12;
	v12 =	vmax.f32 v3, v15  }
0x186: {  	v3 =	vmin.f32 v3, v15;
	v15 =	vsel vm10, v13, v8;
	v8 =	vsel vm10, v8, v13  }
0x187: {  	v63 =	vld [tilespmem:s17+$0x6100];
	v13 =	vmax.f32 v5, v1;
	v1 =	vmin.f32 v5, v1;
	v5 =	vsel vm11, v2, v4  }
0x188: {  	v19 =	vld [tilespmem:s17+$0x6080];
	v2 =	vsel vm11, v4, v2;
	vm12 =	vgt.f32 v16, v23;
	v18 =	vmax.f32 v23, v16  }
0x189: {  	v32 =	vld [tilespmem:s17+$0x6000];
	v6 =	vmin.f32 v23, v16;
	vm13 =	vgt.f32 v11, v9;
	vm14 =	vgt.f32 v13, v12  }
0x18a: {  	v24 =	vld [tilespmem:s17+$0x6300];
	v21 =	vmax.f32 v12, v13;
	v12 =	vmin.f32 v12, v13;
	vm15 =	vgt.f32 v1, v3  }
0x18b: {  	v13 =	vld [tilespmem:s17+$0x6200];
	v16 =	vsel vm12, v17, v10;
	v10 =	vsel vm12, v10, v17;
	v17 =	vmax.f32 v9, v11  }
0x18c: {  	v9 =	vmin.f32 v9, v11;
	v11 =	vsel vm13, v7, v14;
	v7 =	vsel vm13, v14, v7;
	v14 =	vld [tilespmem:s17+$0x6180]  }
0x18d: {  	v23 =	vmax.f32 v3, v1;
	v22 =	vsel vm14, v5, v15;
	v5 =	vsel vm14, v15, v5;
	v15 =	vld [tilespmem:s17+$0x6280]  }
0x18e: {  	v1 =	vmin.f32 v3, v1;
	v3 =	vsel vm15, v2, v8;
	v2 =	vsel vm15, v8, v2;
	v8 =	vld [tilespmem:s17+$0x6380]  }
0x18f: {  	vm4 =	vgt.f32 v19, v32;
	v25 =	vmax.f32 v32, v19  }
0x190: {  	v4 =	vmin.f32 v32, v19;
	v19 =	vsel vm4, $0x31, v35;
	v26 =	vsel vm4, $0x30, v36  }
0x191: {  	vm5 =	vgt.f32 v14, v63;
	v27 =	vmax.f32 v63, v14;
	v14 =	vmin.f32 v63, v14  }
0x192: {  	vm6 =	vgt.f32 v15, v13;
	v29 =	vmax.f32 v13, v15;
	v13 =	vmin.f32 v13, v15  }
0x193: {  	vm7 =	vgt.f32 v8, v24;
	v31 =	vmax.f32 v24, v8;
	v8 =	vmin.f32 v24, v8  }
0x194: {  	v20 =	vsel vm5, $0x33, v37;
	v28 =	vsel vm5, $0x32, v38;
	v15 =	vsel vm6, $0x35, v39  }
0x195: {  	v30 =	vsel vm6, $0x34, v40;
	v24 =	vsel vm7, $0x37, v41;
	v32 =	vsel vm7, $0x36, v42  }
0x196: {  	vm8 =	vgt.f32 v27, v25;
	v63 =	vmax.f32 v25, v27;
	v25 =	vmin.f32 v25, v27  }
0x197: {  	vm9 =	vgt.f32 v14, v4;
	vm10 =	vgt.f32 v31, v29;
	vm11 =	vgt.f32 v8, v13  }
0x198: {  	v27 =	vsel vm8, v20, v19;
	v19 =	vsel vm8, v19, v20;
	v20 =	vmax.f32 v4, v14  }
0x199: {  	v4 =	vmin.f32 v4, v14;
	v14 =	vsel vm9, v28, v26;
	v26 =	vsel vm9, v26, v28  }
0x19a: {  	v28 =	vmax.f32 v29, v31;
	v29 =	vmin.f32 v29, v31;
	v31 =	vsel vm10, v24, v15  }
0x19b: {  	v15 =	vsel vm10, v15, v24;
	v24 =	vmax.f32 v13, v8;
	v8 =	vmin.f32 v13, v8  }
0x19c: {  	v13 =	vsel vm11, v32, v30;
	v30 =	vsel vm11, v30, v32;
	vm12 =	vgt.f32 v25, v20  }
0x19d: {  	v32 =	vmax.f32 v20, v25;
	v20 =	vmin.f32 v20, v25;
	vm13 =	vgt.f32 v29, v24  }
0x19e: {  	vm14 =	vgt.f32 v28, v63;
	vm5 =	vgt.f32 v8, v4;
	v25 =	vsel vm12, v19, v14  }
0x19f: {  	v14 =	vsel vm12, v14, v19;
	v19 =	vmax.f32 v24, v29;
	v24 =	vmin.f32 v24, v29  }
0x1a0: {  	v29 =	vsel vm13, v15, v13;
	v13 =	vsel vm13, v13, v15;
	v15 =	vmax.f32 v63, v28  }
0x1a1: {  	v28 =	vmin.f32 v63, v28;
	v63 =	vsel vm14, v31, v27;
	v27 =	vsel vm14, v27, v31  }
0x1a2: {  	vm15 =	vgt.f32 v19, v32;
	v31 =	vmax.f32 v32, v19;
	v19 =	vmin.f32 v32, v19  }
0x1a3: {  	vm4 =	vgt.f32 v24, v20;
	v32 =	vsel vm15, v29, v25;
	v25 =	vsel vm15, v25, v29  }
0x1a4: {  	v29 =	vmax.f32 v20, v24;
	v20 =	vmin.f32 v20, v24;
	v24 =	vsel vm4, v13, v14  }
0x1a5: {  	v13 =	vsel vm4, v14, v13;
	v14 =	vmax.f32 v4, v8;
	v4 =	vmin.f32 v4, v8  }
0x1a6: {  	v8 =	vsel vm5, v30, v26;
	v26 =	vsel vm5, v26, v30;
	vm6 =	vgt.f32 v28, v29  }
0x1a7: {  	v30 =	vmax.f32 v29, v28;
	v28 =	vmin.f32 v29, v28;
	vm7 =	vgt.f32 v19, v14  }
0x1a8: {  	vm11 =	vgt.f32 v4, v18;
	v29 =	vsel vm6, v27, v24;
	v24 =	vsel vm6, v24, v27  }
0x1a9: {  	v27 =	vmax.f32 v14, v19;
	v14 =	vmin.f32 v14, v19;
	v19 =	vsel vm7, v25, v8  }
0x1aa: {  	v8 =	vsel vm7, v8, v25;
	vm8 =	vgt.f32 v30, v31;
	v25 =	vmax.f32 v31, v30  }
0x1ab: {  	v30 =	vmin.f32 v31, v30;
	v4 =	vsel vm11, v4, v18;
	vm6 =	vgt.f32 v15, v1  }
0x1ac: {  	v31 =	vsel vm8, v29, v32;
	v29 =	vsel vm8, v32, v29;
	vm9 =	vgt.f32 v28, v27  }
0x1ad: {  	v32 =	vmax.f32 v27, v28;
	v27 =	vmin.f32 v27, v28;
	vm10 =	vgt.f32 v20, v14  }
0x1ae: {  	vm4 =	vgt.f32 v30, v12;
	vm5 =	vgt.f32 v25, v23;
	v1 =	vsel vm6, v15, v1  }
0x1af: {  	v2 =	vsel vm6, v63, v2;
	v28 =	vsel vm9, v24, v19;
	v19 =	vsel vm9, v19, v24  }
0x1b0: {  	v24 =	vmax.f32 v14, v20;
	v14 =	vmin.f32 v14, v20;
	v20 =	vsel vm10, v13, v8  }
0x1b1: {  	v8 =	vsel vm10, v8, v13;
	v13 =	vsel vm11, v26, v16;
	vm14 =	vgt.f32 v27, v9  }
0x1b2: {  	vm15 =	vgt.f32 v32, v21;
	v12 =	vsel vm4, v30, v12;
	v5 =	vsel vm4, v29, v5  }
0x1b3: {  	v3 =	vsel vm5, v31, v3;
	vm12 =	vgt.f32 v14, v6;
	vm13 =	vgt.f32 v24, v17  }
0x1b4: {  	v9 =	vsel vm14, v27, v9;
	v7 =	vsel vm14, v19, v7;
	v16 =	vsel vm15, v28, v22  }
0x1b5: {  	v6 =	vsel vm12, v14, v6;
	v8 =	vsel vm12, v8, v10;
	v10 =	vsel vm13, v24, v17  }
0x1b6: {  	v11 =	vsel vm13, v20, v11;
	v14 =	vsel vm15, v32, v21;
	v17 =	vsel vm5, v25, v23  }
0x1b7: {  	vm10 =	vgt.f32 v1, v9;
	vm7 =	vgt.f32 v14, v4;
	v15 =	vmax.f32 v4, v14  }
0x1b8: {  	v4 =	vmin.f32 v4, v14;
	vm8 =	vgt.f32 v12, v6;
	vm9 =	vgt.f32 v17, v10  }
0x1b9: {  	v14 =	vsel vm7, v16, v13;
	v13 =	vsel vm7, v13, v16;
	v16 =	vmax.f32 v6, v12  }
0x1ba: {  	v6 =	vmin.f32 v6, v12;
	v12 =	vsel vm8, v5, v8;
	v5 =	vsel vm8, v8, v5  }
0x1bb: {  	v8 =	vmax.f32 v10, v17;
	v10 =	vmin.f32 v10, v17;
	v17 =	vsel vm9, v3, v11  }
0x1bc: {  	v3 =	vsel vm9, v11, v3;
	v11 =	vmax.f32 v9, v1;
	v1 =	vmin.f32 v9, v1  }
0x1bd: {  	v9 =	vsel vm10, v2, v7;
	v2 =	vsel vm10, v7, v2;
	vm11 =	vgt.f32 v8, v15  }
0x1be: {  	v23 =	vmax.f32 v15, v8;
	v8 =	vmin.f32 v15, v8;
	vm12 =	vgt.f32 v11, v16  }
0x1bf: {  	vm13 =	vgt.f32 v10, v4;
	vm14 =	vgt.f32 v1, v6;
	v15 =	vsel vm11, v17, v14  }
0x1c0: {  	v14 =	vsel vm11, v14, v17;
	v17 =	vmax.f32 v16, v11;
	v11 =	vmin.f32 v16, v11  }
0x1c1: {  	v16 =	vsel vm12, v9, v12;
	v9 =	vsel vm12, v12, v9;
	v12 =	vmax.f32 v4, v10  }
0x1c2: {  	v4 =	vmin.f32 v4, v10;
	v10 =	vsel vm13, v3, v13;
	v3 =	vsel vm13, v13, v3  }
0x1c3: {  	v18 =	vld [tilespmem:s17+$0x7000];
	v13 =	vmax.f32 v6, v1;
	v1 =	vmin.f32 v6, v1;
	v32 =	vsel vm14, v2, v5  }
0x1c4: {  	v63 =	vld [tilespmem:s17+$0x7200];
	v2 =	vsel vm14, v5, v2;
	vm15 =	vgt.f32 v17, v23;
	v5 =	vmax.f32 v23, v17  }
0x1c5: {  	v24 =	vld [tilespmem:s17+$0x7380];
	v7 =	vmin.f32 v23, v17;
	vm4 =	vgt.f32 v11, v8;
	v19 =	vmax.f32 v8, v11  }
0x1c6: {  	v8 =	vmin.f32 v8, v11;
	v11 =	vld [tilespmem:s17+$0x7100];
	vm5 =	vgt.f32 v13, v12;
	v21 =	vmax.f32 v12, v13  }
0x1c7: {  	v12 =	vmin.f32 v12, v13;
	v17 =	vsel vm15, v16, v15;
	v15 =	vsel vm15, v15, v16;
	v16 =	vld [tilespmem:s17+$0x7080]  }
0x1c8: {  	vm6 =	vgt.f32 v1, v4;
	v20 =	vsel vm4, v9, v14;
	v9 =	vsel vm4, v14, v9;
	v14 =	vld [tilespmem:s17+$0x7180]  }
0x1c9: {  	v13 =	vsel vm5, v32, v10;
	v6 =	vsel vm5, v10, v32;
	v10 =	vmax.f32 v4, v1;
	v32 =	vld [tilespmem:s17+$0x7280]  }
0x1ca: {  	v1 =	vmin.f32 v4, v1;
	v4 =	vsel vm6, v2, v3;
	v2 =	vsel vm6, v3, v2;
	v3 =	vld [tilespmem:s17+$0x7300];
	_ =	sdelay $0x1  }
0x1cb: {  	vm7 =	vgt.f32 v16, v18  }
0x1cc: {  	v25 =	vmax.f32 v18, v16;
	v16 =	vmin.f32 v18, v16;
	vm8 =	vgt.f32 v14, v11  }
0x1cd: {  	v27 =	vmax.f32 v11, v14;
	v11 =	vmin.f32 v11, v14;
	vm9 =	vgt.f32 v32, v63  }
0x1ce: {  	v29 =	vmax.f32 v63, v32;
	v22 =	vmin.f32 v63, v32;
	vm10 =	vgt.f32 v24, v3  }
0x1cf: {  	v31 =	vmax.f32 v3, v24;
	v3 =	vmin.f32 v3, v24;
	v18 =	vsel vm7, $0x39, v43  }
0x1d0: {  	v26 =	vsel vm7, $0x38, v44;
	v14 =	vsel vm8, $0x3B, v45;
	v28 =	vsel vm8, $0x3A, v46  }
0x1d1: {  	v23 =	vsel vm9, $0x3D, v47;
	v30 =	vsel vm9, $0x3C, v48;
	v24 =	vsel vm10, $0x3F, v49  }
0x1d2: {  	v32 =	vsel vm10, $0x3E, v50;
	vm11 =	vgt.f32 v27, v25;
	v63 =	vmax.f32 v25, v27  }
0x1d3: {  	v25 =	vmin.f32 v25, v27;
	vm12 =	vgt.f32 v11, v16;
	vm13 =	vgt.f32 v31, v29  }
0x1d4: {  	vm14 =	vgt.f32 v3, v22;
	v27 =	vsel vm11, v14, v18;
	v14 =	vsel vm11, v18, v14  }
0x1d5: {  	v18 =	vmax.f32 v16, v11;
	v11 =	vmin.f32 v16, v11;
	v16 =	vsel vm12, v28, v26  }
0x1d6: {  	v26 =	vsel vm12, v26, v28;
	v28 =	vmax.f32 v29, v31;
	v29 =	vmin.f32 v29, v31  }
0x1d7: {  	v31 =	vsel vm13, v24, v23;
	v23 =	vsel vm13, v23, v24;
	v24 =	vmax.f32 v22, v3  }
0x1d8: {  	v3 =	vmin.f32 v22, v3;
	v22 =	vsel vm14, v32, v30;
	v30 =	vsel vm14, v30, v32  }
0x1d9: {  	vm15 =	vgt.f32 v25, v18;
	v32 =	vmax.f32 v18, v25;
	v18 =	vmin.f32 v18, v25  }
0x1da: {  	vm4 =	vgt.f32 v29, v24;
	vm5 =	vgt.f32 v28, v63;
	vm8 =	vgt.f32 v3, v11  }
0x1db: {  	v25 =	vsel vm15, v14, v16;
	v14 =	vsel vm15, v16, v14;
	v16 =	vmax.f32 v24, v29  }
0x1dc: {  	v24 =	vmin.f32 v24, v29;
	v29 =	vsel vm4, v23, v22;
	v22 =	vsel vm4, v22, v23  }
0x1dd: {  	v23 =	vmax.f32 v63, v28;
	v28 =	vmin.f32 v63, v28;
	v63 =	vsel vm5, v31, v27  }
0x1de: {  	v27 =	vsel vm5, v27, v31;
	vm6 =	vgt.f32 v16, v32;
	v31 =	vmax.f32 v32, v16  }
0x1df: {  	v16 =	vmin.f32 v32, v16;
	vm7 =	vgt.f32 v24, v18;
	v32 =	vsel vm6, v29, v25  }
0x1e0: {  	v25 =	vsel vm6, v25, v29;
	v29 =	vmax.f32 v18, v24;
	v18 =	vmin.f32 v18, v24  }
0x1e1: {  	v24 =	vsel vm7, v22, v14;
	v14 =	vsel vm7, v14, v22;
	v22 =	vmax.f32 v11, v3  }
0x1e2: {  	v3 =	vmin.f32 v11, v3;
	v11 =	vsel vm8, v30, v26;
	v26 =	vsel vm8, v26, v30  }
0x1e3: {  	vm9 =	vgt.f32 v28, v29;
	v30 =	vmax.f32 v29, v28;
	v28 =	vmin.f32 v29, v28  }
0x1e4: {  	vm10 =	vgt.f32 v16, v22;
	vm14 =	vgt.f32 v3, v5;
	v29 =	vsel vm9, v27, v24  }
0x1e5: {  	v24 =	vsel vm9, v24, v27;
	v27 =	vmax.f32 v22, v16;
	v16 =	vmin.f32 v22, v16  }
0x1e6: {  	v22 =	vsel vm10, v25, v11;
	v11 =	vsel vm10, v11, v25;
	vm11 =	vgt.f32 v30, v31  }
0x1e7: {  	v25 =	vmax.f32 v31, v30;
	v30 =	vmin.f32 v31, v30;
	v3 =	vsel vm14, v3, v5  }
0x1e8: {  	v5 =	vsel vm14, v26, v17;
	vm9 =	vgt.f32 v23, v1;
	v31 =	vsel vm11, v29, v32  }
0x1e9: {  	v29 =	vsel vm11, v32, v29;
	vm12 =	vgt.f32 v28, v27;
	v32 =	vmax.f32 v27, v28  }
0x1ea: {  	v27 =	vmin.f32 v27, v28;
	vm13 =	vgt.f32 v18, v16;
	vm7 =	vgt.f32 v30, v12  }
0x1eb: {  	vm8 =	vgt.f32 v25, v10;
	v1 =	vsel vm9, v23, v1;
	v28 =	vsel vm12, v24, v22  }
0x1ec: {  	v22 =	vsel vm12, v22, v24;
	v24 =	vmax.f32 v16, v18;
	v16 =	vmin.f32 v16, v18  }
0x1ed: {  	v18 =	vsel vm13, v14, v11;
	v11 =	vsel vm13, v11, v14;
	vm5 =	vgt.f32 v27, v8  }
0x1ee: {  	vm6 =	vgt.f32 v32, v21;
	v12 =	vsel vm7, v30, v12;
	v10 =	vsel vm8, v25, v10  }
0x1ef: {  	vm15 =	vgt.f32 v16, v7;
	vm4 =	vgt.f32 v24, v19;
	v8 =	vsel vm5, v27, v8  }
0x1f0: {  	v7 =	vsel vm15, v16, v7;
	v11 =	vsel vm15, v11, v15;
	v14 =	vsel vm4, v24, v19  }
0x1f1: {  	v15 =	vsel vm4, v18, v20;
	v16 =	vsel vm6, v32, v21;
	v20 =	vmax.f32 v8, v1  }
0x1f2: {  	v17 =	vmax.f32 v3, v16;
	v18 =	vmax.f32 v7, v12;
	v19 =	vmax.f32 v14, v10  }
0x1f3: {  	v9 =	vsel vm5, v22, v9;
	v21 =	vmax.f32 v17, v19;
	v22 =	vmax.f32 v18, v20  }
0x1f4: {  	v2 =	vsel vm9, v63, v2;
	v6 =	vsel vm7, v29, v6;
	v63 =	vmax.f32 v21, v22  }
0x1f5: {  	vm11 =	vgt.f32 v12, v7;
	v7 =	vmin.f32 v7, v12;
	v12 =	vmul.f32 $1.442695020e+00, v63  }
0x1f6: {  	v4 =	vsel vm8, v31, v4;
	v24 =	vmin.f32 v17, v19;
	v25 =	vmin.f32 v21, v22  }
0x1f7: {  	v26 =	vmin.f32 v18, v20;
	(erf) = vpow2.f32 v12;
	v12 =	vmul.f32 $1.442695020e+00, v25  }
0x1f8: {  	vm2 =	vgt.f32 v10, v14;
	v10 =	vmin.f32 v14, v10;
	v14 =	vmax.f32 v24, v26  }
0x1f9: {  	v13 =	vsel vm6, v28, v13;
	(erf) = vpow2.f32 v12;
	v12 =	vmul.f32 $1.442695020e+00, v14  }
0x1fa: {  	vm3 =	vgt.f32 v1, v8;
	vm10 =	vgt.f32 v16, v3;
	v3 =	vmin.f32 v3, v16  }
0x1fb: {  	v16 =	vsel vm10, v13, v5;
	v23 =	vsel vm11, v6, v11;
	(erf) = vpow2.f32 v12  }
0x1fc: {  	v27 =	vmax.f32 v3, v10;
	v28 =	vmin.f32 v24, v26;
	v14 =	vmin.f32 v8, v1  }
0x1fd: {  	vm5 =	vgt.f32 v19, v17;
	v28 =	vmul.f32 $1.442695020e+00, v28;
	v12 =	vmax.f32 v7, v14  }
0x1fe: {  	vm6 =	vgt.f32 v20, v18;
	v17 =	vmin.f32 v3, v10;
	v8 =	vld [tilespmem:s14+$0x0];
	v1 =	vmax.f32 v27, v12  }
0x1ff: {  	vm4 =	vgt.f32 v10, v3;
	(erf) = vpow2.f32 v28;
	v1 =	vmul.f32 $1.442695020e+00, v1  }
0x200: {  	vm7 =	vgt.f32 v22, v21;
	vm12 =	vgt.f32 v26, v24;
	v25 =	vsel vm2, v4, v15  }
0x201: {  	v22 =	vsel vm5, v25, v16;
	v19 =	vmin.f32 v27, v12;
	(erf) = vpow2.f32 v1  }
0x202: {  	v10 =	vsel vm5, v16, v25;
	v18 =	vmin.f32 v7, v14;
	v1 =	vmul.f32 $1.442695020e+00, v19;
	v63 =	vpop (erf)  }
0x203: {  	v20 =	vmax.f32 v17, v18;
	v19 =	vsel vm3, v2, v9;
	v21 =	vmul.f32 v63, v8;
	v28 =	vpop (erf)  }
0x204: {  	v20 =	vmul.f32 $1.442695020e+00, v20;
	(erf) = vpow2.f32 v1;
	v1 =	vsel vm6, v19, v23;
	v3 =	vpop (erf)  }
0x205: {  	v63 =	vsel vm7, v1, v22;
	v1 =	vsel vm7, v22, v1;
	[tilespmem:s17+$0x8200] =	vst v21;
	v3 =	vmul.f32 v3, v8  }
0x206: {  	v16 =	vsel vm6, v23, v19;
	(erf) = vpow2.f32 v20;
	v20 =	vmin.f32 v17, v18;
	[tilespmem:s17+$0x9200] =	vst v63  }
0x207: {  	v28 =	vmul.f32 v28, v8;
	v20 =	vmul.f32 $1.442695020e+00, v20;
	[tilespmem:s17+$0x8300] =	vst v3;
	v3 =	vsel vm12, v16, v10  }
0x208: {  	[tilespmem:s17+$0x9280] =	vst v1;
	v1 =	vpop (erf)  }
0x209: {  	v5 =	vsel vm10, v5, v13;
	[tilespmem:s17+$0x8280] =	vst v28;
	(erf) = vpow2.f32 v20;
	v1 =	vmul.f32 v1, v8  }
0x20a: {  	v6 =	vsel vm11, v11, v6;
	v4 =	vsel vm2, v15, v4;
	vm13 =	vgt.f32 v14, v7;
	[tilespmem:s17+$0x9300] =	vst v3;
	v3 =	vpop (erf)  }
0x20b: {  	v2 =	vsel vm3, v9, v2;
	v21 =	vsel vm12, v10, v16;
	[tilespmem:s19+$0x8200] =	vst v1;
	v1 =	vmul.f32 v3, v8  }
0x20c: {  	vm14 =	vgt.f32 v12, v27;
	v9 =	vsel vm4, v4, v5;
	v22 =	vsel vm13, v2, v6;
	[tilespmem:s19+$0x9200] =	vst v21  }
0x20d: {  	v3 =	vpop (erf);
	[tilespmem:s17+$0x8400] =	vst v1;
	v1 =	vsel vm14, v22, v9  }
0x20e: {  	v30 =	vimm.s32 $0xD;
	v3 =	vmul.f32 v3, v8  }
0x20f: {  	v29 =	vimm.s32 $0xC;
	v31 =	vimm.s32 $0xE;
	vm15 =	vgt.f32 v18, v17;
	[tilespmem:s17+$0x9400] =	vst v1  }
0x210: {  	p0 =	sne.s32 s16, $0x1F0;
	v2 =	vsel vm13, v6, v2;
	v7 =	vsel vm14, v9, v22;
	[tilespmem:s17+$0x8480] =	vst v3;
	v3 =	vsel vm4, v5, v4;
	v1 =	vpop (erf)  }
.Ltmp0:
0x211: {  	v32 =	vimm.s32 $0xF;
	[tilespmem:s17+$0x9480] =	vst v7;
	v63 =	vsel vm15, v2, v3;
	v1 =	vmul.f32 v1, v8;
	(pc) =	sbr.rel @p0 .LBB2_2-.Ltmp0, $4  }
0x212: {  	v13 =	vimm.s32 $0x4;
	v11 =	vimm.s32 $0x2;
	v26 =	vimm.s32 $0x9;
	[tilespmem:s17+$0x9500] =	vst v63;
	v23 =	vpop (erf)  }
0x213: {  	v15 =	vimm.s32 $0x6;
	v2 =	vsel vm15, v3, v2;
	[tilespmem:s17+$0x8500] =	vst v1;
	v1 =	vmul.f32 v23, v8  }
0x214: {  	v25 =	vimm.s32 $0x8;
	v14 =	vimm.s32 $0x5;
	v27 =	vimm.s32 $0xA;
	[tilespmem:s18+$0x9200] =	vst v2  }
0x215: {  	s15 =	sadd.s32 $0x80, s15;
	s16 =	sadd.s32 $0x10, s16;
	s14 =	sadd.s32 $0x10, s14;
	v12 =	vimm.s32 $0x3;
	v28 =	vimm.s32 $0xB;
	v16 =	vimm.s32 $0x7;
	[tilespmem:s18+$0x8200] =	vst v1  }
0x216: {  	[hbm4b:s5+s2] =	stream.linear.scatter [tilespmem:s11], [sflag:$0x1], $0x1000, $0x38;
	[tilespmem:$0xA200] =	vst v63  }
0x217: {  	s13 =	sadd.s32 $0x1, s13;
	_ =	swait.ge [sflag:s10], $0x1000  }
0x218: {  	p0 =	sne.s32 s13, s7;
	[sflag:s10] =	ssyncset.done $0x0  }
.Ltmp1:
0x219: {  	[sflag:s10] =	ssyncadd.s32 $0xFFFFF000;
	(pc) =	sbr.rel @p0 .LBB2_1-.Ltmp1, $4  }
0x21a: {  	[hbm4b:s6+s2] =	stream.linear.scatter [tilespmem:s12], [sflag:$0x1], $0x1000, $0x38;
	[tilespmem:$0xA200] =	vst v63  }
0x21b: {  	_ =	swait.ge [sflag:s10], $0x1000  }
0x21c: {  	[sflag:s10] =	ssyncset.done $0x0  }
0x21d: {  	[sflag:s10] =	ssyncadd.s32 $0xFFFFF000  }
0x21e: {  	_ =	sfence.sel $0x180000  }
0x21f: {  	[bflag:$0x0] =	sbarrier.arrive $0xFFFF  }
0x220: {  	p0 =	sne.s32 s1, $0x0;
	_ =	strace $0x90000047  }
0x221: {  	s0 =	sadd.s32 @!p0 $0x100000, s0;
	[bflag:$0x2] =	sbarrier.arrive $0xFFFF  }
0x222: {  	[sflag:s0] =	ssyncadd.tile.s32 @!p0 $0x1;
	_ =	shalt  }
.Lfunc_end2:
_tile_overlayer_lowered:
.L_overlay_start_2:
0x223: {  	(tag) =	ssettag $0x2  }
0x224: {  	s0 =	rddreg [dreg:$0x0];
	s2 =	stileid.u32  }
0x225: {  	s1 =	rddreg [dreg:$0x1];
	p0 =	sne.s32 s2, $0x0  }
0x226: {  	s3 =	rddreg [dreg:$0x2];
	[bflag:$0x3] =	sbarrier.arrive $0xFFFF;
	s2 =	simm.s32 @!p0 $0x1C01  }
0x227: {  	[timem:s3], [sflag:s2] =	dma.local @!p0 [hbm:s0], s1  }
0x228: {  	s0 =	simm.s32 @!p0 $0x1  }
0x229: {  	_ =	swait.ge @!p0 [sflag:s0], s1  }
0x22a: {  	s1 =	ssub.s32 @!p0 $0x0, s1;
	[sflag:s0] =	ssyncset.done @!p0 $0x0  }
0x22b: {  	[sflag:s0] =	ssyncadd.s32 @!p0 s1  }
0x22c: {  	[bflag:$0x3] =	sbarrier.arrive $0xFFFF  }
0x22d: {  	_ =	shalt  }

</sc_bundles>
